<compile_context>
chip_gen: v7x
topology: tpu7x:2x2x1
jax: 0.10.2.dev20260603
libtpu: 0.0.44.dev20260713+nightly
codegen_flags: <defaults>
</compile_context>

<pallas_src>
import functools

import jax
import jax.numpy as jnp
import numpy as np
from jax import lax
from jax.experimental import pallas as pl
from jax.experimental.pallas import tpu as pltpu
from jax.experimental.pallas import tpu_sc as plsc

_B = 8
_N = 4096
_C = 768
_NPW = 8
_PATCH = 8
_W = 64
_NSLOT = 48
_NUM_KEEP = 44
_NOUT = 3072
_ROWS = _B * _NOUT
_NTILES = 32
_RPT = _ROWS // _NTILES
_CHUNK = 64
_NCHUNK = _RPT // _CHUNK


_NPATCH = 64
_H = 64


def _pool_matrix() -> np.ndarray:
    t = np.arange(_N)
    patch_id = (t // (_PATCH * _W)) * _NPW + (t % _W) // _PATCH
    return (patch_id[None, :] == np.arange(_NPATCH)[:, None]).astype(np.float32)


def _score_body(tok_ref, w1_ref, b1_ref, w2_ref, b2_ref, pt_ref, idx_ref):
    prec = jax.lax.Precision.DEFAULT
    tok = tok_ref[0]
    h = jnp.dot(tok, w1_ref[...], precision=prec,
                preferred_element_type=jnp.float32) + b1_ref[...]
    h = jax.nn.gelu(h)
    s = jnp.dot(h, w2_ref[...], precision=prec,
                preferred_element_type=jnp.float32) + b2_ref[...]
    s = jax.nn.sigmoid(s)
    imp_col = jnp.dot(pt_ref[...], s, precision=jax.lax.Precision.HIGHEST,
                      preferred_element_type=jnp.float32)

    ii = jax.lax.broadcasted_iota(jnp.int32, (_NPATCH, _NPATCH), 0)
    jj = jax.lax.broadcasted_iota(jnp.int32, (_NPATCH, _NPATCH), 1)
    eye = (ii == jj).astype(jnp.float32)
    imp_row = jnp.sum(eye * imp_col, axis=0, keepdims=True)

    gt = (imp_row > imp_col) | ((imp_row == imp_col) & (jj < ii))
    rank = jnp.sum(gt.astype(jnp.float32), axis=1, keepdims=True)
    keep = rank < float(_NUM_KEEP)
    ltri = (jj <= ii).astype(jnp.float32)
    pos = jnp.dot(ltri, keep.astype(jnp.float32),
                  preferred_element_type=jnp.float32) - 1.0

    kk = jax.lax.broadcasted_iota(jnp.int32, (_NPATCH, _NSLOT), 1).astype(jnp.float32)
    ids = jax.lax.broadcasted_iota(jnp.int32, (_NPATCH, _NSLOT), 0).astype(jnp.float32)
    onehot = keep & (pos == kk)
    top = jnp.sum(jnp.where(onehot, ids, 0.0), axis=0, keepdims=True)
    idx_ref[0] = top.astype(jnp.int32)


def _score_topk(tokens, W1, b1, W2, b2):
    Bsz, N, Ch = tokens.shape
    pt = jnp.asarray(_pool_matrix())
    idx = pl.pallas_call(
        _score_body,
        grid=(Bsz,),
        in_specs=[
            pl.BlockSpec((1, N, Ch), lambda b: (b, 0, 0)),
            pl.BlockSpec((Ch, W1.shape[1]), lambda b: (0, 0)),
            pl.BlockSpec((1, W1.shape[1]), lambda b: (0, 0)),
            pl.BlockSpec((W1.shape[1], 1), lambda b: (0, 0)),
            pl.BlockSpec((1, 1), lambda b: (0, 0)),
            pl.BlockSpec((_NPATCH, N), lambda b: (0, 0)),
        ],
        out_specs=pl.BlockSpec((1, 1, _NSLOT), lambda b: (b, 0, 0)),
        out_shape=jax.ShapeDtypeStruct((Bsz, 1, _NSLOT), jnp.int32),
    )(tokens, W1, b1.reshape(1, -1), W2, b2.reshape(1, 1), pt)
    return idx.reshape(Bsz, _NSLOT)


def _expand_indices(idx48):
    t = jnp.arange(_NOUT, dtype=jnp.int32)
    kr = t // (_PATCH * _W)
    i = (t // _W) % _PATCH
    kc = (t % _W) // _PATCH
    j = t % _PATCH
    slot = kr * _NPW + kc
    p = idx48[:, slot]
    src = (p // _NPW) * (_PATCH * _W) + (p % _NPW) * _PATCH + i * _W + j
    src = src + jnp.arange(_B, dtype=jnp.int32)[:, None] * _N
    return src.reshape(_ROWS)


def _sc_gather(tok_flat, src_idx):
    mesh = plsc.VectorSubcoreMesh(core_axis_name="c", subcore_axis_name="s")

    @functools.partial(
        pl.kernel,
        mesh=mesh,
        out_type=jax.ShapeDtypeStruct((_ROWS, _C), jnp.float32),
        scratch_types=[
            pltpu.VMEM((_RPT,), jnp.int32),
            pltpu.VMEM((_CHUNK, _C), jnp.float32),
            pltpu.VMEM((_CHUNK // 2, _C), jnp.float32),
            pltpu.SemaphoreType.DMA,
        ],
    )
    def k(tok_hbm, idx_hbm, out_hbm, idx_v, buf, zbuf, sem):
        wid = lax.axis_index("s") * 2 + lax.axis_index("c")
        base = wid * _RPT
        pltpu.sync_copy(idx_hbm.at[pl.ds(base, _RPT)], idx_v)
        is_pad_tile = (wid % 4) == 3

        @pl.when(jnp.logical_not(is_pad_tile))
        def _full():
            for c in range(_NCHUNK):
                pltpu.async_copy(
                    tok_hbm.at[idx_v.at[pl.ds(c * _CHUNK, _CHUNK)]],
                    buf, sem).wait()
                pltpu.sync_copy(buf,
                                out_hbm.at[pl.ds(base + c * _CHUNK, _CHUNK)])

        @pl.when(is_pad_tile)
        def _padded():
            def _zero_row(r, _):
                def _zero_lane(cc, __):
                    zbuf[r, pl.ds(cc * 16, 16)] = jnp.zeros((16,), jnp.float32)
                    return __
                return lax.fori_loop(0, _C // 16, _zero_lane, _)
            lax.fori_loop(0, _CHUNK // 2, _zero_row, 0)

            for c in range(4):
                pltpu.async_copy(
                    tok_hbm.at[idx_v.at[pl.ds(c * _CHUNK, _CHUNK)]],
                    buf, sem).wait()
                pltpu.sync_copy(buf,
                                out_hbm.at[pl.ds(base + c * _CHUNK, _CHUNK)])
            for c in range(4, _NCHUNK):
                half = _CHUNK // 2
                pltpu.async_copy(
                    tok_hbm.at[idx_v.at[pl.ds(c * _CHUNK, half)]],
                    buf.at[pl.ds(0, half)], sem).wait()
                pltpu.sync_copy(buf.at[pl.ds(0, half)],
                                out_hbm.at[pl.ds(base + c * _CHUNK, half)])
                pltpu.sync_copy(zbuf,
                                out_hbm.at[pl.ds(base + c * _CHUNK + half,
                                                 half)])

    return k(tok_flat, src_idx)


@jax.jit
def kernel(tokens, spatial_shape, W1, b1, W2, b2):
    Bsz, N, Ch = tokens.shape
    idx48 = _score_topk(tokens, W1, b1, W2, b2)
    src = _expand_indices(idx48)
    tok_flat = tokens.reshape(Bsz * N, Ch)
    out = _sc_gather(tok_flat, src)
    return out.reshape(Bsz, _NOUT, Ch)

# --- scband reference (transcript-rebuilt; emitter-appended) ---
"""Pipeline reference for scband-patch-level-pruner-8641474200510 (READ-ONLY COPY).

The authoritative reference and input builder live on the scoring server;
editing this copy changes nothing except your own understanding.
"""

import jax, jax.numpy as jnp
import numpy as np

B = 8
H = 64
W = 64
C = 768
PATCH = 8
KEEP_RATIO = 0.7
MIN_PATCHES = 10


def _importance(tok, W1, b1, W2, b2):
    # LearnableImportancePredictor: Linear -> GELU -> Linear -> sigmoid, per-token scalar
    h = jax.nn.gelu(tok @ W1 + b1)
    s = jax.nn.sigmoid(h @ W2 + b2)
    return s[..., 0]


def setup_inputs(seed: int = 0) -> dict:
    key = jax.random.key(seed)
    k1, k2, k3 = jax.random.split(key, 3)
    tokens = jax.random.normal(k1, (B, H * W, C), dtype=jnp.float32)
    hid = C // 4
    W1 = jax.random.normal(k2, (C, hid), dtype=jnp.float32) * (1.0 / np.sqrt(C))
    b1 = jnp.zeros((hid,), dtype=jnp.float32)
    W2 = jax.random.normal(k3, (hid, 1), dtype=jnp.float32) * (1.0 / np.sqrt(hid))
    b2 = jnp.zeros((1,), dtype=jnp.float32)
    return {"tokens": tokens, "spatial_shape": (H, W), "W1": W1, "b1": b1, "W2": W2, "b2": b2}


def reference(tokens, spatial_shape, W1, b1, W2, b2):
    Hs, Ws = H, W
    sp_zero = ((jnp.asarray(spatial_shape[0]) - Hs) + (jnp.asarray(spatial_shape[1]) - Ws)) * 0
    Bsz, N, Ch = tokens.shape
    assert Hs * Ws == N
    ph = min(PATCH, Hs)
    pw = min(PATCH, Ws)
    nph = (Hs + ph - 1) // ph
    npw = (Ws + pw - 1) // pw
    npatch = nph * npw
    # H, W divisible by patch here -> no padding branch
    tokens_2d = tokens.reshape(Bsz, Hs, Ws, Ch)
    # extract non-overlapping patches, ordered (patch_row, patch_col), tokens row-major inside patch
    patches = tokens_2d.reshape(Bsz, nph, ph, npw, pw, Ch)
    patches = patches.transpose(0, 1, 3, 2, 4, 5).reshape(Bsz, npatch, ph * pw, Ch)
    # per-token importance -> per-patch mean importance
    tok_imp = _importance(patches, W1, b1, W2, b2)      # [B, npatch, ph*pw]
    patch_imp = tok_imp.mean(axis=-1)                    # [B, npatch]
    # pruning enabled, fully ramped: current ratio == keep_ratio
    num_keep = max(MIN_PATCHES, int(npatch * KEEP_RATIO))
    _, top_idx = jax.lax.top_k(patch_imp, num_keep)
    top_sorted = jnp.sort(top_idx, axis=-1)              # [B, num_keep]
    top_sorted = top_sorted + sp_zero.astype(top_sorted.dtype)
    nkh = (num_keep + npw - 1) // npw
    nkw = min(num_keep, npw)
    kept = jnp.take_along_axis(patches, top_sorted[:, :, None, None], axis=1)  # [B, num_keep, ph*pw, Ch]
    pad = nkh * nkw - num_keep
    if pad > 0:
        kept = jnp.concatenate([kept, jnp.zeros((Bsz, pad, ph * pw, Ch), kept.dtype)], axis=1)
    grid = kept.reshape(Bsz, nkh, nkw, ph, pw, Ch)
    grid = grid.transpose(0, 1, 3, 2, 4, 5).reshape(Bsz, nkh * ph, nkw * pw, Ch)
    pruned_tokens = grid.reshape(Bsz, nkh * ph * nkw * pw, Ch)
    return pruned_tokens

if __name__ == "__main__":
    import jax
    _d = setup_inputs()
    print(jax.jit(kernel)(*tuple(_d.values())))

</pallas_src>

<mosaic_0001>
#map = affine_map<(d0, d1) -> (0, 0)>
#map1 = affine_map<(d0, d1) -> (0)>
module attributes {stable_mosaic.version = 14 : i64} {
  func.func @k(%arg0: i32, %arg1: i32, %arg2: memref<32768x768xf32, #tpu.memory_space<hbm>>, %arg3: memref<24576xi32, #tpu.memory_space<hbm>>, %arg4: memref<24576x768xf32, #tpu.memory_space<hbm>>, %arg5: memref<768xi32, #tpu.memory_space<vmem>>, %arg6: memref<64x768xf32, #tpu.memory_space<vmem>>, %arg7: memref<32x768xf32, #tpu.memory_space<vmem>>, %arg8: memref<!tpu.dma_semaphore, #tpu.memory_space<semaphore_mem>>) attributes {dimension_semantics = [#tpu.dimension_semantics<core_parallel>, #tpu.dimension_semantics<subcore_parallel>], iteration_bounds = array<i64: 2, 16>, scalar_prefetch = 0 : i64, scratch_operands = 4 : i64, tpu.core_type = #tpu.core_type<sc_vector_subcore>, window_params = [{transform_indices = #map}, {transform_indices = #map1}, {transform_indices = #map}]} {
    %mul3A = arith.constant 2 : i32
    %mul3A_0 = arith.muli %arg1, %mul3A : i32
    %add3A = arith.addi %mul3A_0, %arg0 : i32
    %mul3A_1 = arith.constant 768 : i32
    %mul3A_2 = arith.muli %add3A, %mul3A_1 : i32
    "tpu.region"() ({
      %run_scoped3A = tpu.sem_alloc : memref<!tpu.dma_semaphore, #tpu.memory_space<semaphore_mem>>
      %dma_start3A = tpu.memref_slice %arg3[%mul3A_2] : memref<24576xi32, #tpu.memory_space<hbm>> -> memref<768xi32, #tpu.memory_space<hbm>>
      %dma_start3A_19 = tpu.memref_slice %arg3[%mul3A_2] : memref<24576xi32, #tpu.memory_space<hbm>> -> memref<768xi32, #tpu.memory_space<hbm>>
      tpu.enqueue_dma source(%dma_start3A_19 : memref<768xi32, #tpu.memory_space<hbm>>) target(%arg5 : memref<768xi32, #tpu.memory_space<vmem>>) target_semaphore(%run_scoped3A : memref<!tpu.dma_semaphore, #tpu.memory_space<semaphore_mem>>)
      %dma_wait3A = tpu.memref_slice %arg3[%mul3A_2] : memref<24576xi32, #tpu.memory_space<hbm>> -> memref<768xi32, #tpu.memory_space<hbm>>
      %dma_wait3A_20 = tpu.memref_slice %arg3[%mul3A_2] : memref<24576xi32, #tpu.memory_space<hbm>> -> memref<768xi32, #tpu.memory_space<hbm>>
      tpu.wait_dma2 semaphore(%run_scoped3A : memref<!tpu.dma_semaphore, #tpu.memory_space<semaphore_mem>>) src(%dma_wait3A_20 : memref<768xi32, #tpu.memory_space<hbm>>) dst(%arg5 : memref<768xi32, #tpu.memory_space<vmem>>)
      tpu.yield
    }) : () -> ()
    %jit3A = arith.constant 4 : i32
    %eq3A = arith.constant 0 : i32
    %eq3A_3 = arith.cmpi eq, %jit3A, %eq3A : i32
    %jit3A_4 = arith.constant 1 : i32
    %select_n3A = arith.select %eq3A_3, %jit3A_4, %jit3A : i32
    %rem3A = arith.remsi %add3A, %select_n3A : i32
    %ne3A = arith.constant 0 : i32
    %ne3A_5 = arith.cmpi ne, %rem3A, %ne3A : i32
    %lt3A = arith.constant 0 : i32
    %lt3A_6 = arith.cmpi slt, %rem3A, %lt3A : i32
    %lt3A_7 = arith.constant 0 : i32
    %lt3A_8 = arith.cmpi slt, %select_n3A, %lt3A_7 : i32
    %ne3A_9 = arith.xori %lt3A_6, %lt3A_8 : i1
    %and3A = arith.andi %ne3A_9, %ne3A_5 : i1
    %add3A_10 = arith.addi %rem3A, %select_n3A : i32
    %select_n3A_11 = arith.select %and3A, %add3A_10, %rem3A : i32
    %eq3A_12 = arith.constant 3 : i32
    %eq3A_13 = arith.cmpi eq, %select_n3A_11, %eq3A_12 : i32
    %not3A = arith.constant true
    %not3A_14 = arith.xori %eq3A_13, %not3A : i1
    %convert_element_type3A = arith.extui %not3A_14 : i1 to i32
    %cond3A = arith.constant 0 : i32
    %cond3A_15 = arith.cmpi ne, %convert_element_type3A, %cond3A : i32
    scf.if %cond3A_15 {
      %dma_start3A = arith.constant 0 : i32
      %dma_start3A_19 = tpu.memref_slice %arg5[%dma_start3A] : memref<768xi32, #tpu.memory_space<vmem>> -> memref<64xi32, #tpu.memory_space<vmem>>
      %dma_start3A_20 = arith.constant 0 : i32
      %dma_start3A_21 = arith.constant 0 : i32
      %dma_start3A_22 = tpu.memref_slice %arg2[%dma_start3A_20, %dma_start3A_21] : memref<32768x768xf32, #tpu.memory_space<hbm>> -> memref<32768x768xf32, #tpu.memory_space<hbm>>
      tpu.enqueue_indirect_dma source(%dma_start3A_22 : memref<32768x768xf32, #tpu.memory_space<hbm>>) target(%arg6 : memref<64x768xf32, #tpu.memory_space<vmem>>) offsets(%dma_start3A_19 : memref<64xi32, #tpu.memory_space<vmem>>) semaphore(%arg8 : memref<!tpu.dma_semaphore, #tpu.memory_space<semaphore_mem>>)
      %dma_wait3A = arith.constant 0 : i32
      %dma_wait3A_23 = tpu.memref_slice %arg5[%dma_wait3A] : memref<768xi32, #tpu.memory_space<vmem>> -> memref<64xi32, #tpu.memory_space<vmem>>
      %dma_wait3A_24 = arith.constant 0 : i32
      %dma_wait3A_25 = arith.constant 0 : i32
      %dma_wait3A_26 = tpu.memref_slice %arg2[%dma_wait3A_24, %dma_wait3A_25] : memref<32768x768xf32, #tpu.memory_space<hbm>> -> memref<32768x768xf32, #tpu.memory_space<hbm>>
      tpu.wait_indirect_dma semaphore(%arg8 : memref<!tpu.dma_semaphore, #tpu.memory_space<semaphore_mem>>) src(%dma_wait3A_26 : memref<32768x768xf32, #tpu.memory_space<hbm>>) dst(%arg6 : memref<64x768xf32, #tpu.memory_space<vmem>>)
      %add3A_27 = arith.constant 0 : i32
      %add3A_28 = arith.addi %mul3A_2, %add3A_27 : i32
      "tpu.region"() ({
        %run_scoped3A = tpu.sem_alloc : memref<!tpu.dma_semaphore, #tpu.memory_space<semaphore_mem>>
        %dma_start3A_161 = arith.constant 0 : i32
        %dma_start3A_162 = tpu.memref_slice %arg4[%add3A_28, %dma_start3A_161] : memref<24576x768xf32, #tpu.memory_space<hbm>> -> memref<64x768xf32, #tpu.memory_space<hbm>>
        %dma_start3A_163 = arith.constant 0 : i32
        %dma_start3A_164 = tpu.memref_slice %arg4[%add3A_28, %dma_start3A_163] : memref<24576x768xf32, #tpu.memory_space<hbm>> -> memref<64x768xf32, #tpu.memory_space<hbm>>
        tpu.enqueue_dma source(%arg6 : memref<64x768xf32, #tpu.memory_space<vmem>>) target(%dma_start3A_164 : memref<64x768xf32, #tpu.memory_space<hbm>>) target_semaphore(%run_scoped3A : memref<!tpu.dma_semaphore, #tpu.memory_space<semaphore_mem>>)
        %dma_wait3A_165 = arith.constant 0 : i32
        %dma_wait3A_166 = tpu.memref_slice %arg4[%add3A_28, %dma_wait3A_165] : memref<24576x768xf32, #tpu.memory_space<hbm>> -> memref<64x768xf32, #tpu.memory_space<hbm>>
        %dma_wait3A_167 = arith.constant 0 : i32
        %dma_wait3A_168 = tpu.memref_slice %arg4[%add3A_28, %dma_wait3A_167] : memref<24576x768xf32, #tpu.memory_space<hbm>> -> memref<64x768xf32, #tpu.memory_space<hbm>>
        tpu.wait_dma2 semaphore(%run_scoped3A : memref<!tpu.dma_semaphore, #tpu.memory_space<semaphore_mem>>) src(%arg6 : memref<64x768xf32, #tpu.memory_space<vmem>>) dst(%dma_wait3A_168 : memref<64x768xf32, #tpu.memory_space<hbm>>)
        tpu.yield
      }) : () -> ()
      %dma_start3A_29 = arith.constant 64 : i32
      %dma_start3A_30 = tpu.memref_slice %arg5[%dma_start3A_29] : memref<768xi32, #tpu.memory_space<vmem>> -> memref<64xi32, #tpu.memory_space<vmem>>
      %dma_start3A_31 = arith.constant 0 : i32
      %dma_start3A_32 = arith.constant 0 : i32
      %dma_start3A_33 = tpu.memref_slice %arg2[%dma_start3A_31, %dma_start3A_32] : memref<32768x768xf32, #tpu.memory_space<hbm>> -> memref<32768x768xf32, #tpu.memory_space<hbm>>
      tpu.enqueue_indirect_dma source(%dma_start3A_33 : memref<32768x768xf32, #tpu.memory_space<hbm>>) target(%arg6 : memref<64x768xf32, #tpu.memory_space<vmem>>) offsets(%dma_start3A_30 : memref<64xi32, #tpu.memory_space<vmem>>) semaphore(%arg8 : memref<!tpu.dma_semaphore, #tpu.memory_space<semaphore_mem>>)
      %dma_wait3A_34 = arith.constant 64 : i32
      %dma_wait3A_35 = tpu.memref_slice %arg5[%dma_wait3A_34] : memref<768xi32, #tpu.memory_space<vmem>> -> memref<64xi32, #tpu.memory_space<vmem>>
      %dma_wait3A_36 = arith.constant 0 : i32
      %dma_wait3A_37 = arith.constant 0 : i32
      %dma_wait3A_38 = tpu.memref_slice %arg2[%dma_wait3A_36, %dma_wait3A_37] : memref<32768x768xf32, #tpu.memory_space<hbm>> -> memref<32768x768xf32, #tpu.memory_space<hbm>>
      tpu.wait_indirect_dma semaphore(%arg8 : memref<!tpu.dma_semaphore, #tpu.memory_space<semaphore_mem>>) src(%dma_wait3A_38 : memref<32768x768xf32, #tpu.memory_space<hbm>>) dst(%arg6 : memref<64x768xf32, #tpu.memory_space<vmem>>)
      %add3A_39 = arith.constant 64 : i32
      %add3A_40 = arith.addi %mul3A_2, %add3A_39 : i32
      "tpu.region"() ({
        %run_scoped3A = tpu.sem_alloc : memref<!tpu.dma_semaphore, #tpu.memory_space<semaphore_mem>>
        %dma_start3A_161 = arith.constant 0 : i32
        %dma_start3A_162 = tpu.memref_slice %arg4[%add3A_40, %dma_start3A_161] : memref<24576x768xf32, #tpu.memory_space<hbm>> -> memref<64x768xf32, #tpu.memory_space<hbm>>
        %dma_start3A_163 = arith.constant 0 : i32
        %dma_start3A_164 = tpu.memref_slice %arg4[%add3A_40, %dma_start3A_163] : memref<24576x768xf32, #tpu.memory_space<hbm>> -> memref<64x768xf32, #tpu.memory_space<hbm>>
        tpu.enqueue_dma source(%arg6 : memref<64x768xf32, #tpu.memory_space<vmem>>) target(%dma_start3A_164 : memref<64x768xf32, #tpu.memory_space<hbm>>) target_semaphore(%run_scoped3A : memref<!tpu.dma_semaphore, #tpu.memory_space<semaphore_mem>>)
        %dma_wait3A_165 = arith.constant 0 : i32
        %dma_wait3A_166 = tpu.memref_slice %arg4[%add3A_40, %dma_wait3A_165] : memref<24576x768xf32, #tpu.memory_space<hbm>> -> memref<64x768xf32, #tpu.memory_space<hbm>>
        %dma_wait3A_167 = arith.constant 0 : i32
        %dma_wait3A_168 = tpu.memref_slice %arg4[%add3A_40, %dma_wait3A_167] : memref<24576x768xf32, #tpu.memory_space<hbm>> -> memref<64x768xf32, #tpu.memory_space<hbm>>
        tpu.wait_dma2 semaphore(%run_scoped3A : memref<!tpu.dma_semaphore, #tpu.memory_space<semaphore_mem>>) src(%arg6 : memref<64x768xf32, #tpu.memory_space<vmem>>) dst(%dma_wait3A_168 : memref<64x768xf32, #tpu.memory_space<hbm>>)
        tpu.yield
      }) : () -> ()
      %dma_start3A_41 = arith.constant 128 : i32
      %dma_start3A_42 = tpu.memref_slice %arg5[%dma_start3A_41] : memref<768xi32, #tpu.memory_space<vmem>> -> memref<64xi32, #tpu.memory_space<vmem>>
      %dma_start3A_43 = arith.constant 0 : i32
      %dma_start3A_44 = arith.constant 0 : i32
      %dma_start3A_45 = tpu.memref_slice %arg2[%dma_start3A_43, %dma_start3A_44] : memref<32768x768xf32, #tpu.memory_space<hbm>> -> memref<32768x768xf32, #tpu.memory_space<hbm>>
      tpu.enqueue_indirect_dma source(%dma_start3A_45 : memref<32768x768xf32, #tpu.memory_space<hbm>>) target(%arg6 : memref<64x768xf32, #tpu.memory_space<vmem>>) offsets(%dma_start3A_42 : memref<64xi32, #tpu.memory_space<vmem>>) semaphore(%arg8 : memref<!tpu.dma_semaphore, #tpu.memory_space<semaphore_mem>>)
      %dma_wait3A_46 = arith.constant 128 : i32
      %dma_wait3A_47 = tpu.memref_slice %arg5[%dma_wait3A_46] : memref<768xi32, #tpu.memory_space<vmem>> -> memref<64xi32, #tpu.memory_space<vmem>>
      %dma_wait3A_48 = arith.constant 0 : i32
      %dma_wait3A_49 = arith.constant 0 : i32
      %dma_wait3A_50 = tpu.memref_slice %arg2[%dma_wait3A_48, %dma_wait3A_49] : memref<32768x768xf32, #tpu.memory_space<hbm>> -> memref<32768x768xf32, #tpu.memory_space<hbm>>
      tpu.wait_indirect_dma semaphore(%arg8 : memref<!tpu.dma_semaphore, #tpu.memory_space<semaphore_mem>>) src(%dma_wait3A_50 : memref<32768x768xf32, #tpu.memory_space<hbm>>) dst(%arg6 : memref<64x768xf32, #tpu.memory_space<vmem>>)
      %add3A_51 = arith.constant 128 : i32
      %add3A_52 = arith.addi %mul3A_2, %add3A_51 : i32
      "tpu.region"() ({
        %run_scoped3A = tpu.sem_alloc : memref<!tpu.dma_semaphore, #tpu.memory_space<semaphore_mem>>
        %dma_start3A_161 = arith.constant 0 : i32
        %dma_start3A_162 = tpu.memref_slice %arg4[%add3A_52, %dma_start3A_161] : memref<24576x768xf32, #tpu.memory_space<hbm>> -> memref<64x768xf32, #tpu.memory_space<hbm>>
        %dma_start3A_163 = arith.constant 0 : i32
        %dma_start3A_164 = tpu.memref_slice %arg4[%add3A_52, %dma_start3A_163] : memref<24576x768xf32, #tpu.memory_space<hbm>> -> memref<64x768xf32, #tpu.memory_space<hbm>>
        tpu.enqueue_dma source(%arg6 : memref<64x768xf32, #tpu.memory_space<vmem>>) target(%dma_start3A_164 : memref<64x768xf32, #tpu.memory_space<hbm>>) target_semaphore(%run_scoped3A : memref<!tpu.dma_semaphore, #tpu.memory_space<semaphore_mem>>)
        %dma_wait3A_165 = arith.constant 0 : i32
        %dma_wait3A_166 = tpu.memref_slice %arg4[%add3A_52, %dma_wait3A_165] : memref<24576x768xf32, #tpu.memory_space<hbm>> -> memref<64x768xf32, #tpu.memory_space<hbm>>
        %dma_wait3A_167 = arith.constant 0 : i32
        %dma_wait3A_168 = tpu.memref_slice %arg4[%add3A_52, %dma_wait3A_167] : memref<24576x768xf32, #tpu.memory_space<hbm>> -> memref<64x768xf32, #tpu.memory_space<hbm>>
        tpu.wait_dma2 semaphore(%run_scoped3A : memref<!tpu.dma_semaphore, #tpu.memory_space<semaphore_mem>>) src(%arg6 : memref<64x768xf32, #tpu.memory_space<vmem>>) dst(%dma_wait3A_168 : memref<64x768xf32, #tpu.memory_space<hbm>>)
        tpu.yield
      }) : () -> ()
      %dma_start3A_53 = arith.constant 192 : i32
      %dma_start3A_54 = tpu.memref_slice %arg5[%dma_start3A_53] : memref<768xi32, #tpu.memory_space<vmem>> -> memref<64xi32, #tpu.memory_space<vmem>>
      %dma_start3A_55 = arith.constant 0 : i32
      %dma_start3A_56 = arith.constant 0 : i32
      %dma_start3A_57 = tpu.memref_slice %arg2[%dma_start3A_55, %dma_start3A_56] : memref<32768x768xf32, #tpu.memory_space<hbm>> -> memref<32768x768xf32, #tpu.memory_space<hbm>>
      tpu.enqueue_indirect_dma source(%dma_start3A_57 : memref<32768x768xf32, #tpu.memory_space<hbm>>) target(%arg6 : memref<64x768xf32, #tpu.memory_space<vmem>>) offsets(%dma_start3A_54 : memref<64xi32, #tpu.memory_space<vmem>>) semaphore(%arg8 : memref<!tpu.dma_semaphore, #tpu.memory_space<semaphore_mem>>)
      %dma_wait3A_58 = arith.constant 192 : i32
      %dma_wait3A_59 = tpu.memref_slice %arg5[%dma_wait3A_58] : memref<768xi32, #tpu.memory_space<vmem>> -> memref<64xi32, #tpu.memory_space<vmem>>
      %dma_wait3A_60 = arith.constant 0 : i32
      %dma_wait3A_61 = arith.constant 0 : i32
      %dma_wait3A_62 = tpu.memref_slice %arg2[%dma_wait3A_60, %dma_wait3A_61] : memref<32768x768xf32, #tpu.memory_space<hbm>> -> memref<32768x768xf32, #tpu.memory_space<hbm>>
      tpu.wait_indirect_dma semaphore(%arg8 : memref<!tpu.dma_semaphore, #tpu.memory_space<semaphore_mem>>) src(%dma_wait3A_62 : memref<32768x768xf32, #tpu.memory_space<hbm>>) dst(%arg6 : memref<64x768xf32, #tpu.memory_space<vmem>>)
      %add3A_63 = arith.constant 192 : i32
      %add3A_64 = arith.addi %mul3A_2, %add3A_63 : i32
      "tpu.region"() ({
        %run_scoped3A = tpu.sem_alloc : memref<!tpu.dma_semaphore, #tpu.memory_space<semaphore_mem>>
        %dma_start3A_161 = arith.constant 0 : i32
        %dma_start3A_162 = tpu.memref_slice %arg4[%add3A_64, %dma_start3A_161] : memref<24576x768xf32, #tpu.memory_space<hbm>> -> memref<64x768xf32, #tpu.memory_space<hbm>>
        %dma_start3A_163 = arith.constant 0 : i32
        %dma_start3A_164 = tpu.memref_slice %arg4[%add3A_64, %dma_start3A_163] : memref<24576x768xf32, #tpu.memory_space<hbm>> -> memref<64x768xf32, #tpu.memory_space<hbm>>
        tpu.enqueue_dma source(%arg6 : memref<64x768xf32, #tpu.memory_space<vmem>>) target(%dma_start3A_164 : memref<64x768xf32, #tpu.memory_space<hbm>>) target_semaphore(%run_scoped3A : memref<!tpu.dma_semaphore, #tpu.memory_space<semaphore_mem>>)
        %dma_wait3A_165 = arith.constant 0 : i32
        %dma_wait3A_166 = tpu.memref_slice %arg4[%add3A_64, %dma_wait3A_165] : memref<24576x768xf32, #tpu.memory_space<hbm>> -> memref<64x768xf32, #tpu.memory_space<hbm>>
        %dma_wait3A_167 = arith.constant 0 : i32
        %dma_wait3A_168 = tpu.memref_slice %arg4[%add3A_64, %dma_wait3A_167] : memref<24576x768xf32, #tpu.memory_space<hbm>> -> memref<64x768xf32, #tpu.memory_space<hbm>>
        tpu.wait_dma2 semaphore(%run_scoped3A : memref<!tpu.dma_semaphore, #tpu.memory_space<semaphore_mem>>) src(%arg6 : memref<64x768xf32, #tpu.memory_space<vmem>>) dst(%dma_wait3A_168 : memref<64x768xf32, #tpu.memory_space<hbm>>)
        tpu.yield
      }) : () -> ()
      %dma_start3A_65 = arith.constant 256 : i32
      %dma_start3A_66 = tpu.memref_slice %arg5[%dma_start3A_65] : memref<768xi32, #tpu.memory_space<vmem>> -> memref<64xi32, #tpu.memory_space<vmem>>
      %dma_start3A_67 = arith.constant 0 : i32
      %dma_start3A_68 = arith.constant 0 : i32
      %dma_start3A_69 = tpu.memref_slice %arg2[%dma_start3A_67, %dma_start3A_68] : memref<32768x768xf32, #tpu.memory_space<hbm>> -> memref<32768x768xf32, #tpu.memory_space<hbm>>
      tpu.enqueue_indirect_dma source(%dma_start3A_69 : memref<32768x768xf32, #tpu.memory_space<hbm>>) target(%arg6 : memref<64x768xf32, #tpu.memory_space<vmem>>) offsets(%dma_start3A_66 : memref<64xi32, #tpu.memory_space<vmem>>) semaphore(%arg8 : memref<!tpu.dma_semaphore, #tpu.memory_space<semaphore_mem>>)
      %dma_wait3A_70 = arith.constant 256 : i32
      %dma_wait3A_71 = tpu.memref_slice %arg5[%dma_wait3A_70] : memref<768xi32, #tpu.memory_space<vmem>> -> memref<64xi32, #tpu.memory_space<vmem>>
      %dma_wait3A_72 = arith.constant 0 : i32
      %dma_wait3A_73 = arith.constant 0 : i32
      %dma_wait3A_74 = tpu.memref_slice %arg2[%dma_wait3A_72, %dma_wait3A_73] : memref<32768x768xf32, #tpu.memory_space<hbm>> -> memref<32768x768xf32, #tpu.memory_space<hbm>>
      tpu.wait_indirect_dma semaphore(%arg8 : memref<!tpu.dma_semaphore, #tpu.memory_space<semaphore_mem>>) src(%dma_wait3A_74 : memref<32768x768xf32, #tpu.memory_space<hbm>>) dst(%arg6 : memref<64x768xf32, #tpu.memory_space<vmem>>)
      %add3A_75 = arith.constant 256 : i32
      %add3A_76 = arith.addi %mul3A_2, %add3A_75 : i32
      "tpu.region"() ({
        %run_scoped3A = tpu.sem_alloc : memref<!tpu.dma_semaphore, #tpu.memory_space<semaphore_mem>>
        %dma_start3A_161 = arith.constant 0 : i32
        %dma_start3A_162 = tpu.memref_slice %arg4[%add3A_76, %dma_start3A_161] : memref<24576x768xf32, #tpu.memory_space<hbm>> -> memref<64x768xf32, #tpu.memory_space<hbm>>
        %dma_start3A_163 = arith.constant 0 : i32
        %dma_start3A_164 = tpu.memref_slice %arg4[%add3A_76, %dma_start3A_163] : memref<24576x768xf32, #tpu.memory_space<hbm>> -> memref<64x768xf32, #tpu.memory_space<hbm>>
        tpu.enqueue_dma source(%arg6 : memref<64x768xf32, #tpu.memory_space<vmem>>) target(%dma_start3A_164 : memref<64x768xf32, #tpu.memory_space<hbm>>) target_semaphore(%run_scoped3A : memref<!tpu.dma_semaphore, #tpu.memory_space<semaphore_mem>>)
        %dma_wait3A_165 = arith.constant 0 : i32
        %dma_wait3A_166 = tpu.memref_slice %arg4[%add3A_76, %dma_wait3A_165] : memref<24576x768xf32, #tpu.memory_space<hbm>> -> memref<64x768xf32, #tpu.memory_space<hbm>>
        %dma_wait3A_167 = arith.constant 0 : i32
        %dma_wait3A_168 = tpu.memref_slice %arg4[%add3A_76, %dma_wait3A_167] : memref<24576x768xf32, #tpu.memory_space<hbm>> -> memref<64x768xf32, #tpu.memory_space<hbm>>
        tpu.wait_dma2 semaphore(%run_scoped3A : memref<!tpu.dma_semaphore, #tpu.memory_space<semaphore_mem>>) src(%arg6 : memref<64x768xf32, #tpu.memory_space<vmem>>) dst(%dma_wait3A_168 : memref<64x768xf32, #tpu.memory_space<hbm>>)
        tpu.yield
      }) : () -> ()
      %dma_start3A_77 = arith.constant 320 : i32
      %dma_start3A_78 = tpu.memref_slice %arg5[%dma_start3A_77] : memref<768xi32, #tpu.memory_space<vmem>> -> memref<64xi32, #tpu.memory_space<vmem>>
      %dma_start3A_79 = arith.constant 0 : i32
      %dma_start3A_80 = arith.constant 0 : i32
      %dma_start3A_81 = tpu.memref_slice %arg2[%dma_start3A_79, %dma_start3A_80] : memref<32768x768xf32, #tpu.memory_space<hbm>> -> memref<32768x768xf32, #tpu.memory_space<hbm>>
      tpu.enqueue_indirect_dma source(%dma_start3A_81 : memref<32768x768xf32, #tpu.memory_space<hbm>>) target(%arg6 : memref<64x768xf32, #tpu.memory_space<vmem>>) offsets(%dma_start3A_78 : memref<64xi32, #tpu.memory_space<vmem>>) semaphore(%arg8 : memref<!tpu.dma_semaphore, #tpu.memory_space<semaphore_mem>>)
      %dma_wait3A_82 = arith.constant 320 : i32
      %dma_wait3A_83 = tpu.memref_slice %arg5[%dma_wait3A_82] : memref<768xi32, #tpu.memory_space<vmem>> -> memref<64xi32, #tpu.memory_space<vmem>>
      %dma_wait3A_84 = arith.constant 0 : i32
      %dma_wait3A_85 = arith.constant 0 : i32
      %dma_wait3A_86 = tpu.memref_slice %arg2[%dma_wait3A_84, %dma_wait3A_85] : memref<32768x768xf32, #tpu.memory_space<hbm>> -> memref<32768x768xf32, #tpu.memory_space<hbm>>
      tpu.wait_indirect_dma semaphore(%arg8 : memref<!tpu.dma_semaphore, #tpu.memory_space<semaphore_mem>>) src(%dma_wait3A_86 : memref<32768x768xf32, #tpu.memory_space<hbm>>) dst(%arg6 : memref<64x768xf32, #tpu.memory_space<vmem>>)
      %add3A_87 = arith.constant 320 : i32
      %add3A_88 = arith.addi %mul3A_2, %add3A_87 : i32
      "tpu.region"() ({
        %run_scoped3A = tpu.sem_alloc : memref<!tpu.dma_semaphore, #tpu.memory_space<semaphore_mem>>
        %dma_start3A_161 = arith.constant 0 : i32
        %dma_start3A_162 = tpu.memref_slice %arg4[%add3A_88, %dma_start3A_161] : memref<24576x768xf32, #tpu.memory_space<hbm>> -> memref<64x768xf32, #tpu.memory_space<hbm>>
        %dma_start3A_163 = arith.constant 0 : i32
        %dma_start3A_164 = tpu.memref_slice %arg4[%add3A_88, %dma_start3A_163] : memref<24576x768xf32, #tpu.memory_space<hbm>> -> memref<64x768xf32, #tpu.memory_space<hbm>>
        tpu.enqueue_dma source(%arg6 : memref<64x768xf32, #tpu.memory_space<vmem>>) target(%dma_start3A_164 : memref<64x768xf32, #tpu.memory_space<hbm>>) target_semaphore(%run_scoped3A : memref<!tpu.dma_semaphore, #tpu.memory_space<semaphore_mem>>)
        %dma_wait3A_165 = arith.constant 0 : i32
        %dma_wait3A_166 = tpu.memref_slice %arg4[%add3A_88, %dma_wait3A_165] : memref<24576x768xf32, #tpu.memory_space<hbm>> -> memref<64x768xf32, #tpu.memory_space<hbm>>
        %dma_wait3A_167 = arith.constant 0 : i32
        %dma_wait3A_168 = tpu.memref_slice %arg4[%add3A_88, %dma_wait3A_167] : memref<24576x768xf32, #tpu.memory_space<hbm>> -> memref<64x768xf32, #tpu.memory_space<hbm>>
        tpu.wait_dma2 semaphore(%run_scoped3A : memref<!tpu.dma_semaphore, #tpu.memory_space<semaphore_mem>>) src(%arg6 : memref<64x768xf32, #tpu.memory_space<vmem>>) dst(%dma_wait3A_168 : memref<64x768xf32, #tpu.memory_space<hbm>>)
        tpu.yield
      }) : () -> ()
      %dma_start3A_89 = arith.constant 384 : i32
      %dma_start3A_90 = tpu.memref_slice %arg5[%dma_start3A_89] : memref<768xi32, #tpu.memory_space<vmem>> -> memref<64xi32, #tpu.memory_space<vmem>>
      %dma_start3A_91 = arith.constant 0 : i32
      %dma_start3A_92 = arith.constant 0 : i32
      %dma_start3A_93 = tpu.memref_slice %arg2[%dma_start3A_91, %dma_start3A_92] : memref<32768x768xf32, #tpu.memory_space<hbm>> -> memref<32768x768xf32, #tpu.memory_space<hbm>>
      tpu.enqueue_indirect_dma source(%dma_start3A_93 : memref<32768x768xf32, #tpu.memory_space<hbm>>) target(%arg6 : memref<64x768xf32, #tpu.memory_space<vmem>>) offsets(%dma_start3A_90 : memref<64xi32, #tpu.memory_space<vmem>>) semaphore(%arg8 : memref<!tpu.dma_semaphore, #tpu.memory_space<semaphore_mem>>)
      %dma_wait3A_94 = arith.constant 384 : i32
      %dma_wait3A_95 = tpu.memref_slice %arg5[%dma_wait3A_94] : memref<768xi32, #tpu.memory_space<vmem>> -> memref<64xi32, #tpu.memory_space<vmem>>
      %dma_wait3A_96 = arith.constant 0 : i32
      %dma_wait3A_97 = arith.constant 0 : i32
      %dma_wait3A_98 = tpu.memref_slice %arg2[%dma_wait3A_96, %dma_wait3A_97] : memref<32768x768xf32, #tpu.memory_space<hbm>> -> memref<32768x768xf32, #tpu.memory_space<hbm>>
      tpu.wait_indirect_dma semaphore(%arg8 : memref<!tpu.dma_semaphore, #tpu.memory_space<semaphore_mem>>) src(%dma_wait3A_98 : memref<32768x768xf32, #tpu.memory_space<hbm>>) dst(%arg6 : memref<64x768xf32, #tpu.memory_space<vmem>>)
      %add3A_99 = arith.constant 384 : i32
      %add3A_100 = arith.addi %mul3A_2, %add3A_99 : i32
      "tpu.region"() ({
        %run_scoped3A = tpu.sem_alloc : memref<!tpu.dma_semaphore, #tpu.memory_space<semaphore_mem>>
        %dma_start3A_161 = arith.constant 0 : i32
        %dma_start3A_162 = tpu.memref_slice %arg4[%add3A_100, %dma_start3A_161] : memref<24576x768xf32, #tpu.memory_space<hbm>> -> memref<64x768xf32, #tpu.memory_space<hbm>>
        %dma_start3A_163 = arith.constant 0 : i32
        %dma_start3A_164 = tpu.memref_slice %arg4[%add3A_100, %dma_start3A_163] : memref<24576x768xf32, #tpu.memory_space<hbm>> -> memref<64x768xf32, #tpu.memory_space<hbm>>
        tpu.enqueue_dma source(%arg6 : memref<64x768xf32, #tpu.memory_space<vmem>>) target(%dma_start3A_164 : memref<64x768xf32, #tpu.memory_space<hbm>>) target_semaphore(%run_scoped3A : memref<!tpu.dma_semaphore, #tpu.memory_space<semaphore_mem>>)
        %dma_wait3A_165 = arith.constant 0 : i32
        %dma_wait3A_166 = tpu.memref_slice %arg4[%add3A_100, %dma_wait3A_165] : memref<24576x768xf32, #tpu.memory_space<hbm>> -> memref<64x768xf32, #tpu.memory_space<hbm>>
        %dma_wait3A_167 = arith.constant 0 : i32
        %dma_wait3A_168 = tpu.memref_slice %arg4[%add3A_100, %dma_wait3A_167] : memref<24576x768xf32, #tpu.memory_space<hbm>> -> memref<64x768xf32, #tpu.memory_space<hbm>>
        tpu.wait_dma2 semaphore(%run_scoped3A : memref<!tpu.dma_semaphore, #tpu.memory_space<semaphore_mem>>) src(%arg6 : memref<64x768xf32, #tpu.memory_space<vmem>>) dst(%dma_wait3A_168 : memref<64x768xf32, #tpu.memory_space<hbm>>)
        tpu.yield
      }) : () -> ()
      %dma_start3A_101 = arith.constant 448 : i32
      %dma_start3A_102 = tpu.memref_slice %arg5[%dma_start3A_101] : memref<768xi32, #tpu.memory_space<vmem>> -> memref<64xi32, #tpu.memory_space<vmem>>
      %dma_start3A_103 = arith.constant 0 : i32
      %dma_start3A_104 = arith.constant 0 : i32
      %dma_start3A_105 = tpu.memref_slice %arg2[%dma_start3A_103, %dma_start3A_104] : memref<32768x768xf32, #tpu.memory_space<hbm>> -> memref<32768x768xf32, #tpu.memory_space<hbm>>
      tpu.enqueue_indirect_dma source(%dma_start3A_105 : memref<32768x768xf32, #tpu.memory_space<hbm>>) target(%arg6 : memref<64x768xf32, #tpu.memory_space<vmem>>) offsets(%dma_start3A_102 : memref<64xi32, #tpu.memory_space<vmem>>) semaphore(%arg8 : memref<!tpu.dma_semaphore, #tpu.memory_space<semaphore_mem>>)
      %dma_wait3A_106 = arith.constant 448 : i32
      %dma_wait3A_107 = tpu.memref_slice %arg5[%dma_wait3A_106] : memref<768xi32, #tpu.memory_space<vmem>> -> memref<64xi32, #tpu.memory_space<vmem>>
      %dma_wait3A_108 = arith.constant 0 : i32
      %dma_wait3A_109 = arith.constant 0 : i32
      %dma_wait3A_110 = tpu.memref_slice %arg2[%dma_wait3A_108, %dma_wait3A_109] : memref<32768x768xf32, #tpu.memory_space<hbm>> -> memref<32768x768xf32, #tpu.memory_space<hbm>>
      tpu.wait_indirect_dma semaphore(%arg8 : memref<!tpu.dma_semaphore, #tpu.memory_space<semaphore_mem>>) src(%dma_wait3A_110 : memref<32768x768xf32, #tpu.memory_space<hbm>>) dst(%arg6 : memref<64x768xf32, #tpu.memory_space<vmem>>)
      %add3A_111 = arith.constant 448 : i32
      %add3A_112 = arith.addi %mul3A_2, %add3A_111 : i32
      "tpu.region"() ({
        %run_scoped3A = tpu.sem_alloc : memref<!tpu.dma_semaphore, #tpu.memory_space<semaphore_mem>>
        %dma_start3A_161 = arith.constant 0 : i32
        %dma_start3A_162 = tpu.memref_slice %arg4[%add3A_112, %dma_start3A_161] : memref<24576x768xf32, #tpu.memory_space<hbm>> -> memref<64x768xf32, #tpu.memory_space<hbm>>
        %dma_start3A_163 = arith.constant 0 : i32
        %dma_start3A_164 = tpu.memref_slice %arg4[%add3A_112, %dma_start3A_163] : memref<24576x768xf32, #tpu.memory_space<hbm>> -> memref<64x768xf32, #tpu.memory_space<hbm>>
        tpu.enqueue_dma source(%arg6 : memref<64x768xf32, #tpu.memory_space<vmem>>) target(%dma_start3A_164 : memref<64x768xf32, #tpu.memory_space<hbm>>) target_semaphore(%run_scoped3A : memref<!tpu.dma_semaphore, #tpu.memory_space<semaphore_mem>>)
        %dma_wait3A_165 = arith.constant 0 : i32
        %dma_wait3A_166 = tpu.memref_slice %arg4[%add3A_112, %dma_wait3A_165] : memref<24576x768xf32, #tpu.memory_space<hbm>> -> memref<64x768xf32, #tpu.memory_space<hbm>>
        %dma_wait3A_167 = arith.constant 0 : i32
        %dma_wait3A_168 = tpu.memref_slice %arg4[%add3A_112, %dma_wait3A_167] : memref<24576x768xf32, #tpu.memory_space<hbm>> -> memref<64x768xf32, #tpu.memory_space<hbm>>
        tpu.wait_dma2 semaphore(%run_scoped3A : memref<!tpu.dma_semaphore, #tpu.memory_space<semaphore_mem>>) src(%arg6 : memref<64x768xf32, #tpu.memory_space<vmem>>) dst(%dma_wait3A_168 : memref<64x768xf32, #tpu.memory_space<hbm>>)
        tpu.yield
      }) : () -> ()
      %dma_start3A_113 = arith.constant 512 : i32
      %dma_start3A_114 = tpu.memref_slice %arg5[%dma_start3A_113] : memref<768xi32, #tpu.memory_space<vmem>> -> memref<64xi32, #tpu.memory_space<vmem>>
      %dma_start3A_115 = arith.constant 0 : i32
      %dma_start3A_116 = arith.constant 0 : i32
      %dma_start3A_117 = tpu.memref_slice %arg2[%dma_start3A_115, %dma_start3A_116] : memref<32768x768xf32, #tpu.memory_space<hbm>> -> memref<32768x768xf32, #tpu.memory_space<hbm>>
      tpu.enqueue_indirect_dma source(%dma_start3A_117 : memref<32768x768xf32, #tpu.memory_space<hbm>>) target(%arg6 : memref<64x768xf32, #tpu.memory_space<vmem>>) offsets(%dma_start3A_114 : memref<64xi32, #tpu.memory_space<vmem>>) semaphore(%arg8 : memref<!tpu.dma_semaphore, #tpu.memory_space<semaphore_mem>>)
      %dma_wait3A_118 = arith.constant 512 : i32
      %dma_wait3A_119 = tpu.memref_slice %arg5[%dma_wait3A_118] : memref<768xi32, #tpu.memory_space<vmem>> -> memref<64xi32, #tpu.memory_space<vmem>>
      %dma_wait3A_120 = arith.constant 0 : i32
      %dma_wait3A_121 = arith.constant 0 : i32
      %dma_wait3A_122 = tpu.memref_slice %arg2[%dma_wait3A_120, %dma_wait3A_121] : memref<32768x768xf32, #tpu.memory_space<hbm>> -> memref<32768x768xf32, #tpu.memory_space<hbm>>
      tpu.wait_indirect_dma semaphore(%arg8 : memref<!tpu.dma_semaphore, #tpu.memory_space<semaphore_mem>>) src(%dma_wait3A_122 : memref<32768x768xf32, #tpu.memory_space<hbm>>) dst(%arg6 : memref<64x768xf32, #tpu.memory_space<vmem>>)
      %add3A_123 = arith.constant 512 : i32
      %add3A_124 = arith.addi %mul3A_2, %add3A_123 : i32
      "tpu.region"() ({
        %run_scoped3A = tpu.sem_alloc : memref<!tpu.dma_semaphore, #tpu.memory_space<semaphore_mem>>
        %dma_start3A_161 = arith.constant 0 : i32
        %dma_start3A_162 = tpu.memref_slice %arg4[%add3A_124, %dma_start3A_161] : memref<24576x768xf32, #tpu.memory_space<hbm>> -> memref<64x768xf32, #tpu.memory_space<hbm>>
        %dma_start3A_163 = arith.constant 0 : i32
        %dma_start3A_164 = tpu.memref_slice %arg4[%add3A_124, %dma_start3A_163] : memref<24576x768xf32, #tpu.memory_space<hbm>> -> memref<64x768xf32, #tpu.memory_space<hbm>>
        tpu.enqueue_dma source(%arg6 : memref<64x768xf32, #tpu.memory_space<vmem>>) target(%dma_start3A_164 : memref<64x768xf32, #tpu.memory_space<hbm>>) target_semaphore(%run_scoped3A : memref<!tpu.dma_semaphore, #tpu.memory_space<semaphore_mem>>)
        %dma_wait3A_165 = arith.constant 0 : i32
        %dma_wait3A_166 = tpu.memref_slice %arg4[%add3A_124, %dma_wait3A_165] : memref<24576x768xf32, #tpu.memory_space<hbm>> -> memref<64x768xf32, #tpu.memory_space<hbm>>
        %dma_wait3A_167 = arith.constant 0 : i32
        %dma_wait3A_168 = tpu.memref_slice %arg4[%add3A_124, %dma_wait3A_167] : memref<24576x768xf32, #tpu.memory_space<hbm>> -> memref<64x768xf32, #tpu.memory_space<hbm>>
        tpu.wait_dma2 semaphore(%run_scoped3A : memref<!tpu.dma_semaphore, #tpu.memory_space<semaphore_mem>>) src(%arg6 : memref<64x768xf32, #tpu.memory_space<vmem>>) dst(%dma_wait3A_168 : memref<64x768xf32, #tpu.memory_space<hbm>>)
        tpu.yield
      }) : () -> ()
      %dma_start3A_125 = arith.constant 576 : i32
      %dma_start3A_126 = tpu.memref_slice %arg5[%dma_start3A_125] : memref<768xi32, #tpu.memory_space<vmem>> -> memref<64xi32, #tpu.memory_space<vmem>>
      %dma_start3A_127 = arith.constant 0 : i32
      %dma_start3A_128 = arith.constant 0 : i32
      %dma_start3A_129 = tpu.memref_slice %arg2[%dma_start3A_127, %dma_start3A_128] : memref<32768x768xf32, #tpu.memory_space<hbm>> -> memref<32768x768xf32, #tpu.memory_space<hbm>>
      tpu.enqueue_indirect_dma source(%dma_start3A_129 : memref<32768x768xf32, #tpu.memory_space<hbm>>) target(%arg6 : memref<64x768xf32, #tpu.memory_space<vmem>>) offsets(%dma_start3A_126 : memref<64xi32, #tpu.memory_space<vmem>>) semaphore(%arg8 : memref<!tpu.dma_semaphore, #tpu.memory_space<semaphore_mem>>)
      %dma_wait3A_130 = arith.constant 576 : i32
      %dma_wait3A_131 = tpu.memref_slice %arg5[%dma_wait3A_130] : memref<768xi32, #tpu.memory_space<vmem>> -> memref<64xi32, #tpu.memory_space<vmem>>
      %dma_wait3A_132 = arith.constant 0 : i32
      %dma_wait3A_133 = arith.constant 0 : i32
      %dma_wait3A_134 = tpu.memref_slice %arg2[%dma_wait3A_132, %dma_wait3A_133] : memref<32768x768xf32, #tpu.memory_space<hbm>> -> memref<32768x768xf32, #tpu.memory_space<hbm>>
      tpu.wait_indirect_dma semaphore(%arg8 : memref<!tpu.dma_semaphore, #tpu.memory_space<semaphore_mem>>) src(%dma_wait3A_134 : memref<32768x768xf32, #tpu.memory_space<hbm>>) dst(%arg6 : memref<64x768xf32, #tpu.memory_space<vmem>>)
      %add3A_135 = arith.constant 576 : i32
      %add3A_136 = arith.addi %mul3A_2, %add3A_135 : i32
      "tpu.region"() ({
        %run_scoped3A = tpu.sem_alloc : memref<!tpu.dma_semaphore, #tpu.memory_space<semaphore_mem>>
        %dma_start3A_161 = arith.constant 0 : i32
        %dma_start3A_162 = tpu.memref_slice %arg4[%add3A_136, %dma_start3A_161] : memref<24576x768xf32, #tpu.memory_space<hbm>> -> memref<64x768xf32, #tpu.memory_space<hbm>>
        %dma_start3A_163 = arith.constant 0 : i32
        %dma_start3A_164 = tpu.memref_slice %arg4[%add3A_136, %dma_start3A_163] : memref<24576x768xf32, #tpu.memory_space<hbm>> -> memref<64x768xf32, #tpu.memory_space<hbm>>
        tpu.enqueue_dma source(%arg6 : memref<64x768xf32, #tpu.memory_space<vmem>>) target(%dma_start3A_164 : memref<64x768xf32, #tpu.memory_space<hbm>>) target_semaphore(%run_scoped3A : memref<!tpu.dma_semaphore, #tpu.memory_space<semaphore_mem>>)
        %dma_wait3A_165 = arith.constant 0 : i32
        %dma_wait3A_166 = tpu.memref_slice %arg4[%add3A_136, %dma_wait3A_165] : memref<24576x768xf32, #tpu.memory_space<hbm>> -> memref<64x768xf32, #tpu.memory_space<hbm>>
        %dma_wait3A_167 = arith.constant 0 : i32
        %dma_wait3A_168 = tpu.memref_slice %arg4[%add3A_136, %dma_wait3A_167] : memref<24576x768xf32, #tpu.memory_space<hbm>> -> memref<64x768xf32, #tpu.memory_space<hbm>>
        tpu.wait_dma2 semaphore(%run_scoped3A : memref<!tpu.dma_semaphore, #tpu.memory_space<semaphore_mem>>) src(%arg6 : memref<64x768xf32, #tpu.memory_space<vmem>>) dst(%dma_wait3A_168 : memref<64x768xf32, #tpu.memory_space<hbm>>)
        tpu.yield
      }) : () -> ()
      %dma_start3A_137 = arith.constant 640 : i32
      %dma_start3A_138 = tpu.memref_slice %arg5[%dma_start3A_137] : memref<768xi32, #tpu.memory_space<vmem>> -> memref<64xi32, #tpu.memory_space<vmem>>
      %dma_start3A_139 = arith.constant 0 : i32
      %dma_start3A_140 = arith.constant 0 : i32
      %dma_start3A_141 = tpu.memref_slice %arg2[%dma_start3A_139, %dma_start3A_140] : memref<32768x768xf32, #tpu.memory_space<hbm>> -> memref<32768x768xf32, #tpu.memory_space<hbm>>
      tpu.enqueue_indirect_dma source(%dma_start3A_141 : memref<32768x768xf32, #tpu.memory_space<hbm>>) target(%arg6 : memref<64x768xf32, #tpu.memory_space<vmem>>) offsets(%dma_start3A_138 : memref<64xi32, #tpu.memory_space<vmem>>) semaphore(%arg8 : memref<!tpu.dma_semaphore, #tpu.memory_space<semaphore_mem>>)
      %dma_wait3A_142 = arith.constant 640 : i32
      %dma_wait3A_143 = tpu.memref_slice %arg5[%dma_wait3A_142] : memref<768xi32, #tpu.memory_space<vmem>> -> memref<64xi32, #tpu.memory_space<vmem>>
      %dma_wait3A_144 = arith.constant 0 : i32
      %dma_wait3A_145 = arith.constant 0 : i32
      %dma_wait3A_146 = tpu.memref_slice %arg2[%dma_wait3A_144, %dma_wait3A_145] : memref<32768x768xf32, #tpu.memory_space<hbm>> -> memref<32768x768xf32, #tpu.memory_space<hbm>>
      tpu.wait_indirect_dma semaphore(%arg8 : memref<!tpu.dma_semaphore, #tpu.memory_space<semaphore_mem>>) src(%dma_wait3A_146 : memref<32768x768xf32, #tpu.memory_space<hbm>>) dst(%arg6 : memref<64x768xf32, #tpu.memory_space<vmem>>)
      %add3A_147 = arith.constant 640 : i32
      %add3A_148 = arith.addi %mul3A_2, %add3A_147 : i32
      "tpu.region"() ({
        %run_scoped3A = tpu.sem_alloc : memref<!tpu.dma_semaphore, #tpu.memory_space<semaphore_mem>>
        %dma_start3A_161 = arith.constant 0 : i32
        %dma_start3A_162 = tpu.memref_slice %arg4[%add3A_148, %dma_start3A_161] : memref<24576x768xf32, #tpu.memory_space<hbm>> -> memref<64x768xf32, #tpu.memory_space<hbm>>
        %dma_start3A_163 = arith.constant 0 : i32
        %dma_start3A_164 = tpu.memref_slice %arg4[%add3A_148, %dma_start3A_163] : memref<24576x768xf32, #tpu.memory_space<hbm>> -> memref<64x768xf32, #tpu.memory_space<hbm>>
        tpu.enqueue_dma source(%arg6 : memref<64x768xf32, #tpu.memory_space<vmem>>) target(%dma_start3A_164 : memref<64x768xf32, #tpu.memory_space<hbm>>) target_semaphore(%run_scoped3A : memref<!tpu.dma_semaphore, #tpu.memory_space<semaphore_mem>>)
        %dma_wait3A_165 = arith.constant 0 : i32
        %dma_wait3A_166 = tpu.memref_slice %arg4[%add3A_148, %dma_wait3A_165] : memref<24576x768xf32, #tpu.memory_space<hbm>> -> memref<64x768xf32, #tpu.memory_space<hbm>>
        %dma_wait3A_167 = arith.constant 0 : i32
        %dma_wait3A_168 = tpu.memref_slice %arg4[%add3A_148, %dma_wait3A_167] : memref<24576x768xf32, #tpu.memory_space<hbm>> -> memref<64x768xf32, #tpu.memory_space<hbm>>
        tpu.wait_dma2 semaphore(%run_scoped3A : memref<!tpu.dma_semaphore, #tpu.memory_space<semaphore_mem>>) src(%arg6 : memref<64x768xf32, #tpu.memory_space<vmem>>) dst(%dma_wait3A_168 : memref<64x768xf32, #tpu.memory_space<hbm>>)
        tpu.yield
      }) : () -> ()
      %dma_start3A_149 = arith.constant 704 : i32
      %dma_start3A_150 = tpu.memref_slice %arg5[%dma_start3A_149] : memref<768xi32, #tpu.memory_space<vmem>> -> memref<64xi32, #tpu.memory_space<vmem>>
      %dma_start3A_151 = arith.constant 0 : i32
      %dma_start3A_152 = arith.constant 0 : i32
      %dma_start3A_153 = tpu.memref_slice %arg2[%dma_start3A_151, %dma_start3A_152] : memref<32768x768xf32, #tpu.memory_space<hbm>> -> memref<32768x768xf32, #tpu.memory_space<hbm>>
      tpu.enqueue_indirect_dma source(%dma_start3A_153 : memref<32768x768xf32, #tpu.memory_space<hbm>>) target(%arg6 : memref<64x768xf32, #tpu.memory_space<vmem>>) offsets(%dma_start3A_150 : memref<64xi32, #tpu.memory_space<vmem>>) semaphore(%arg8 : memref<!tpu.dma_semaphore, #tpu.memory_space<semaphore_mem>>)
      %dma_wait3A_154 = arith.constant 704 : i32
      %dma_wait3A_155 = tpu.memref_slice %arg5[%dma_wait3A_154] : memref<768xi32, #tpu.memory_space<vmem>> -> memref<64xi32, #tpu.memory_space<vmem>>
      %dma_wait3A_156 = arith.constant 0 : i32
      %dma_wait3A_157 = arith.constant 0 : i32
      %dma_wait3A_158 = tpu.memref_slice %arg2[%dma_wait3A_156, %dma_wait3A_157] : memref<32768x768xf32, #tpu.memory_space<hbm>> -> memref<32768x768xf32, #tpu.memory_space<hbm>>
      tpu.wait_indirect_dma semaphore(%arg8 : memref<!tpu.dma_semaphore, #tpu.memory_space<semaphore_mem>>) src(%dma_wait3A_158 : memref<32768x768xf32, #tpu.memory_space<hbm>>) dst(%arg6 : memref<64x768xf32, #tpu.memory_space<vmem>>)
      %add3A_159 = arith.constant 704 : i32
      %add3A_160 = arith.addi %mul3A_2, %add3A_159 : i32
      "tpu.region"() ({
        %run_scoped3A = tpu.sem_alloc : memref<!tpu.dma_semaphore, #tpu.memory_space<semaphore_mem>>
        %dma_start3A_161 = arith.constant 0 : i32
        %dma_start3A_162 = tpu.memref_slice %arg4[%add3A_160, %dma_start3A_161] : memref<24576x768xf32, #tpu.memory_space<hbm>> -> memref<64x768xf32, #tpu.memory_space<hbm>>
        %dma_start3A_163 = arith.constant 0 : i32
        %dma_start3A_164 = tpu.memref_slice %arg4[%add3A_160, %dma_start3A_163] : memref<24576x768xf32, #tpu.memory_space<hbm>> -> memref<64x768xf32, #tpu.memory_space<hbm>>
        tpu.enqueue_dma source(%arg6 : memref<64x768xf32, #tpu.memory_space<vmem>>) target(%dma_start3A_164 : memref<64x768xf32, #tpu.memory_space<hbm>>) target_semaphore(%run_scoped3A : memref<!tpu.dma_semaphore, #tpu.memory_space<semaphore_mem>>)
        %dma_wait3A_165 = arith.constant 0 : i32
        %dma_wait3A_166 = tpu.memref_slice %arg4[%add3A_160, %dma_wait3A_165] : memref<24576x768xf32, #tpu.memory_space<hbm>> -> memref<64x768xf32, #tpu.memory_space<hbm>>
        %dma_wait3A_167 = arith.constant 0 : i32
        %dma_wait3A_168 = tpu.memref_slice %arg4[%add3A_160, %dma_wait3A_167] : memref<24576x768xf32, #tpu.memory_space<hbm>> -> memref<64x768xf32, #tpu.memory_space<hbm>>
        tpu.wait_dma2 semaphore(%run_scoped3A : memref<!tpu.dma_semaphore, #tpu.memory_space<semaphore_mem>>) src(%arg6 : memref<64x768xf32, #tpu.memory_space<vmem>>) dst(%dma_wait3A_168 : memref<64x768xf32, #tpu.memory_space<hbm>>)
        tpu.yield
      }) : () -> ()
    } else {
    }
    %convert_element_type3A_16 = arith.extui %eq3A_13 : i1 to i32
    %cond3A_17 = arith.constant 0 : i32
    %cond3A_18 = arith.cmpi ne, %convert_element_type3A_16, %cond3A_17 : i32
    scf.if %cond3A_18 {
      %scan3A = arith.constant 0 : i32
      %scan3A_19 = arith.constant 0 : i32
      %scan3A_20 = arith.constant 32 : i32
      %scan3A_21 = arith.addi %scan3A_19, %scan3A_20 : i32
      %scan3A_22 = arith.constant 1 : i32
      scf.for %scan3A_246 = %scan3A_19 to %scan3A_21 step %scan3A_22  : i32 {
        %scan3A_247 = arith.constant 0 : i32
        %scan3A_248 = arith.constant 48 : i32
        %scan3A_249 = arith.addi %scan3A_247, %scan3A_248 : i32
        %scan3A_250 = arith.constant 1 : i32
        scf.for %scan3A_252 = %scan3A_247 to %scan3A_249 step %scan3A_250  : i32 {
          %broadcast_in_dim3A = arith.constant 0.000000e+00 : f32
          %broadcast_in_dim3A_253 = vector.broadcast %broadcast_in_dim3A : f32 to vector<16xf32>
          %mul3A_254 = arith.constant 16 : i32
          %mul3A_255 = arith.muli %scan3A_252, %mul3A_254 : i32
          %swap3A = arith.index_cast %scan3A_246 : i32 to index
          %swap3A_256 = arith.index_cast %mul3A_255 : i32 to index
          %swap3A_257 = tpu.vector_load %arg7[%swap3A, %swap3A_256] {strides = array<i32>} : memref<32x768xf32, #tpu.memory_space<vmem>>, vector<1x16xf32>,
          %swap3A_258 = vector.shape_cast %swap3A_257 : vector<1x16xf32> to vector<16xf32>
          %swap3A_259 = vector.shape_cast %broadcast_in_dim3A_253 : vector<16xf32> to vector<1x16xf32>
          tpu.vector_store %arg7[%swap3A, %swap3A_256], %swap3A_259 {strides = array<i32>} : memref<32x768xf32, #tpu.memory_space<vmem>>, vector<1x16xf32>,
        }
        %scan3A_251 = arith.constant 48 : i32
      }
      %scan3A_23 = arith.constant 32 : i32
      %dma_start3A = arith.constant 0 : i32
      %dma_start3A_24 = tpu.memref_slice %arg5[%dma_start3A] : memref<768xi32, #tpu.memory_space<vmem>> -> memref<64xi32, #tpu.memory_space<vmem>>
      %dma_start3A_25 = arith.constant 0 : i32
      %dma_start3A_26 = arith.constant 0 : i32
      %dma_start3A_27 = tpu.memref_slice %arg2[%dma_start3A_25, %dma_start3A_26] : memref<32768x768xf32, #tpu.memory_space<hbm>> -> memref<32768x768xf32, #tpu.memory_space<hbm>>
      tpu.enqueue_indirect_dma source(%dma_start3A_27 : memref<32768x768xf32, #tpu.memory_space<hbm>>) target(%arg6 : memref<64x768xf32, #tpu.memory_space<vmem>>) offsets(%dma_start3A_24 : memref<64xi32, #tpu.memory_space<vmem>>) semaphore(%arg8 : memref<!tpu.dma_semaphore, #tpu.memory_space<semaphore_mem>>)
      %dma_wait3A = arith.constant 0 : i32
      %dma_wait3A_28 = tpu.memref_slice %arg5[%dma_wait3A] : memref<768xi32, #tpu.memory_space<vmem>> -> memref<64xi32, #tpu.memory_space<vmem>>
      %dma_wait3A_29 = arith.constant 0 : i32
      %dma_wait3A_30 = arith.constant 0 : i32
      %dma_wait3A_31 = tpu.memref_slice %arg2[%dma_wait3A_29, %dma_wait3A_30] : memref<32768x768xf32, #tpu.memory_space<hbm>> -> memref<32768x768xf32, #tpu.memory_space<hbm>>
      tpu.wait_indirect_dma semaphore(%arg8 : memref<!tpu.dma_semaphore, #tpu.memory_space<semaphore_mem>>) src(%dma_wait3A_31 : memref<32768x768xf32, #tpu.memory_space<hbm>>) dst(%arg6 : memref<64x768xf32, #tpu.memory_space<vmem>>)
      %add3A_32 = arith.constant 0 : i32
      %add3A_33 = arith.addi %mul3A_2, %add3A_32 : i32
      "tpu.region"() ({
        %run_scoped3A = tpu.sem_alloc : memref<!tpu.dma_semaphore, #tpu.memory_space<semaphore_mem>>
        %dma_start3A_246 = arith.constant 0 : i32
        %dma_start3A_247 = tpu.memref_slice %arg4[%add3A_33, %dma_start3A_246] : memref<24576x768xf32, #tpu.memory_space<hbm>> -> memref<64x768xf32, #tpu.memory_space<hbm>>
        %dma_start3A_248 = arith.constant 0 : i32
        %dma_start3A_249 = tpu.memref_slice %arg4[%add3A_33, %dma_start3A_248] : memref<24576x768xf32, #tpu.memory_space<hbm>> -> memref<64x768xf32, #tpu.memory_space<hbm>>
        tpu.enqueue_dma source(%arg6 : memref<64x768xf32, #tpu.memory_space<vmem>>) target(%dma_start3A_249 : memref<64x768xf32, #tpu.memory_space<hbm>>) target_semaphore(%run_scoped3A : memref<!tpu.dma_semaphore, #tpu.memory_space<semaphore_mem>>)
        %dma_wait3A_250 = arith.constant 0 : i32
        %dma_wait3A_251 = tpu.memref_slice %arg4[%add3A_33, %dma_wait3A_250] : memref<24576x768xf32, #tpu.memory_space<hbm>> -> memref<64x768xf32, #tpu.memory_space<hbm>>
        %dma_wait3A_252 = arith.constant 0 : i32
        %dma_wait3A_253 = tpu.memref_slice %arg4[%add3A_33, %dma_wait3A_252] : memref<24576x768xf32, #tpu.memory_space<hbm>> -> memref<64x768xf32, #tpu.memory_space<hbm>>
        tpu.wait_dma2 semaphore(%run_scoped3A : memref<!tpu.dma_semaphore, #tpu.memory_space<semaphore_mem>>) src(%arg6 : memref<64x768xf32, #tpu.memory_space<vmem>>) dst(%dma_wait3A_253 : memref<64x768xf32, #tpu.memory_space<hbm>>)
        tpu.yield
      }) : () -> ()
      %dma_start3A_34 = arith.constant 64 : i32
      %dma_start3A_35 = tpu.memref_slice %arg5[%dma_start3A_34] : memref<768xi32, #tpu.memory_space<vmem>> -> memref<64xi32, #tpu.memory_space<vmem>>
      %dma_start3A_36 = arith.constant 0 : i32
      %dma_start3A_37 = arith.constant 0 : i32
      %dma_start3A_38 = tpu.memref_slice %arg2[%dma_start3A_36, %dma_start3A_37] : memref<32768x768xf32, #tpu.memory_space<hbm>> -> memref<32768x768xf32, #tpu.memory_space<hbm>>
      tpu.enqueue_indirect_dma source(%dma_start3A_38 : memref<32768x768xf32, #tpu.memory_space<hbm>>) target(%arg6 : memref<64x768xf32, #tpu.memory_space<vmem>>) offsets(%dma_start3A_35 : memref<64xi32, #tpu.memory_space<vmem>>) semaphore(%arg8 : memref<!tpu.dma_semaphore, #tpu.memory_space<semaphore_mem>>)
      %dma_wait3A_39 = arith.constant 64 : i32
      %dma_wait3A_40 = tpu.memref_slice %arg5[%dma_wait3A_39] : memref<768xi32, #tpu.memory_space<vmem>> -> memref<64xi32, #tpu.memory_space<vmem>>
      %dma_wait3A_41 = arith.constant 0 : i32
      %dma_wait3A_42 = arith.constant 0 : i32
      %dma_wait3A_43 = tpu.memref_slice %arg2[%dma_wait3A_41, %dma_wait3A_42] : memref<32768x768xf32, #tpu.memory_space<hbm>> -> memref<32768x768xf32, #tpu.memory_space<hbm>>
      tpu.wait_indirect_dma semaphore(%arg8 : memref<!tpu.dma_semaphore, #tpu.memory_space<semaphore_mem>>) src(%dma_wait3A_43 : memref<32768x768xf32, #tpu.memory_space<hbm>>) dst(%arg6 : memref<64x768xf32, #tpu.memory_space<vmem>>)
      %add3A_44 = arith.constant 64 : i32
      %add3A_45 = arith.addi %mul3A_2, %add3A_44 : i32
      "tpu.region"() ({
        %run_scoped3A = tpu.sem_alloc : memref<!tpu.dma_semaphore, #tpu.memory_space<semaphore_mem>>
        %dma_start3A_246 = arith.constant 0 : i32
        %dma_start3A_247 = tpu.memref_slice %arg4[%add3A_45, %dma_start3A_246] : memref<24576x768xf32, #tpu.memory_space<hbm>> -> memref<64x768xf32, #tpu.memory_space<hbm>>
        %dma_start3A_248 = arith.constant 0 : i32
        %dma_start3A_249 = tpu.memref_slice %arg4[%add3A_45, %dma_start3A_248] : memref<24576x768xf32, #tpu.memory_space<hbm>> -> memref<64x768xf32, #tpu.memory_space<hbm>>
        tpu.enqueue_dma source(%arg6 : memref<64x768xf32, #tpu.memory_space<vmem>>) target(%dma_start3A_249 : memref<64x768xf32, #tpu.memory_space<hbm>>) target_semaphore(%run_scoped3A : memref<!tpu.dma_semaphore, #tpu.memory_space<semaphore_mem>>)
        %dma_wait3A_250 = arith.constant 0 : i32
        %dma_wait3A_251 = tpu.memref_slice %arg4[%add3A_45, %dma_wait3A_250] : memref<24576x768xf32, #tpu.memory_space<hbm>> -> memref<64x768xf32, #tpu.memory_space<hbm>>
        %dma_wait3A_252 = arith.constant 0 : i32
        %dma_wait3A_253 = tpu.memref_slice %arg4[%add3A_45, %dma_wait3A_252] : memref<24576x768xf32, #tpu.memory_space<hbm>> -> memref<64x768xf32, #tpu.memory_space<hbm>>
        tpu.wait_dma2 semaphore(%run_scoped3A : memref<!tpu.dma_semaphore, #tpu.memory_space<semaphore_mem>>) src(%arg6 : memref<64x768xf32, #tpu.memory_space<vmem>>) dst(%dma_wait3A_253 : memref<64x768xf32, #tpu.memory_space<hbm>>)
        tpu.yield
      }) : () -> ()
      %dma_start3A_46 = arith.constant 128 : i32
      %dma_start3A_47 = tpu.memref_slice %arg5[%dma_start3A_46] : memref<768xi32, #tpu.memory_space<vmem>> -> memref<64xi32, #tpu.memory_space<vmem>>
      %dma_start3A_48 = arith.constant 0 : i32
      %dma_start3A_49 = arith.constant 0 : i32
      %dma_start3A_50 = tpu.memref_slice %arg2[%dma_start3A_48, %dma_start3A_49] : memref<32768x768xf32, #tpu.memory_space<hbm>> -> memref<32768x768xf32, #tpu.memory_space<hbm>>
      tpu.enqueue_indirect_dma source(%dma_start3A_50 : memref<32768x768xf32, #tpu.memory_space<hbm>>) target(%arg6 : memref<64x768xf32, #tpu.memory_space<vmem>>) offsets(%dma_start3A_47 : memref<64xi32, #tpu.memory_space<vmem>>) semaphore(%arg8 : memref<!tpu.dma_semaphore, #tpu.memory_space<semaphore_mem>>)
      %dma_wait3A_51 = arith.constant 128 : i32
      %dma_wait3A_52 = tpu.memref_slice %arg5[%dma_wait3A_51] : memref<768xi32, #tpu.memory_space<vmem>> -> memref<64xi32, #tpu.memory_space<vmem>>
      %dma_wait3A_53 = arith.constant 0 : i32
      %dma_wait3A_54 = arith.constant 0 : i32
      %dma_wait3A_55 = tpu.memref_slice %arg2[%dma_wait3A_53, %dma_wait3A_54] : memref<32768x768xf32, #tpu.memory_space<hbm>> -> memref<32768x768xf32, #tpu.memory_space<hbm>>
      tpu.wait_indirect_dma semaphore(%arg8 : memref<!tpu.dma_semaphore, #tpu.memory_space<semaphore_mem>>) src(%dma_wait3A_55 : memref<32768x768xf32, #tpu.memory_space<hbm>>) dst(%arg6 : memref<64x768xf32, #tpu.memory_space<vmem>>)
      %add3A_56 = arith.constant 128 : i32
      %add3A_57 = arith.addi %mul3A_2, %add3A_56 : i32
      "tpu.region"() ({
        %run_scoped3A = tpu.sem_alloc : memref<!tpu.dma_semaphore, #tpu.memory_space<semaphore_mem>>
        %dma_start3A_246 = arith.constant 0 : i32
        %dma_start3A_247 = tpu.memref_slice %arg4[%add3A_57, %dma_start3A_246] : memref<24576x768xf32, #tpu.memory_space<hbm>> -> memref<64x768xf32, #tpu.memory_space<hbm>>
        %dma_start3A_248 = arith.constant 0 : i32
        %dma_start3A_249 = tpu.memref_slice %arg4[%add3A_57, %dma_start3A_248] : memref<24576x768xf32, #tpu.memory_space<hbm>> -> memref<64x768xf32, #tpu.memory_space<hbm>>
        tpu.enqueue_dma source(%arg6 : memref<64x768xf32, #tpu.memory_space<vmem>>) target(%dma_start3A_249 : memref<64x768xf32, #tpu.memory_space<hbm>>) target_semaphore(%run_scoped3A : memref<!tpu.dma_semaphore, #tpu.memory_space<semaphore_mem>>)
        %dma_wait3A_250 = arith.constant 0 : i32
        %dma_wait3A_251 = tpu.memref_slice %arg4[%add3A_57, %dma_wait3A_250] : memref<24576x768xf32, #tpu.memory_space<hbm>> -> memref<64x768xf32, #tpu.memory_space<hbm>>
        %dma_wait3A_252 = arith.constant 0 : i32
        %dma_wait3A_253 = tpu.memref_slice %arg4[%add3A_57, %dma_wait3A_252] : memref<24576x768xf32, #tpu.memory_space<hbm>> -> memref<64x768xf32, #tpu.memory_space<hbm>>
        tpu.wait_dma2 semaphore(%run_scoped3A : memref<!tpu.dma_semaphore, #tpu.memory_space<semaphore_mem>>) src(%arg6 : memref<64x768xf32, #tpu.memory_space<vmem>>) dst(%dma_wait3A_253 : memref<64x768xf32, #tpu.memory_space<hbm>>)
        tpu.yield
      }) : () -> ()
      %dma_start3A_58 = arith.constant 192 : i32
      %dma_start3A_59 = tpu.memref_slice %arg5[%dma_start3A_58] : memref<768xi32, #tpu.memory_space<vmem>> -> memref<64xi32, #tpu.memory_space<vmem>>
      %dma_start3A_60 = arith.constant 0 : i32
      %dma_start3A_61 = arith.constant 0 : i32
      %dma_start3A_62 = tpu.memref_slice %arg2[%dma_start3A_60, %dma_start3A_61] : memref<32768x768xf32, #tpu.memory_space<hbm>> -> memref<32768x768xf32, #tpu.memory_space<hbm>>
      tpu.enqueue_indirect_dma source(%dma_start3A_62 : memref<32768x768xf32, #tpu.memory_space<hbm>>) target(%arg6 : memref<64x768xf32, #tpu.memory_space<vmem>>) offsets(%dma_start3A_59 : memref<64xi32, #tpu.memory_space<vmem>>) semaphore(%arg8 : memref<!tpu.dma_semaphore, #tpu.memory_space<semaphore_mem>>)
      %dma_wait3A_63 = arith.constant 192 : i32
      %dma_wait3A_64 = tpu.memref_slice %arg5[%dma_wait3A_63] : memref<768xi32, #tpu.memory_space<vmem>> -> memref<64xi32, #tpu.memory_space<vmem>>
      %dma_wait3A_65 = arith.constant 0 : i32
      %dma_wait3A_66 = arith.constant 0 : i32
      %dma_wait3A_67 = tpu.memref_slice %arg2[%dma_wait3A_65, %dma_wait3A_66] : memref<32768x768xf32, #tpu.memory_space<hbm>> -> memref<32768x768xf32, #tpu.memory_space<hbm>>
      tpu.wait_indirect_dma semaphore(%arg8 : memref<!tpu.dma_semaphore, #tpu.memory_space<semaphore_mem>>) src(%dma_wait3A_67 : memref<32768x768xf32, #tpu.memory_space<hbm>>) dst(%arg6 : memref<64x768xf32, #tpu.memory_space<vmem>>)
      %add3A_68 = arith.constant 192 : i32
      %add3A_69 = arith.addi %mul3A_2, %add3A_68 : i32
      "tpu.region"() ({
        %run_scoped3A = tpu.sem_alloc : memref<!tpu.dma_semaphore, #tpu.memory_space<semaphore_mem>>
        %dma_start3A_246 = arith.constant 0 : i32
        %dma_start3A_247 = tpu.memref_slice %arg4[%add3A_69, %dma_start3A_246] : memref<24576x768xf32, #tpu.memory_space<hbm>> -> memref<64x768xf32, #tpu.memory_space<hbm>>
        %dma_start3A_248 = arith.constant 0 : i32
        %dma_start3A_249 = tpu.memref_slice %arg4[%add3A_69, %dma_start3A_248] : memref<24576x768xf32, #tpu.memory_space<hbm>> -> memref<64x768xf32, #tpu.memory_space<hbm>>
        tpu.enqueue_dma source(%arg6 : memref<64x768xf32, #tpu.memory_space<vmem>>) target(%dma_start3A_249 : memref<64x768xf32, #tpu.memory_space<hbm>>) target_semaphore(%run_scoped3A : memref<!tpu.dma_semaphore, #tpu.memory_space<semaphore_mem>>)
        %dma_wait3A_250 = arith.constant 0 : i32
        %dma_wait3A_251 = tpu.memref_slice %arg4[%add3A_69, %dma_wait3A_250] : memref<24576x768xf32, #tpu.memory_space<hbm>> -> memref<64x768xf32, #tpu.memory_space<hbm>>
        %dma_wait3A_252 = arith.constant 0 : i32
        %dma_wait3A_253 = tpu.memref_slice %arg4[%add3A_69, %dma_wait3A_252] : memref<24576x768xf32, #tpu.memory_space<hbm>> -> memref<64x768xf32, #tpu.memory_space<hbm>>
        tpu.wait_dma2 semaphore(%run_scoped3A : memref<!tpu.dma_semaphore, #tpu.memory_space<semaphore_mem>>) src(%arg6 : memref<64x768xf32, #tpu.memory_space<vmem>>) dst(%dma_wait3A_253 : memref<64x768xf32, #tpu.memory_space<hbm>>)
        tpu.yield
      }) : () -> ()
      %dma_start3A_70 = arith.constant 0 : i32
      %dma_start3A_71 = arith.constant 0 : i32
      %dma_start3A_72 = tpu.memref_slice %arg6[%dma_start3A_70, %dma_start3A_71] : memref<64x768xf32, #tpu.memory_space<vmem>> -> memref<32x768xf32, #tpu.memory_space<vmem>>
      %dma_start3A_73 = arith.constant 256 : i32
      %dma_start3A_74 = tpu.memref_slice %arg5[%dma_start3A_73] : memref<768xi32, #tpu.memory_space<vmem>> -> memref<32xi32, #tpu.memory_space<vmem>>
      %dma_start3A_75 = arith.constant 0 : i32
      %dma_start3A_76 = arith.constant 0 : i32
      %dma_start3A_77 = tpu.memref_slice %arg2[%dma_start3A_75, %dma_start3A_76] : memref<32768x768xf32, #tpu.memory_space<hbm>> -> memref<32768x768xf32, #tpu.memory_space<hbm>>
      tpu.enqueue_indirect_dma source(%dma_start3A_77 : memref<32768x768xf32, #tpu.memory_space<hbm>>) target(%dma_start3A_72 : memref<32x768xf32, #tpu.memory_space<vmem>>) offsets(%dma_start3A_74 : memref<32xi32, #tpu.memory_space<vmem>>) semaphore(%arg8 : memref<!tpu.dma_semaphore, #tpu.memory_space<semaphore_mem>>)
      %dma_wait3A_78 = arith.constant 0 : i32
      %dma_wait3A_79 = arith.constant 0 : i32
      %dma_wait3A_80 = tpu.memref_slice %arg6[%dma_wait3A_78, %dma_wait3A_79] : memref<64x768xf32, #tpu.memory_space<vmem>> -> memref<32x768xf32, #tpu.memory_space<vmem>>
      %dma_wait3A_81 = arith.constant 256 : i32
      %dma_wait3A_82 = tpu.memref_slice %arg5[%dma_wait3A_81] : memref<768xi32, #tpu.memory_space<vmem>> -> memref<32xi32, #tpu.memory_space<vmem>>
      %dma_wait3A_83 = arith.constant 0 : i32
      %dma_wait3A_84 = arith.constant 0 : i32
      %dma_wait3A_85 = tpu.memref_slice %arg2[%dma_wait3A_83, %dma_wait3A_84] : memref<32768x768xf32, #tpu.memory_space<hbm>> -> memref<32768x768xf32, #tpu.memory_space<hbm>>
      tpu.wait_indirect_dma semaphore(%arg8 : memref<!tpu.dma_semaphore, #tpu.memory_space<semaphore_mem>>) src(%dma_wait3A_85 : memref<32768x768xf32, #tpu.memory_space<hbm>>) dst(%dma_wait3A_80 : memref<32x768xf32, #tpu.memory_space<vmem>>)
      %add3A_86 = arith.constant 256 : i32
      %add3A_87 = arith.addi %mul3A_2, %add3A_86 : i32
      "tpu.region"() ({
        %run_scoped3A = tpu.sem_alloc : memref<!tpu.dma_semaphore, #tpu.memory_space<semaphore_mem>>
        %dma_start3A_246 = arith.constant 0 : i32
        %dma_start3A_247 = arith.constant 0 : i32
        %dma_start3A_248 = tpu.memref_slice %arg6[%dma_start3A_246, %dma_start3A_247] : memref<64x768xf32, #tpu.memory_space<vmem>> -> memref<32x768xf32, #tpu.memory_space<vmem>>
        %dma_start3A_249 = arith.constant 0 : i32
        %dma_start3A_250 = tpu.memref_slice %arg4[%add3A_87, %dma_start3A_249] : memref<24576x768xf32, #tpu.memory_space<hbm>> -> memref<32x768xf32, #tpu.memory_space<hbm>>
        %dma_start3A_251 = arith.constant 0 : i32
        %dma_start3A_252 = tpu.memref_slice %arg4[%add3A_87, %dma_start3A_251] : memref<24576x768xf32, #tpu.memory_space<hbm>> -> memref<32x768xf32, #tpu.memory_space<hbm>>
        %dma_start3A_253 = arith.constant 0 : i32
        %dma_start3A_254 = arith.constant 0 : i32
        %dma_start3A_255 = tpu.memref_slice %arg6[%dma_start3A_253, %dma_start3A_254] : memref<64x768xf32, #tpu.memory_space<vmem>> -> memref<32x768xf32, #tpu.memory_space<vmem>>
        tpu.enqueue_dma source(%dma_start3A_255 : memref<32x768xf32, #tpu.memory_space<vmem>>) target(%dma_start3A_252 : memref<32x768xf32, #tpu.memory_space<hbm>>) target_semaphore(%run_scoped3A : memref<!tpu.dma_semaphore, #tpu.memory_space<semaphore_mem>>)
        %dma_wait3A_256 = arith.constant 0 : i32
        %dma_wait3A_257 = arith.constant 0 : i32
        %dma_wait3A_258 = tpu.memref_slice %arg6[%dma_wait3A_256, %dma_wait3A_257] : memref<64x768xf32, #tpu.memory_space<vmem>> -> memref<32x768xf32, #tpu.memory_space<vmem>>
        %dma_wait3A_259 = arith.constant 0 : i32
        %dma_wait3A_260 = tpu.memref_slice %arg4[%add3A_87, %dma_wait3A_259] : memref<24576x768xf32, #tpu.memory_space<hbm>> -> memref<32x768xf32, #tpu.memory_space<hbm>>
        %dma_wait3A_261 = arith.constant 0 : i32
        %dma_wait3A_262 = tpu.memref_slice %arg4[%add3A_87, %dma_wait3A_261] : memref<24576x768xf32, #tpu.memory_space<hbm>> -> memref<32x768xf32, #tpu.memory_space<hbm>>
        %dma_wait3A_263 = arith.constant 0 : i32
        %dma_wait3A_264 = arith.constant 0 : i32
        %dma_wait3A_265 = tpu.memref_slice %arg6[%dma_wait3A_263, %dma_wait3A_264] : memref<64x768xf32, #tpu.memory_space<vmem>> -> memref<32x768xf32, #tpu.memory_space<vmem>>
        tpu.wait_dma2 semaphore(%run_scoped3A : memref<!tpu.dma_semaphore, #tpu.memory_space<semaphore_mem>>) src(%dma_wait3A_265 : memref<32x768xf32, #tpu.memory_space<vmem>>) dst(%dma_wait3A_262 : memref<32x768xf32, #tpu.memory_space<hbm>>)
        tpu.yield
      }) : () -> ()
      %add3A_88 = arith.constant 256 : i32
      %add3A_89 = arith.addi %mul3A_2, %add3A_88 : i32
      %add3A_90 = arith.constant 32 : i32
      %add3A_91 = arith.addi %add3A_89, %add3A_90 : i32
      "tpu.region"() ({
        %run_scoped3A = tpu.sem_alloc : memref<!tpu.dma_semaphore, #tpu.memory_space<semaphore_mem>>
        %dma_start3A_246 = arith.constant 0 : i32
        %dma_start3A_247 = tpu.memref_slice %arg4[%add3A_91, %dma_start3A_246] : memref<24576x768xf32, #tpu.memory_space<hbm>> -> memref<32x768xf32, #tpu.memory_space<hbm>>
        %dma_start3A_248 = arith.constant 0 : i32
        %dma_start3A_249 = tpu.memref_slice %arg4[%add3A_91, %dma_start3A_248] : memref<24576x768xf32, #tpu.memory_space<hbm>> -> memref<32x768xf32, #tpu.memory_space<hbm>>
        tpu.enqueue_dma source(%arg7 : memref<32x768xf32, #tpu.memory_space<vmem>>) target(%dma_start3A_249 : memref<32x768xf32, #tpu.memory_space<hbm>>) target_semaphore(%run_scoped3A : memref<!tpu.dma_semaphore, #tpu.memory_space<semaphore_mem>>)
        %dma_wait3A_250 = arith.constant 0 : i32
        %dma_wait3A_251 = tpu.memref_slice %arg4[%add3A_91, %dma_wait3A_250] : memref<24576x768xf32, #tpu.memory_space<hbm>> -> memref<32x768xf32, #tpu.memory_space<hbm>>
        %dma_wait3A_252 = arith.constant 0 : i32
        %dma_wait3A_253 = tpu.memref_slice %arg4[%add3A_91, %dma_wait3A_252] : memref<24576x768xf32, #tpu.memory_space<hbm>> -> memref<32x768xf32, #tpu.memory_space<hbm>>
        tpu.wait_dma2 semaphore(%run_scoped3A : memref<!tpu.dma_semaphore, #tpu.memory_space<semaphore_mem>>) src(%arg7 : memref<32x768xf32, #tpu.memory_space<vmem>>) dst(%dma_wait3A_253 : memref<32x768xf32, #tpu.memory_space<hbm>>)
        tpu.yield
      }) : () -> ()
      %dma_start3A_92 = arith.constant 0 : i32
      %dma_start3A_93 = arith.constant 0 : i32
      %dma_start3A_94 = tpu.memref_slice %arg6[%dma_start3A_92, %dma_start3A_93] : memref<64x768xf32, #tpu.memory_space<vmem>> -> memref<32x768xf32, #tpu.memory_space<vmem>>
      %dma_start3A_95 = arith.constant 320 : i32
      %dma_start3A_96 = tpu.memref_slice %arg5[%dma_start3A_95] : memref<768xi32, #tpu.memory_space<vmem>> -> memref<32xi32, #tpu.memory_space<vmem>>
      %dma_start3A_97 = arith.constant 0 : i32
      %dma_start3A_98 = arith.constant 0 : i32
      %dma_start3A_99 = tpu.memref_slice %arg2[%dma_start3A_97, %dma_start3A_98] : memref<32768x768xf32, #tpu.memory_space<hbm>> -> memref<32768x768xf32, #tpu.memory_space<hbm>>
      tpu.enqueue_indirect_dma source(%dma_start3A_99 : memref<32768x768xf32, #tpu.memory_space<hbm>>) target(%dma_start3A_94 : memref<32x768xf32, #tpu.memory_space<vmem>>) offsets(%dma_start3A_96 : memref<32xi32, #tpu.memory_space<vmem>>) semaphore(%arg8 : memref<!tpu.dma_semaphore, #tpu.memory_space<semaphore_mem>>)
      %dma_wait3A_100 = arith.constant 0 : i32
      %dma_wait3A_101 = arith.constant 0 : i32
      %dma_wait3A_102 = tpu.memref_slice %arg6[%dma_wait3A_100, %dma_wait3A_101] : memref<64x768xf32, #tpu.memory_space<vmem>> -> memref<32x768xf32, #tpu.memory_space<vmem>>
      %dma_wait3A_103 = arith.constant 320 : i32
      %dma_wait3A_104 = tpu.memref_slice %arg5[%dma_wait3A_103] : memref<768xi32, #tpu.memory_space<vmem>> -> memref<32xi32, #tpu.memory_space<vmem>>
      %dma_wait3A_105 = arith.constant 0 : i32
      %dma_wait3A_106 = arith.constant 0 : i32
      %dma_wait3A_107 = tpu.memref_slice %arg2[%dma_wait3A_105, %dma_wait3A_106] : memref<32768x768xf32, #tpu.memory_space<hbm>> -> memref<32768x768xf32, #tpu.memory_space<hbm>>
      tpu.wait_indirect_dma semaphore(%arg8 : memref<!tpu.dma_semaphore, #tpu.memory_space<semaphore_mem>>) src(%dma_wait3A_107 : memref<32768x768xf32, #tpu.memory_space<hbm>>) dst(%dma_wait3A_102 : memref<32x768xf32, #tpu.memory_space<vmem>>)
      %add3A_108 = arith.constant 320 : i32
      %add3A_109 = arith.addi %mul3A_2, %add3A_108 : i32
      "tpu.region"() ({
        %run_scoped3A = tpu.sem_alloc : memref<!tpu.dma_semaphore, #tpu.memory_space<semaphore_mem>>
        %dma_start3A_246 = arith.constant 0 : i32
        %dma_start3A_247 = arith.constant 0 : i32
        %dma_start3A_248 = tpu.memref_slice %arg6[%dma_start3A_246, %dma_start3A_247] : memref<64x768xf32, #tpu.memory_space<vmem>> -> memref<32x768xf32, #tpu.memory_space<vmem>>
        %dma_start3A_249 = arith.constant 0 : i32
        %dma_start3A_250 = tpu.memref_slice %arg4[%add3A_109, %dma_start3A_249] : memref<24576x768xf32, #tpu.memory_space<hbm>> -> memref<32x768xf32, #tpu.memory_space<hbm>>
        %dma_start3A_251 = arith.constant 0 : i32
        %dma_start3A_252 = tpu.memref_slice %arg4[%add3A_109, %dma_start3A_251] : memref<24576x768xf32, #tpu.memory_space<hbm>> -> memref<32x768xf32, #tpu.memory_space<hbm>>
        %dma_start3A_253 = arith.constant 0 : i32
        %dma_start3A_254 = arith.constant 0 : i32
        %dma_start3A_255 = tpu.memref_slice %arg6[%dma_start3A_253, %dma_start3A_254] : memref<64x768xf32, #tpu.memory_space<vmem>> -> memref<32x768xf32, #tpu.memory_space<vmem>>
        tpu.enqueue_dma source(%dma_start3A_255 : memref<32x768xf32, #tpu.memory_space<vmem>>) target(%dma_start3A_252 : memref<32x768xf32, #tpu.memory_space<hbm>>) target_semaphore(%run_scoped3A : memref<!tpu.dma_semaphore, #tpu.memory_space<semaphore_mem>>)
        %dma_wait3A_256 = arith.constant 0 : i32
        %dma_wait3A_257 = arith.constant 0 : i32
        %dma_wait3A_258 = tpu.memref_slice %arg6[%dma_wait3A_256, %dma_wait3A_257] : memref<64x768xf32, #tpu.memory_space<vmem>> -> memref<32x768xf32, #tpu.memory_space<vmem>>
        %dma_wait3A_259 = arith.constant 0 : i32
        %dma_wait3A_260 = tpu.memref_slice %arg4[%add3A_109, %dma_wait3A_259] : memref<24576x768xf32, #tpu.memory_space<hbm>> -> memref<32x768xf32, #tpu.memory_space<hbm>>
        %dma_wait3A_261 = arith.constant 0 : i32
        %dma_wait3A_262 = tpu.memref_slice %arg4[%add3A_109, %dma_wait3A_261] : memref<24576x768xf32, #tpu.memory_space<hbm>> -> memref<32x768xf32, #tpu.memory_space<hbm>>
        %dma_wait3A_263 = arith.constant 0 : i32
        %dma_wait3A_264 = arith.constant 0 : i32
        %dma_wait3A_265 = tpu.memref_slice %arg6[%dma_wait3A_263, %dma_wait3A_264] : memref<64x768xf32, #tpu.memory_space<vmem>> -> memref<32x768xf32, #tpu.memory_space<vmem>>
        tpu.wait_dma2 semaphore(%run_scoped3A : memref<!tpu.dma_semaphore, #tpu.memory_space<semaphore_mem>>) src(%dma_wait3A_265 : memref<32x768xf32, #tpu.memory_space<vmem>>) dst(%dma_wait3A_262 : memref<32x768xf32, #tpu.memory_space<hbm>>)
        tpu.yield
      }) : () -> ()
      %add3A_110 = arith.constant 320 : i32
      %add3A_111 = arith.addi %mul3A_2, %add3A_110 : i32
      %add3A_112 = arith.constant 32 : i32
      %add3A_113 = arith.addi %add3A_111, %add3A_112 : i32
      "tpu.region"() ({
        %run_scoped3A = tpu.sem_alloc : memref<!tpu.dma_semaphore, #tpu.memory_space<semaphore_mem>>
        %dma_start3A_246 = arith.constant 0 : i32
        %dma_start3A_247 = tpu.memref_slice %arg4[%add3A_113, %dma_start3A_246] : memref<24576x768xf32, #tpu.memory_space<hbm>> -> memref<32x768xf32, #tpu.memory_space<hbm>>
        %dma_start3A_248 = arith.constant 0 : i32
        %dma_start3A_249 = tpu.memref_slice %arg4[%add3A_113, %dma_start3A_248] : memref<24576x768xf32, #tpu.memory_space<hbm>> -> memref<32x768xf32, #tpu.memory_space<hbm>>
        tpu.enqueue_dma source(%arg7 : memref<32x768xf32, #tpu.memory_space<vmem>>) target(%dma_start3A_249 : memref<32x768xf32, #tpu.memory_space<hbm>>) target_semaphore(%run_scoped3A : memref<!tpu.dma_semaphore, #tpu.memory_space<semaphore_mem>>)
        %dma_wait3A_250 = arith.constant 0 : i32
        %dma_wait3A_251 = tpu.memref_slice %arg4[%add3A_113, %dma_wait3A_250] : memref<24576x768xf32, #tpu.memory_space<hbm>> -> memref<32x768xf32, #tpu.memory_space<hbm>>
        %dma_wait3A_252 = arith.constant 0 : i32
        %dma_wait3A_253 = tpu.memref_slice %arg4[%add3A_113, %dma_wait3A_252] : memref<24576x768xf32, #tpu.memory_space<hbm>> -> memref<32x768xf32, #tpu.memory_space<hbm>>
        tpu.wait_dma2 semaphore(%run_scoped3A : memref<!tpu.dma_semaphore, #tpu.memory_space<semaphore_mem>>) src(%arg7 : memref<32x768xf32, #tpu.memory_space<vmem>>) dst(%dma_wait3A_253 : memref<32x768xf32, #tpu.memory_space<hbm>>)
        tpu.yield
      }) : () -> ()
      %dma_start3A_114 = arith.constant 0 : i32
      %dma_start3A_115 = arith.constant 0 : i32
      %dma_start3A_116 = tpu.memref_slice %arg6[%dma_start3A_114, %dma_start3A_115] : memref<64x768xf32, #tpu.memory_space<vmem>> -> memref<32x768xf32, #tpu.memory_space<vmem>>
      %dma_start3A_117 = arith.constant 384 : i32
      %dma_start3A_118 = tpu.memref_slice %arg5[%dma_start3A_117] : memref<768xi32, #tpu.memory_space<vmem>> -> memref<32xi32, #tpu.memory_space<vmem>>
      %dma_start3A_119 = arith.constant 0 : i32
      %dma_start3A_120 = arith.constant 0 : i32
      %dma_start3A_121 = tpu.memref_slice %arg2[%dma_start3A_119, %dma_start3A_120] : memref<32768x768xf32, #tpu.memory_space<hbm>> -> memref<32768x768xf32, #tpu.memory_space<hbm>>
      tpu.enqueue_indirect_dma source(%dma_start3A_121 : memref<32768x768xf32, #tpu.memory_space<hbm>>) target(%dma_start3A_116 : memref<32x768xf32, #tpu.memory_space<vmem>>) offsets(%dma_start3A_118 : memref<32xi32, #tpu.memory_space<vmem>>) semaphore(%arg8 : memref<!tpu.dma_semaphore, #tpu.memory_space<semaphore_mem>>)
      %dma_wait3A_122 = arith.constant 0 : i32
      %dma_wait3A_123 = arith.constant 0 : i32
      %dma_wait3A_124 = tpu.memref_slice %arg6[%dma_wait3A_122, %dma_wait3A_123] : memref<64x768xf32, #tpu.memory_space<vmem>> -> memref<32x768xf32, #tpu.memory_space<vmem>>
      %dma_wait3A_125 = arith.constant 384 : i32
      %dma_wait3A_126 = tpu.memref_slice %arg5[%dma_wait3A_125] : memref<768xi32, #tpu.memory_space<vmem>> -> memref<32xi32, #tpu.memory_space<vmem>>
      %dma_wait3A_127 = arith.constant 0 : i32
      %dma_wait3A_128 = arith.constant 0 : i32
      %dma_wait3A_129 = tpu.memref_slice %arg2[%dma_wait3A_127, %dma_wait3A_128] : memref<32768x768xf32, #tpu.memory_space<hbm>> -> memref<32768x768xf32, #tpu.memory_space<hbm>>
      tpu.wait_indirect_dma semaphore(%arg8 : memref<!tpu.dma_semaphore, #tpu.memory_space<semaphore_mem>>) src(%dma_wait3A_129 : memref<32768x768xf32, #tpu.memory_space<hbm>>) dst(%dma_wait3A_124 : memref<32x768xf32, #tpu.memory_space<vmem>>)
      %add3A_130 = arith.constant 384 : i32
      %add3A_131 = arith.addi %mul3A_2, %add3A_130 : i32
      "tpu.region"() ({
        %run_scoped3A = tpu.sem_alloc : memref<!tpu.dma_semaphore, #tpu.memory_space<semaphore_mem>>
        %dma_start3A_246 = arith.constant 0 : i32
        %dma_start3A_247 = arith.constant 0 : i32
        %dma_start3A_248 = tpu.memref_slice %arg6[%dma_start3A_246, %dma_start3A_247] : memref<64x768xf32, #tpu.memory_space<vmem>> -> memref<32x768xf32, #tpu.memory_space<vmem>>
        %dma_start3A_249 = arith.constant 0 : i32
        %dma_start3A_250 = tpu.memref_slice %arg4[%add3A_131, %dma_start3A_249] : memref<24576x768xf32, #tpu.memory_space<hbm>> -> memref<32x768xf32, #tpu.memory_space<hbm>>
        %dma_start3A_251 = arith.constant 0 : i32
        %dma_start3A_252 = tpu.memref_slice %arg4[%add3A_131, %dma_start3A_251] : memref<24576x768xf32, #tpu.memory_space<hbm>> -> memref<32x768xf32, #tpu.memory_space<hbm>>
        %dma_start3A_253 = arith.constant 0 : i32
        %dma_start3A_254 = arith.constant 0 : i32
        %dma_start3A_255 = tpu.memref_slice %arg6[%dma_start3A_253, %dma_start3A_254] : memref<64x768xf32, #tpu.memory_space<vmem>> -> memref<32x768xf32, #tpu.memory_space<vmem>>
        tpu.enqueue_dma source(%dma_start3A_255 : memref<32x768xf32, #tpu.memory_space<vmem>>) target(%dma_start3A_252 : memref<32x768xf32, #tpu.memory_space<hbm>>) target_semaphore(%run_scoped3A : memref<!tpu.dma_semaphore, #tpu.memory_space<semaphore_mem>>)
        %dma_wait3A_256 = arith.constant 0 : i32
        %dma_wait3A_257 = arith.constant 0 : i32
        %dma_wait3A_258 = tpu.memref_slice %arg6[%dma_wait3A_256, %dma_wait3A_257] : memref<64x768xf32, #tpu.memory_space<vmem>> -> memref<32x768xf32, #tpu.memory_space<vmem>>
        %dma_wait3A_259 = arith.constant 0 : i32
        %dma_wait3A_260 = tpu.memref_slice %arg4[%add3A_131, %dma_wait3A_259] : memref<24576x768xf32, #tpu.memory_space<hbm>> -> memref<32x768xf32, #tpu.memory_space<hbm>>
        %dma_wait3A_261 = arith.constant 0 : i32
        %dma_wait3A_262 = tpu.memref_slice %arg4[%add3A_131, %dma_wait3A_261] : memref<24576x768xf32, #tpu.memory_space<hbm>> -> memref<32x768xf32, #tpu.memory_space<hbm>>
        %dma_wait3A_263 = arith.constant 0 : i32
        %dma_wait3A_264 = arith.constant 0 : i32
        %dma_wait3A_265 = tpu.memref_slice %arg6[%dma_wait3A_263, %dma_wait3A_264] : memref<64x768xf32, #tpu.memory_space<vmem>> -> memref<32x768xf32, #tpu.memory_space<vmem>>
        tpu.wait_dma2 semaphore(%run_scoped3A : memref<!tpu.dma_semaphore, #tpu.memory_space<semaphore_mem>>) src(%dma_wait3A_265 : memref<32x768xf32, #tpu.memory_space<vmem>>) dst(%dma_wait3A_262 : memref<32x768xf32, #tpu.memory_space<hbm>>)
        tpu.yield
      }) : () -> ()
      %add3A_132 = arith.constant 384 : i32
      %add3A_133 = arith.addi %mul3A_2, %add3A_132 : i32
      %add3A_134 = arith.constant 32 : i32
      %add3A_135 = arith.addi %add3A_133, %add3A_134 : i32
      "tpu.region"() ({
        %run_scoped3A = tpu.sem_alloc : memref<!tpu.dma_semaphore, #tpu.memory_space<semaphore_mem>>
        %dma_start3A_246 = arith.constant 0 : i32
        %dma_start3A_247 = tpu.memref_slice %arg4[%add3A_135, %dma_start3A_246] : memref<24576x768xf32, #tpu.memory_space<hbm>> -> memref<32x768xf32, #tpu.memory_space<hbm>>
        %dma_start3A_248 = arith.constant 0 : i32
        %dma_start3A_249 = tpu.memref_slice %arg4[%add3A_135, %dma_start3A_248] : memref<24576x768xf32, #tpu.memory_space<hbm>> -> memref<32x768xf32, #tpu.memory_space<hbm>>
        tpu.enqueue_dma source(%arg7 : memref<32x768xf32, #tpu.memory_space<vmem>>) target(%dma_start3A_249 : memref<32x768xf32, #tpu.memory_space<hbm>>) target_semaphore(%run_scoped3A : memref<!tpu.dma_semaphore, #tpu.memory_space<semaphore_mem>>)
        %dma_wait3A_250 = arith.constant 0 : i32
        %dma_wait3A_251 = tpu.memref_slice %arg4[%add3A_135, %dma_wait3A_250] : memref<24576x768xf32, #tpu.memory_space<hbm>> -> memref<32x768xf32, #tpu.memory_space<hbm>>
        %dma_wait3A_252 = arith.constant 0 : i32
        %dma_wait3A_253 = tpu.memref_slice %arg4[%add3A_135, %dma_wait3A_252] : memref<24576x768xf32, #tpu.memory_space<hbm>> -> memref<32x768xf32, #tpu.memory_space<hbm>>
        tpu.wait_dma2 semaphore(%run_scoped3A : memref<!tpu.dma_semaphore, #tpu.memory_space<semaphore_mem>>) src(%arg7 : memref<32x768xf32, #tpu.memory_space<vmem>>) dst(%dma_wait3A_253 : memref<32x768xf32, #tpu.memory_space<hbm>>)
        tpu.yield
      }) : () -> ()
      %dma_start3A_136 = arith.constant 0 : i32
      %dma_start3A_137 = arith.constant 0 : i32
      %dma_start3A_138 = tpu.memref_slice %arg6[%dma_start3A_136, %dma_start3A_137] : memref<64x768xf32, #tpu.memory_space<vmem>> -> memref<32x768xf32, #tpu.memory_space<vmem>>
      %dma_start3A_139 = arith.constant 448 : i32
      %dma_start3A_140 = tpu.memref_slice %arg5[%dma_start3A_139] : memref<768xi32, #tpu.memory_space<vmem>> -> memref<32xi32, #tpu.memory_space<vmem>>
      %dma_start3A_141 = arith.constant 0 : i32
      %dma_start3A_142 = arith.constant 0 : i32
      %dma_start3A_143 = tpu.memref_slice %arg2[%dma_start3A_141, %dma_start3A_142] : memref<32768x768xf32, #tpu.memory_space<hbm>> -> memref<32768x768xf32, #tpu.memory_space<hbm>>
      tpu.enqueue_indirect_dma source(%dma_start3A_143 : memref<32768x768xf32, #tpu.memory_space<hbm>>) target(%dma_start3A_138 : memref<32x768xf32, #tpu.memory_space<vmem>>) offsets(%dma_start3A_140 : memref<32xi32, #tpu.memory_space<vmem>>) semaphore(%arg8 : memref<!tpu.dma_semaphore, #tpu.memory_space<semaphore_mem>>)
      %dma_wait3A_144 = arith.constant 0 : i32
      %dma_wait3A_145 = arith.constant 0 : i32
      %dma_wait3A_146 = tpu.memref_slice %arg6[%dma_wait3A_144, %dma_wait3A_145] : memref<64x768xf32, #tpu.memory_space<vmem>> -> memref<32x768xf32, #tpu.memory_space<vmem>>
      %dma_wait3A_147 = arith.constant 448 : i32
      %dma_wait3A_148 = tpu.memref_slice %arg5[%dma_wait3A_147] : memref<768xi32, #tpu.memory_space<vmem>> -> memref<32xi32, #tpu.memory_space<vmem>>
      %dma_wait3A_149 = arith.constant 0 : i32
      %dma_wait3A_150 = arith.constant 0 : i32
      %dma_wait3A_151 = tpu.memref_slice %arg2[%dma_wait3A_149, %dma_wait3A_150] : memref<32768x768xf32, #tpu.memory_space<hbm>> -> memref<32768x768xf32, #tpu.memory_space<hbm>>
      tpu.wait_indirect_dma semaphore(%arg8 : memref<!tpu.dma_semaphore, #tpu.memory_space<semaphore_mem>>) src(%dma_wait3A_151 : memref<32768x768xf32, #tpu.memory_space<hbm>>) dst(%dma_wait3A_146 : memref<32x768xf32, #tpu.memory_space<vmem>>)
      %add3A_152 = arith.constant 448 : i32
      %add3A_153 = arith.addi %mul3A_2, %add3A_152 : i32
      "tpu.region"() ({
        %run_scoped3A = tpu.sem_alloc : memref<!tpu.dma_semaphore, #tpu.memory_space<semaphore_mem>>
        %dma_start3A_246 = arith.constant 0 : i32
        %dma_start3A_247 = arith.constant 0 : i32
        %dma_start3A_248 = tpu.memref_slice %arg6[%dma_start3A_246, %dma_start3A_247] : memref<64x768xf32, #tpu.memory_space<vmem>> -> memref<32x768xf32, #tpu.memory_space<vmem>>
        %dma_start3A_249 = arith.constant 0 : i32
        %dma_start3A_250 = tpu.memref_slice %arg4[%add3A_153, %dma_start3A_249] : memref<24576x768xf32, #tpu.memory_space<hbm>> -> memref<32x768xf32, #tpu.memory_space<hbm>>
        %dma_start3A_251 = arith.constant 0 : i32
        %dma_start3A_252 = tpu.memref_slice %arg4[%add3A_153, %dma_start3A_251] : memref<24576x768xf32, #tpu.memory_space<hbm>> -> memref<32x768xf32, #tpu.memory_space<hbm>>
        %dma_start3A_253 = arith.constant 0 : i32
        %dma_start3A_254 = arith.constant 0 : i32
        %dma_start3A_255 = tpu.memref_slice %arg6[%dma_start3A_253, %dma_start3A_254] : memref<64x768xf32, #tpu.memory_space<vmem>> -> memref<32x768xf32, #tpu.memory_space<vmem>>
        tpu.enqueue_dma source(%dma_start3A_255 : memref<32x768xf32, #tpu.memory_space<vmem>>) target(%dma_start3A_252 : memref<32x768xf32, #tpu.memory_space<hbm>>) target_semaphore(%run_scoped3A : memref<!tpu.dma_semaphore, #tpu.memory_space<semaphore_mem>>)
        %dma_wait3A_256 = arith.constant 0 : i32
        %dma_wait3A_257 = arith.constant 0 : i32
        %dma_wait3A_258 = tpu.memref_slice %arg6[%dma_wait3A_256, %dma_wait3A_257] : memref<64x768xf32, #tpu.memory_space<vmem>> -> memref<32x768xf32, #tpu.memory_space<vmem>>
        %dma_wait3A_259 = arith.constant 0 : i32
        %dma_wait3A_260 = tpu.memref_slice %arg4[%add3A_153, %dma_wait3A_259] : memref<24576x768xf32, #tpu.memory_space<hbm>> -> memref<32x768xf32, #tpu.memory_space<hbm>>
        %dma_wait3A_261 = arith.constant 0 : i32
        %dma_wait3A_262 = tpu.memref_slice %arg4[%add3A_153, %dma_wait3A_261] : memref<24576x768xf32, #tpu.memory_space<hbm>> -> memref<32x768xf32, #tpu.memory_space<hbm>>
        %dma_wait3A_263 = arith.constant 0 : i32
        %dma_wait3A_264 = arith.constant 0 : i32
        %dma_wait3A_265 = tpu.memref_slice %arg6[%dma_wait3A_263, %dma_wait3A_264] : memref<64x768xf32, #tpu.memory_space<vmem>> -> memref<32x768xf32, #tpu.memory_space<vmem>>
        tpu.wait_dma2 semaphore(%run_scoped3A : memref<!tpu.dma_semaphore, #tpu.memory_space<semaphore_mem>>) src(%dma_wait3A_265 : memref<32x768xf32, #tpu.memory_space<vmem>>) dst(%dma_wait3A_262 : memref<32x768xf32, #tpu.memory_space<hbm>>)
        tpu.yield
      }) : () -> ()
      %add3A_154 = arith.constant 448 : i32
      %add3A_155 = arith.addi %mul3A_2, %add3A_154 : i32
      %add3A_156 = arith.constant 32 : i32
      %add3A_157 = arith.addi %add3A_155, %add3A_156 : i32
      "tpu.region"() ({
        %run_scoped3A = tpu.sem_alloc : memref<!tpu.dma_semaphore, #tpu.memory_space<semaphore_mem>>
        %dma_start3A_246 = arith.constant 0 : i32
        %dma_start3A_247 = tpu.memref_slice %arg4[%add3A_157, %dma_start3A_246] : memref<24576x768xf32, #tpu.memory_space<hbm>> -> memref<32x768xf32, #tpu.memory_space<hbm>>
        %dma_start3A_248 = arith.constant 0 : i32
        %dma_start3A_249 = tpu.memref_slice %arg4[%add3A_157, %dma_start3A_248] : memref<24576x768xf32, #tpu.memory_space<hbm>> -> memref<32x768xf32, #tpu.memory_space<hbm>>
        tpu.enqueue_dma source(%arg7 : memref<32x768xf32, #tpu.memory_space<vmem>>) target(%dma_start3A_249 : memref<32x768xf32, #tpu.memory_space<hbm>>) target_semaphore(%run_scoped3A : memref<!tpu.dma_semaphore, #tpu.memory_space<semaphore_mem>>)
        %dma_wait3A_250 = arith.constant 0 : i32
        %dma_wait3A_251 = tpu.memref_slice %arg4[%add3A_157, %dma_wait3A_250] : memref<24576x768xf32, #tpu.memory_space<hbm>> -> memref<32x768xf32, #tpu.memory_space<hbm>>
        %dma_wait3A_252 = arith.constant 0 : i32
        %dma_wait3A_253 = tpu.memref_slice %arg4[%add3A_157, %dma_wait3A_252] : memref<24576x768xf32, #tpu.memory_space<hbm>> -> memref<32x768xf32, #tpu.memory_space<hbm>>
        tpu.wait_dma2 semaphore(%run_scoped3A : memref<!tpu.dma_semaphore, #tpu.memory_space<semaphore_mem>>) src(%arg7 : memref<32x768xf32, #tpu.memory_space<vmem>>) dst(%dma_wait3A_253 : memref<32x768xf32, #tpu.memory_space<hbm>>)
        tpu.yield
      }) : () -> ()
      %dma_start3A_158 = arith.constant 0 : i32
      %dma_start3A_159 = arith.constant 0 : i32
      %dma_start3A_160 = tpu.memref_slice %arg6[%dma_start3A_158, %dma_start3A_159] : memref<64x768xf32, #tpu.memory_space<vmem>> -> memref<32x768xf32, #tpu.memory_space<vmem>>
      %dma_start3A_161 = arith.constant 512 : i32
      %dma_start3A_162 = tpu.memref_slice %arg5[%dma_start3A_161] : memref<768xi32, #tpu.memory_space<vmem>> -> memref<32xi32, #tpu.memory_space<vmem>>
      %dma_start3A_163 = arith.constant 0 : i32
      %dma_start3A_164 = arith.constant 0 : i32
      %dma_start3A_165 = tpu.memref_slice %arg2[%dma_start3A_163, %dma_start3A_164] : memref<32768x768xf32, #tpu.memory_space<hbm>> -> memref<32768x768xf32, #tpu.memory_space<hbm>>
      tpu.enqueue_indirect_dma source(%dma_start3A_165 : memref<32768x768xf32, #tpu.memory_space<hbm>>) target(%dma_start3A_160 : memref<32x768xf32, #tpu.memory_space<vmem>>) offsets(%dma_start3A_162 : memref<32xi32, #tpu.memory_space<vmem>>) semaphore(%arg8 : memref<!tpu.dma_semaphore, #tpu.memory_space<semaphore_mem>>)
      %dma_wait3A_166 = arith.constant 0 : i32
      %dma_wait3A_167 = arith.constant 0 : i32
      %dma_wait3A_168 = tpu.memref_slice %arg6[%dma_wait3A_166, %dma_wait3A_167] : memref<64x768xf32, #tpu.memory_space<vmem>> -> memref<32x768xf32, #tpu.memory_space<vmem>>
      %dma_wait3A_169 = arith.constant 512 : i32
      %dma_wait3A_170 = tpu.memref_slice %arg5[%dma_wait3A_169] : memref<768xi32, #tpu.memory_space<vmem>> -> memref<32xi32, #tpu.memory_space<vmem>>
      %dma_wait3A_171 = arith.constant 0 : i32
      %dma_wait3A_172 = arith.constant 0 : i32
      %dma_wait3A_173 = tpu.memref_slice %arg2[%dma_wait3A_171, %dma_wait3A_172] : memref<32768x768xf32, #tpu.memory_space<hbm>> -> memref<32768x768xf32, #tpu.memory_space<hbm>>
      tpu.wait_indirect_dma semaphore(%arg8 : memref<!tpu.dma_semaphore, #tpu.memory_space<semaphore_mem>>) src(%dma_wait3A_173 : memref<32768x768xf32, #tpu.memory_space<hbm>>) dst(%dma_wait3A_168 : memref<32x768xf32, #tpu.memory_space<vmem>>)
      %add3A_174 = arith.constant 512 : i32
      %add3A_175 = arith.addi %mul3A_2, %add3A_174 : i32
      "tpu.region"() ({
        %run_scoped3A = tpu.sem_alloc : memref<!tpu.dma_semaphore, #tpu.memory_space<semaphore_mem>>
        %dma_start3A_246 = arith.constant 0 : i32
        %dma_start3A_247 = arith.constant 0 : i32
        %dma_start3A_248 = tpu.memref_slice %arg6[%dma_start3A_246, %dma_start3A_247] : memref<64x768xf32, #tpu.memory_space<vmem>> -> memref<32x768xf32, #tpu.memory_space<vmem>>
        %dma_start3A_249 = arith.constant 0 : i32
        %dma_start3A_250 = tpu.memref_slice %arg4[%add3A_175, %dma_start3A_249] : memref<24576x768xf32, #tpu.memory_space<hbm>> -> memref<32x768xf32, #tpu.memory_space<hbm>>
        %dma_start3A_251 = arith.constant 0 : i32
        %dma_start3A_252 = tpu.memref_slice %arg4[%add3A_175, %dma_start3A_251] : memref<24576x768xf32, #tpu.memory_space<hbm>> -> memref<32x768xf32, #tpu.memory_space<hbm>>
        %dma_start3A_253 = arith.constant 0 : i32
        %dma_start3A_254 = arith.constant 0 : i32
        %dma_start3A_255 = tpu.memref_slice %arg6[%dma_start3A_253, %dma_start3A_254] : memref<64x768xf32, #tpu.memory_space<vmem>> -> memref<32x768xf32, #tpu.memory_space<vmem>>
        tpu.enqueue_dma source(%dma_start3A_255 : memref<32x768xf32, #tpu.memory_space<vmem>>) target(%dma_start3A_252 : memref<32x768xf32, #tpu.memory_space<hbm>>) target_semaphore(%run_scoped3A : memref<!tpu.dma_semaphore, #tpu.memory_space<semaphore_mem>>)
        %dma_wait3A_256 = arith.constant 0 : i32
        %dma_wait3A_257 = arith.constant 0 : i32
        %dma_wait3A_258 = tpu.memref_slice %arg6[%dma_wait3A_256, %dma_wait3A_257] : memref<64x768xf32, #tpu.memory_space<vmem>> -> memref<32x768xf32, #tpu.memory_space<vmem>>
        %dma_wait3A_259 = arith.constant 0 : i32
        %dma_wait3A_260 = tpu.memref_slice %arg4[%add3A_175, %dma_wait3A_259] : memref<24576x768xf32, #tpu.memory_space<hbm>> -> memref<32x768xf32, #tpu.memory_space<hbm>>
        %dma_wait3A_261 = arith.constant 0 : i32
        %dma_wait3A_262 = tpu.memref_slice %arg4[%add3A_175, %dma_wait3A_261] : memref<24576x768xf32, #tpu.memory_space<hbm>> -> memref<32x768xf32, #tpu.memory_space<hbm>>
        %dma_wait3A_263 = arith.constant 0 : i32
        %dma_wait3A_264 = arith.constant 0 : i32
        %dma_wait3A_265 = tpu.memref_slice %arg6[%dma_wait3A_263, %dma_wait3A_264] : memref<64x768xf32, #tpu.memory_space<vmem>> -> memref<32x768xf32, #tpu.memory_space<vmem>>
        tpu.wait_dma2 semaphore(%run_scoped3A : memref<!tpu.dma_semaphore, #tpu.memory_space<semaphore_mem>>) src(%dma_wait3A_265 : memref<32x768xf32, #tpu.memory_space<vmem>>) dst(%dma_wait3A_262 : memref<32x768xf32, #tpu.memory_space<hbm>>)
        tpu.yield
      }) : () -> ()
      %add3A_176 = arith.constant 512 : i32
      %add3A_177 = arith.addi %mul3A_2, %add3A_176 : i32
      %add3A_178 = arith.constant 32 : i32
      %add3A_179 = arith.addi %add3A_177, %add3A_178 : i32
      "tpu.region"() ({
        %run_scoped3A = tpu.sem_alloc : memref<!tpu.dma_semaphore, #tpu.memory_space<semaphore_mem>>
        %dma_start3A_246 = arith.constant 0 : i32
        %dma_start3A_247 = tpu.memref_slice %arg4[%add3A_179, %dma_start3A_246] : memref<24576x768xf32, #tpu.memory_space<hbm>> -> memref<32x768xf32, #tpu.memory_space<hbm>>
        %dma_start3A_248 = arith.constant 0 : i32
        %dma_start3A_249 = tpu.memref_slice %arg4[%add3A_179, %dma_start3A_248] : memref<24576x768xf32, #tpu.memory_space<hbm>> -> memref<32x768xf32, #tpu.memory_space<hbm>>
        tpu.enqueue_dma source(%arg7 : memref<32x768xf32, #tpu.memory_space<vmem>>) target(%dma_start3A_249 : memref<32x768xf32, #tpu.memory_space<hbm>>) target_semaphore(%run_scoped3A : memref<!tpu.dma_semaphore, #tpu.memory_space<semaphore_mem>>)
        %dma_wait3A_250 = arith.constant 0 : i32
        %dma_wait3A_251 = tpu.memref_slice %arg4[%add3A_179, %dma_wait3A_250] : memref<24576x768xf32, #tpu.memory_space<hbm>> -> memref<32x768xf32, #tpu.memory_space<hbm>>
        %dma_wait3A_252 = arith.constant 0 : i32
        %dma_wait3A_253 = tpu.memref_slice %arg4[%add3A_179, %dma_wait3A_252] : memref<24576x768xf32, #tpu.memory_space<hbm>> -> memref<32x768xf32, #tpu.memory_space<hbm>>
        tpu.wait_dma2 semaphore(%run_scoped3A : memref<!tpu.dma_semaphore, #tpu.memory_space<semaphore_mem>>) src(%arg7 : memref<32x768xf32, #tpu.memory_space<vmem>>) dst(%dma_wait3A_253 : memref<32x768xf32, #tpu.memory_space<hbm>>)
        tpu.yield
      }) : () -> ()
      %dma_start3A_180 = arith.constant 0 : i32
      %dma_start3A_181 = arith.constant 0 : i32
      %dma_start3A_182 = tpu.memref_slice %arg6[%dma_start3A_180, %dma_start3A_181] : memref<64x768xf32, #tpu.memory_space<vmem>> -> memref<32x768xf32, #tpu.memory_space<vmem>>
      %dma_start3A_183 = arith.constant 576 : i32
      %dma_start3A_184 = tpu.memref_slice %arg5[%dma_start3A_183] : memref<768xi32, #tpu.memory_space<vmem>> -> memref<32xi32, #tpu.memory_space<vmem>>
      %dma_start3A_185 = arith.constant 0 : i32
      %dma_start3A_186 = arith.constant 0 : i32
      %dma_start3A_187 = tpu.memref_slice %arg2[%dma_start3A_185, %dma_start3A_186] : memref<32768x768xf32, #tpu.memory_space<hbm>> -> memref<32768x768xf32, #tpu.memory_space<hbm>>
      tpu.enqueue_indirect_dma source(%dma_start3A_187 : memref<32768x768xf32, #tpu.memory_space<hbm>>) target(%dma_start3A_182 : memref<32x768xf32, #tpu.memory_space<vmem>>) offsets(%dma_start3A_184 : memref<32xi32, #tpu.memory_space<vmem>>) semaphore(%arg8 : memref<!tpu.dma_semaphore, #tpu.memory_space<semaphore_mem>>)
      %dma_wait3A_188 = arith.constant 0 : i32
      %dma_wait3A_189 = arith.constant 0 : i32
      %dma_wait3A_190 = tpu.memref_slice %arg6[%dma_wait3A_188, %dma_wait3A_189] : memref<64x768xf32, #tpu.memory_space<vmem>> -> memref<32x768xf32, #tpu.memory_space<vmem>>
      %dma_wait3A_191 = arith.constant 576 : i32
      %dma_wait3A_192 = tpu.memref_slice %arg5[%dma_wait3A_191] : memref<768xi32, #tpu.memory_space<vmem>> -> memref<32xi32, #tpu.memory_space<vmem>>
      %dma_wait3A_193 = arith.constant 0 : i32
      %dma_wait3A_194 = arith.constant 0 : i32
      %dma_wait3A_195 = tpu.memref_slice %arg2[%dma_wait3A_193, %dma_wait3A_194] : memref<32768x768xf32, #tpu.memory_space<hbm>> -> memref<32768x768xf32, #tpu.memory_space<hbm>>
      tpu.wait_indirect_dma semaphore(%arg8 : memref<!tpu.dma_semaphore, #tpu.memory_space<semaphore_mem>>) src(%dma_wait3A_195 : memref<32768x768xf32, #tpu.memory_space<hbm>>) dst(%dma_wait3A_190 : memref<32x768xf32, #tpu.memory_space<vmem>>)
      %add3A_196 = arith.constant 576 : i32
      %add3A_197 = arith.addi %mul3A_2, %add3A_196 : i32
      "tpu.region"() ({
        %run_scoped3A = tpu.sem_alloc : memref<!tpu.dma_semaphore, #tpu.memory_space<semaphore_mem>>
        %dma_start3A_246 = arith.constant 0 : i32
        %dma_start3A_247 = arith.constant 0 : i32
        %dma_start3A_248 = tpu.memref_slice %arg6[%dma_start3A_246, %dma_start3A_247] : memref<64x768xf32, #tpu.memory_space<vmem>> -> memref<32x768xf32, #tpu.memory_space<vmem>>
        %dma_start3A_249 = arith.constant 0 : i32
        %dma_start3A_250 = tpu.memref_slice %arg4[%add3A_197, %dma_start3A_249] : memref<24576x768xf32, #tpu.memory_space<hbm>> -> memref<32x768xf32, #tpu.memory_space<hbm>>
        %dma_start3A_251 = arith.constant 0 : i32
        %dma_start3A_252 = tpu.memref_slice %arg4[%add3A_197, %dma_start3A_251] : memref<24576x768xf32, #tpu.memory_space<hbm>> -> memref<32x768xf32, #tpu.memory_space<hbm>>
        %dma_start3A_253 = arith.constant 0 : i32
        %dma_start3A_254 = arith.constant 0 : i32
        %dma_start3A_255 = tpu.memref_slice %arg6[%dma_start3A_253, %dma_start3A_254] : memref<64x768xf32, #tpu.memory_space<vmem>> -> memref<32x768xf32, #tpu.memory_space<vmem>>
        tpu.enqueue_dma source(%dma_start3A_255 : memref<32x768xf32, #tpu.memory_space<vmem>>) target(%dma_start3A_252 : memref<32x768xf32, #tpu.memory_space<hbm>>) target_semaphore(%run_scoped3A : memref<!tpu.dma_semaphore, #tpu.memory_space<semaphore_mem>>)
        %dma_wait3A_256 = arith.constant 0 : i32
        %dma_wait3A_257 = arith.constant 0 : i32
        %dma_wait3A_258 = tpu.memref_slice %arg6[%dma_wait3A_256, %dma_wait3A_257] : memref<64x768xf32, #tpu.memory_space<vmem>> -> memref<32x768xf32, #tpu.memory_space<vmem>>
        %dma_wait3A_259 = arith.constant 0 : i32
        %dma_wait3A_260 = tpu.memref_slice %arg4[%add3A_197, %dma_wait3A_259] : memref<24576x768xf32, #tpu.memory_space<hbm>> -> memref<32x768xf32, #tpu.memory_space<hbm>>
        %dma_wait3A_261 = arith.constant 0 : i32
        %dma_wait3A_262 = tpu.memref_slice %arg4[%add3A_197, %dma_wait3A_261] : memref<24576x768xf32, #tpu.memory_space<hbm>> -> memref<32x768xf32, #tpu.memory_space<hbm>>
        %dma_wait3A_263 = arith.constant 0 : i32
        %dma_wait3A_264 = arith.constant 0 : i32
        %dma_wait3A_265 = tpu.memref_slice %arg6[%dma_wait3A_263, %dma_wait3A_264] : memref<64x768xf32, #tpu.memory_space<vmem>> -> memref<32x768xf32, #tpu.memory_space<vmem>>
        tpu.wait_dma2 semaphore(%run_scoped3A : memref<!tpu.dma_semaphore, #tpu.memory_space<semaphore_mem>>) src(%dma_wait3A_265 : memref<32x768xf32, #tpu.memory_space<vmem>>) dst(%dma_wait3A_262 : memref<32x768xf32, #tpu.memory_space<hbm>>)
        tpu.yield
      }) : () -> ()
      %add3A_198 = arith.constant 576 : i32
      %add3A_199 = arith.addi %mul3A_2, %add3A_198 : i32
      %add3A_200 = arith.constant 32 : i32
      %add3A_201 = arith.addi %add3A_199, %add3A_200 : i32
      "tpu.region"() ({
        %run_scoped3A = tpu.sem_alloc : memref<!tpu.dma_semaphore, #tpu.memory_space<semaphore_mem>>
        %dma_start3A_246 = arith.constant 0 : i32
        %dma_start3A_247 = tpu.memref_slice %arg4[%add3A_201, %dma_start3A_246] : memref<24576x768xf32, #tpu.memory_space<hbm>> -> memref<32x768xf32, #tpu.memory_space<hbm>>
        %dma_start3A_248 = arith.constant 0 : i32
        %dma_start3A_249 = tpu.memref_slice %arg4[%add3A_201, %dma_start3A_248] : memref<24576x768xf32, #tpu.memory_space<hbm>> -> memref<32x768xf32, #tpu.memory_space<hbm>>
        tpu.enqueue_dma source(%arg7 : memref<32x768xf32, #tpu.memory_space<vmem>>) target(%dma_start3A_249 : memref<32x768xf32, #tpu.memory_space<hbm>>) target_semaphore(%run_scoped3A : memref<!tpu.dma_semaphore, #tpu.memory_space<semaphore_mem>>)
        %dma_wait3A_250 = arith.constant 0 : i32
        %dma_wait3A_251 = tpu.memref_slice %arg4[%add3A_201, %dma_wait3A_250] : memref<24576x768xf32, #tpu.memory_space<hbm>> -> memref<32x768xf32, #tpu.memory_space<hbm>>
        %dma_wait3A_252 = arith.constant 0 : i32
        %dma_wait3A_253 = tpu.memref_slice %arg4[%add3A_201, %dma_wait3A_252] : memref<24576x768xf32, #tpu.memory_space<hbm>> -> memref<32x768xf32, #tpu.memory_space<hbm>>
        tpu.wait_dma2 semaphore(%run_scoped3A : memref<!tpu.dma_semaphore, #tpu.memory_space<semaphore_mem>>) src(%arg7 : memref<32x768xf32, #tpu.memory_space<vmem>>) dst(%dma_wait3A_253 : memref<32x768xf32, #tpu.memory_space<hbm>>)
        tpu.yield
      }) : () -> ()
      %dma_start3A_202 = arith.constant 0 : i32
      %dma_start3A_203 = arith.constant 0 : i32
      %dma_start3A_204 = tpu.memref_slice %arg6[%dma_start3A_202, %dma_start3A_203] : memref<64x768xf32, #tpu.memory_space<vmem>> -> memref<32x768xf32, #tpu.memory_space<vmem>>
      %dma_start3A_205 = arith.constant 640 : i32
      %dma_start3A_206 = tpu.memref_slice %arg5[%dma_start3A_205] : memref<768xi32, #tpu.memory_space<vmem>> -> memref<32xi32, #tpu.memory_space<vmem>>
      %dma_start3A_207 = arith.constant 0 : i32
      %dma_start3A_208 = arith.constant 0 : i32
      %dma_start3A_209 = tpu.memref_slice %arg2[%dma_start3A_207, %dma_start3A_208] : memref<32768x768xf32, #tpu.memory_space<hbm>> -> memref<32768x768xf32, #tpu.memory_space<hbm>>
      tpu.enqueue_indirect_dma source(%dma_start3A_209 : memref<32768x768xf32, #tpu.memory_space<hbm>>) target(%dma_start3A_204 : memref<32x768xf32, #tpu.memory_space<vmem>>) offsets(%dma_start3A_206 : memref<32xi32, #tpu.memory_space<vmem>>) semaphore(%arg8 : memref<!tpu.dma_semaphore, #tpu.memory_space<semaphore_mem>>)
      %dma_wait3A_210 = arith.constant 0 : i32
      %dma_wait3A_211 = arith.constant 0 : i32
      %dma_wait3A_212 = tpu.memref_slice %arg6[%dma_wait3A_210, %dma_wait3A_211] : memref<64x768xf32, #tpu.memory_space<vmem>> -> memref<32x768xf32, #tpu.memory_space<vmem>>
      %dma_wait3A_213 = arith.constant 640 : i32
      %dma_wait3A_214 = tpu.memref_slice %arg5[%dma_wait3A_213] : memref<768xi32, #tpu.memory_space<vmem>> -> memref<32xi32, #tpu.memory_space<vmem>>
      %dma_wait3A_215 = arith.constant 0 : i32
      %dma_wait3A_216 = arith.constant 0 : i32
      %dma_wait3A_217 = tpu.memref_slice %arg2[%dma_wait3A_215, %dma_wait3A_216] : memref<32768x768xf32, #tpu.memory_space<hbm>> -> memref<32768x768xf32, #tpu.memory_space<hbm>>
      tpu.wait_indirect_dma semaphore(%arg8 : memref<!tpu.dma_semaphore, #tpu.memory_space<semaphore_mem>>) src(%dma_wait3A_217 : memref<32768x768xf32, #tpu.memory_space<hbm>>) dst(%dma_wait3A_212 : memref<32x768xf32, #tpu.memory_space<vmem>>)
      %add3A_218 = arith.constant 640 : i32
      %add3A_219 = arith.addi %mul3A_2, %add3A_218 : i32
      "tpu.region"() ({
        %run_scoped3A = tpu.sem_alloc : memref<!tpu.dma_semaphore, #tpu.memory_space<semaphore_mem>>
        %dma_start3A_246 = arith.constant 0 : i32
        %dma_start3A_247 = arith.constant 0 : i32
        %dma_start3A_248 = tpu.memref_slice %arg6[%dma_start3A_246, %dma_start3A_247] : memref<64x768xf32, #tpu.memory_space<vmem>> -> memref<32x768xf32, #tpu.memory_space<vmem>>
        %dma_start3A_249 = arith.constant 0 : i32
        %dma_start3A_250 = tpu.memref_slice %arg4[%add3A_219, %dma_start3A_249] : memref<24576x768xf32, #tpu.memory_space<hbm>> -> memref<32x768xf32, #tpu.memory_space<hbm>>
        %dma_start3A_251 = arith.constant 0 : i32
        %dma_start3A_252 = tpu.memref_slice %arg4[%add3A_219, %dma_start3A_251] : memref<24576x768xf32, #tpu.memory_space<hbm>> -> memref<32x768xf32, #tpu.memory_space<hbm>>
        %dma_start3A_253 = arith.constant 0 : i32
        %dma_start3A_254 = arith.constant 0 : i32
        %dma_start3A_255 = tpu.memref_slice %arg6[%dma_start3A_253, %dma_start3A_254] : memref<64x768xf32, #tpu.memory_space<vmem>> -> memref<32x768xf32, #tpu.memory_space<vmem>>
        tpu.enqueue_dma source(%dma_start3A_255 : memref<32x768xf32, #tpu.memory_space<vmem>>) target(%dma_start3A_252 : memref<32x768xf32, #tpu.memory_space<hbm>>) target_semaphore(%run_scoped3A : memref<!tpu.dma_semaphore, #tpu.memory_space<semaphore_mem>>)
        %dma_wait3A_256 = arith.constant 0 : i32
        %dma_wait3A_257 = arith.constant 0 : i32
        %dma_wait3A_258 = tpu.memref_slice %arg6[%dma_wait3A_256, %dma_wait3A_257] : memref<64x768xf32, #tpu.memory_space<vmem>> -> memref<32x768xf32, #tpu.memory_space<vmem>>
        %dma_wait3A_259 = arith.constant 0 : i32
        %dma_wait3A_260 = tpu.memref_slice %arg4[%add3A_219, %dma_wait3A_259] : memref<24576x768xf32, #tpu.memory_space<hbm>> -> memref<32x768xf32, #tpu.memory_space<hbm>>
        %dma_wait3A_261 = arith.constant 0 : i32
        %dma_wait3A_262 = tpu.memref_slice %arg4[%add3A_219, %dma_wait3A_261] : memref<24576x768xf32, #tpu.memory_space<hbm>> -> memref<32x768xf32, #tpu.memory_space<hbm>>
        %dma_wait3A_263 = arith.constant 0 : i32
        %dma_wait3A_264 = arith.constant 0 : i32
        %dma_wait3A_265 = tpu.memref_slice %arg6[%dma_wait3A_263, %dma_wait3A_264] : memref<64x768xf32, #tpu.memory_space<vmem>> -> memref<32x768xf32, #tpu.memory_space<vmem>>
        tpu.wait_dma2 semaphore(%run_scoped3A : memref<!tpu.dma_semaphore, #tpu.memory_space<semaphore_mem>>) src(%dma_wait3A_265 : memref<32x768xf32, #tpu.memory_space<vmem>>) dst(%dma_wait3A_262 : memref<32x768xf32, #tpu.memory_space<hbm>>)
        tpu.yield
      }) : () -> ()
      %add3A_220 = arith.constant 640 : i32
      %add3A_221 = arith.addi %mul3A_2, %add3A_220 : i32
      %add3A_222 = arith.constant 32 : i32
      %add3A_223 = arith.addi %add3A_221, %add3A_222 : i32
      "tpu.region"() ({
        %run_scoped3A = tpu.sem_alloc : memref<!tpu.dma_semaphore, #tpu.memory_space<semaphore_mem>>
        %dma_start3A_246 = arith.constant 0 : i32
        %dma_start3A_247 = tpu.memref_slice %arg4[%add3A_223, %dma_start3A_246] : memref<24576x768xf32, #tpu.memory_space<hbm>> -> memref<32x768xf32, #tpu.memory_space<hbm>>
        %dma_start3A_248 = arith.constant 0 : i32
        %dma_start3A_249 = tpu.memref_slice %arg4[%add3A_223, %dma_start3A_248] : memref<24576x768xf32, #tpu.memory_space<hbm>> -> memref<32x768xf32, #tpu.memory_space<hbm>>
        tpu.enqueue_dma source(%arg7 : memref<32x768xf32, #tpu.memory_space<vmem>>) target(%dma_start3A_249 : memref<32x768xf32, #tpu.memory_space<hbm>>) target_semaphore(%run_scoped3A : memref<!tpu.dma_semaphore, #tpu.memory_space<semaphore_mem>>)
        %dma_wait3A_250 = arith.constant 0 : i32
        %dma_wait3A_251 = tpu.memref_slice %arg4[%add3A_223, %dma_wait3A_250] : memref<24576x768xf32, #tpu.memory_space<hbm>> -> memref<32x768xf32, #tpu.memory_space<hbm>>
        %dma_wait3A_252 = arith.constant 0 : i32
        %dma_wait3A_253 = tpu.memref_slice %arg4[%add3A_223, %dma_wait3A_252] : memref<24576x768xf32, #tpu.memory_space<hbm>> -> memref<32x768xf32, #tpu.memory_space<hbm>>
        tpu.wait_dma2 semaphore(%run_scoped3A : memref<!tpu.dma_semaphore, #tpu.memory_space<semaphore_mem>>) src(%arg7 : memref<32x768xf32, #tpu.memory_space<vmem>>) dst(%dma_wait3A_253 : memref<32x768xf32, #tpu.memory_space<hbm>>)
        tpu.yield
      }) : () -> ()
      %dma_start3A_224 = arith.constant 0 : i32
      %dma_start3A_225 = arith.constant 0 : i32
      %dma_start3A_226 = tpu.memref_slice %arg6[%dma_start3A_224, %dma_start3A_225] : memref<64x768xf32, #tpu.memory_space<vmem>> -> memref<32x768xf32, #tpu.memory_space<vmem>>
      %dma_start3A_227 = arith.constant 704 : i32
      %dma_start3A_228 = tpu.memref_slice %arg5[%dma_start3A_227] : memref<768xi32, #tpu.memory_space<vmem>> -> memref<32xi32, #tpu.memory_space<vmem>>
      %dma_start3A_229 = arith.constant 0 : i32
      %dma_start3A_230 = arith.constant 0 : i32
      %dma_start3A_231 = tpu.memref_slice %arg2[%dma_start3A_229, %dma_start3A_230] : memref<32768x768xf32, #tpu.memory_space<hbm>> -> memref<32768x768xf32, #tpu.memory_space<hbm>>
      tpu.enqueue_indirect_dma source(%dma_start3A_231 : memref<32768x768xf32, #tpu.memory_space<hbm>>) target(%dma_start3A_226 : memref<32x768xf32, #tpu.memory_space<vmem>>) offsets(%dma_start3A_228 : memref<32xi32, #tpu.memory_space<vmem>>) semaphore(%arg8 : memref<!tpu.dma_semaphore, #tpu.memory_space<semaphore_mem>>)
      %dma_wait3A_232 = arith.constant 0 : i32
      %dma_wait3A_233 = arith.constant 0 : i32
      %dma_wait3A_234 = tpu.memref_slice %arg6[%dma_wait3A_232, %dma_wait3A_233] : memref<64x768xf32, #tpu.memory_space<vmem>> -> memref<32x768xf32, #tpu.memory_space<vmem>>
      %dma_wait3A_235 = arith.constant 704 : i32
      %dma_wait3A_236 = tpu.memref_slice %arg5[%dma_wait3A_235] : memref<768xi32, #tpu.memory_space<vmem>> -> memref<32xi32, #tpu.memory_space<vmem>>
      %dma_wait3A_237 = arith.constant 0 : i32
      %dma_wait3A_238 = arith.constant 0 : i32
      %dma_wait3A_239 = tpu.memref_slice %arg2[%dma_wait3A_237, %dma_wait3A_238] : memref<32768x768xf32, #tpu.memory_space<hbm>> -> memref<32768x768xf32, #tpu.memory_space<hbm>>
      tpu.wait_indirect_dma semaphore(%arg8 : memref<!tpu.dma_semaphore, #tpu.memory_space<semaphore_mem>>) src(%dma_wait3A_239 : memref<32768x768xf32, #tpu.memory_space<hbm>>) dst(%dma_wait3A_234 : memref<32x768xf32, #tpu.memory_space<vmem>>)
      %add3A_240 = arith.constant 704 : i32
      %add3A_241 = arith.addi %mul3A_2, %add3A_240 : i32
      "tpu.region"() ({
        %run_scoped3A = tpu.sem_alloc : memref<!tpu.dma_semaphore, #tpu.memory_space<semaphore_mem>>
        %dma_start3A_246 = arith.constant 0 : i32
        %dma_start3A_247 = arith.constant 0 : i32
        %dma_start3A_248 = tpu.memref_slice %arg6[%dma_start3A_246, %dma_start3A_247] : memref<64x768xf32, #tpu.memory_space<vmem>> -> memref<32x768xf32, #tpu.memory_space<vmem>>
        %dma_start3A_249 = arith.constant 0 : i32
        %dma_start3A_250 = tpu.memref_slice %arg4[%add3A_241, %dma_start3A_249] : memref<24576x768xf32, #tpu.memory_space<hbm>> -> memref<32x768xf32, #tpu.memory_space<hbm>>
        %dma_start3A_251 = arith.constant 0 : i32
        %dma_start3A_252 = tpu.memref_slice %arg4[%add3A_241, %dma_start3A_251] : memref<24576x768xf32, #tpu.memory_space<hbm>> -> memref<32x768xf32, #tpu.memory_space<hbm>>
        %dma_start3A_253 = arith.constant 0 : i32
        %dma_start3A_254 = arith.constant 0 : i32
        %dma_start3A_255 = tpu.memref_slice %arg6[%dma_start3A_253, %dma_start3A_254] : memref<64x768xf32, #tpu.memory_space<vmem>> -> memref<32x768xf32, #tpu.memory_space<vmem>>
        tpu.enqueue_dma source(%dma_start3A_255 : memref<32x768xf32, #tpu.memory_space<vmem>>) target(%dma_start3A_252 : memref<32x768xf32, #tpu.memory_space<hbm>>) target_semaphore(%run_scoped3A : memref<!tpu.dma_semaphore, #tpu.memory_space<semaphore_mem>>)
        %dma_wait3A_256 = arith.constant 0 : i32
        %dma_wait3A_257 = arith.constant 0 : i32
        %dma_wait3A_258 = tpu.memref_slice %arg6[%dma_wait3A_256, %dma_wait3A_257] : memref<64x768xf32, #tpu.memory_space<vmem>> -> memref<32x768xf32, #tpu.memory_space<vmem>>
        %dma_wait3A_259 = arith.constant 0 : i32
        %dma_wait3A_260 = tpu.memref_slice %arg4[%add3A_241, %dma_wait3A_259] : memref<24576x768xf32, #tpu.memory_space<hbm>> -> memref<32x768xf32, #tpu.memory_space<hbm>>
        %dma_wait3A_261 = arith.constant 0 : i32
        %dma_wait3A_262 = tpu.memref_slice %arg4[%add3A_241, %dma_wait3A_261] : memref<24576x768xf32, #tpu.memory_space<hbm>> -> memref<32x768xf32, #tpu.memory_space<hbm>>
        %dma_wait3A_263 = arith.constant 0 : i32
        %dma_wait3A_264 = arith.constant 0 : i32
        %dma_wait3A_265 = tpu.memref_slice %arg6[%dma_wait3A_263, %dma_wait3A_264] : memref<64x768xf32, #tpu.memory_space<vmem>> -> memref<32x768xf32, #tpu.memory_space<vmem>>
        tpu.wait_dma2 semaphore(%run_scoped3A : memref<!tpu.dma_semaphore, #tpu.memory_space<semaphore_mem>>) src(%dma_wait3A_265 : memref<32x768xf32, #tpu.memory_space<vmem>>) dst(%dma_wait3A_262 : memref<32x768xf32, #tpu.memory_space<hbm>>)
        tpu.yield
      }) : () -> ()
      %add3A_242 = arith.constant 704 : i32
      %add3A_243 = arith.addi %mul3A_2, %add3A_242 : i32
      %add3A_244 = arith.constant 32 : i32
      %add3A_245 = arith.addi %add3A_243, %add3A_244 : i32
      "tpu.region"() ({
        %run_scoped3A = tpu.sem_alloc : memref<!tpu.dma_semaphore, #tpu.memory_space<semaphore_mem>>
        %dma_start3A_246 = arith.constant 0 : i32
        %dma_start3A_247 = tpu.memref_slice %arg4[%add3A_245, %dma_start3A_246] : memref<24576x768xf32, #tpu.memory_space<hbm>> -> memref<32x768xf32, #tpu.memory_space<hbm>>
        %dma_start3A_248 = arith.constant 0 : i32
        %dma_start3A_249 = tpu.memref_slice %arg4[%add3A_245, %dma_start3A_248] : memref<24576x768xf32, #tpu.memory_space<hbm>> -> memref<32x768xf32, #tpu.memory_space<hbm>>
        tpu.enqueue_dma source(%arg7 : memref<32x768xf32, #tpu.memory_space<vmem>>) target(%dma_start3A_249 : memref<32x768xf32, #tpu.memory_space<hbm>>) target_semaphore(%run_scoped3A : memref<!tpu.dma_semaphore, #tpu.memory_space<semaphore_mem>>)
        %dma_wait3A_250 = arith.constant 0 : i32
        %dma_wait3A_251 = tpu.memref_slice %arg4[%add3A_245, %dma_wait3A_250] : memref<24576x768xf32, #tpu.memory_space<hbm>> -> memref<32x768xf32, #tpu.memory_space<hbm>>
        %dma_wait3A_252 = arith.constant 0 : i32
        %dma_wait3A_253 = tpu.memref_slice %arg4[%add3A_245, %dma_wait3A_252] : memref<24576x768xf32, #tpu.memory_space<hbm>> -> memref<32x768xf32, #tpu.memory_space<hbm>>
        tpu.wait_dma2 semaphore(%run_scoped3A : memref<!tpu.dma_semaphore, #tpu.memory_space<semaphore_mem>>) src(%arg7 : memref<32x768xf32, #tpu.memory_space<vmem>>) dst(%dma_wait3A_253 : memref<32x768xf32, #tpu.memory_space<hbm>>)
        tpu.yield
      }) : () -> ()
    } else {
    }
    return
  }
}

module attributes {stable_mosaic.version = 14 : i64} {
  func.func @_score_body(%arg0: i32, %arg1: memref<1x4096x768xf32, #tpu.memory_space<vmem>>, %arg2: memref<768x192xf32, #tpu.memory_space<vmem>>, %arg3: memref<1x192xf32, #tpu.memory_space<vmem>>, %arg4: memref<192x1xf32, #tpu.memory_space<vmem>>, %arg5: memref<1x1xf32, #tpu.memory_space<vmem>>, %arg6: memref<64x4096xf32, #tpu.memory_space<vmem>>, %arg7: memref<1x1x48xi32, #tpu.memory_space<vmem>>) attributes {dimension_semantics = [#tpu.dimension_semantics<arbitrary>], iteration_bounds = array<i64: 8>, scalar_prefetch = 0 : i64, scratch_operands = 0 : i64, tpu.core_type = #tpu.core_type<tc>, window_params = [{transform_indices = @transform_0, window_bounds = array<i64: 1, 4096, 768>}, {pipeline_mode = #tpu.pipeline_mode<synchronous>, transform_indices = @transform_1, window_bounds = array<i64: 768, 192>}, {pipeline_mode = #tpu.pipeline_mode<synchronous>, transform_indices = @transform_2, window_bounds = array<i64: 1, 192>}, {pipeline_mode = #tpu.pipeline_mode<synchronous>, transform_indices = @transform_3, window_bounds = array<i64: 192, 1>}, {pipeline_mode = #tpu.pipeline_mode<synchronous>, transform_indices = @transform_4, window_bounds = array<i64: 1, 1>}, {pipeline_mode = #tpu.pipeline_mode<synchronous>, transform_indices = @transform_5, window_bounds = array<i64: 64, 4096>}, {transform_indices = @transform_6, window_bounds = array<i64: 1, 1, 48>}]} {
    %get3A = arith.constant 0 : index
    %get3A_0 = arith.constant 0 : index
    %get3A_1 = arith.constant 0 : index
    %get3A_2 = vector.load %arg1[%get3A, %get3A_0, %get3A_1] : memref<1x4096x768xf32, #tpu.memory_space<vmem>>, vector<1x4096x768xf32>
    %get3A_3 = vector.shape_cast %get3A_2 : vector<1x4096x768xf32> to vector<4096x768xf32>
    %get3A_4 = arith.constant 0 : index
    %get3A_5 = arith.constant 0 : index
    %get3A_6 = vector.load %arg2[%get3A_4, %get3A_5] : memref<768x192xf32, #tpu.memory_space<vmem>>, vector<768x192xf32>
    %dot_general3A = arith.constant dense<0.000000e+00> : vector<4096x192xf32>
    %dot_general3A_7 = tpu.matmul %get3A_3, %get3A_6, %dot_general3A {dimension_numbers = #tpu.dot_dimension_numbers<[1], [0], [0], [1], [0, 0, 1, 1], [], []>, transpose_lhs_hint = false} : vector<4096x768xf32>, vector<768x192xf32>, vector<4096x192xf32> -> vector<4096x192xf32>
    %get3A_8 = arith.constant 0 : index
    %get3A_9 = arith.constant 0 : index
    %get3A_10 = vector.load %arg3[%get3A_8, %get3A_9] : memref<1x192xf32, #tpu.memory_space<vmem>>, vector<1x192xf32>
    %add3A = vector.broadcast %get3A_10 : vector<1x192xf32> to vector<4096x192xf32>
    %add3A_11 = arith.addf %dot_general3A_7, %add3A : vector<4096x192xf32>
    %integer_pow3A = arith.mulf %add3A_11, %add3A_11 : vector<4096x192xf32>
    %integer_pow3A_12 = arith.mulf %add3A_11, %integer_pow3A : vector<4096x192xf32>
    %mul3A = arith.constant 4.471500e-02 : f32
    %mul3A_13 = vector.broadcast %mul3A : f32 to vector<4096x192xf32>
    %mul3A_14 = arith.mulf %mul3A_13, %integer_pow3A_12 : vector<4096x192xf32>
    %add3A_15 = arith.addf %add3A_11, %mul3A_14 : vector<4096x192xf32>
    %mul3A_16 = arith.constant 0.797884583 : f32
    %mul3A_17 = vector.broadcast %mul3A_16 : f32 to vector<4096x192xf32>
    %mul3A_18 = arith.mulf %mul3A_17, %add3A_15 : vector<4096x192xf32>
    %tanh3A = math.tanh %mul3A_18 : vector<4096x192xf32>
    %add3A_19 = arith.constant 1.000000e+00 : f32
    %add3A_20 = vector.broadcast %add3A_19 : f32 to vector<4096x192xf32>
    %add3A_21 = arith.addf %add3A_20, %tanh3A : vector<4096x192xf32>
    %mul3A_22 = arith.constant 5.000000e-01 : f32
    %mul3A_23 = vector.broadcast %mul3A_22 : f32 to vector<4096x192xf32>
    %mul3A_24 = arith.mulf %mul3A_23, %add3A_21 : vector<4096x192xf32>
    %mul3A_25 = arith.mulf %add3A_11, %mul3A_24 : vector<4096x192xf32>
    %get3A_26 = arith.constant 0 : index
    %get3A_27 = arith.constant 0 : index
    %get3A_28 = vector.load %arg4[%get3A_26, %get3A_27] : memref<192x1xf32, #tpu.memory_space<vmem>>, vector<192x1xf32>
    %dot_general3A_29 = arith.constant dense<0.000000e+00> : vector<4096x1xf32>
    %dot_general3A_30 = tpu.matmul %mul3A_25, %get3A_28, %dot_general3A_29 {dimension_numbers = #tpu.dot_dimension_numbers<[1], [0], [0], [1], [0, 0, 1, 1], [], []>, transpose_lhs_hint = false} : vector<4096x192xf32>, vector<192x1xf32>, vector<4096x1xf32> -> vector<4096x1xf32>
    %get3A_31 = arith.constant 0 : index
    %get3A_32 = arith.constant 0 : index
    %get3A_33 = vector.load %arg5[%get3A_31, %get3A_32] : memref<1x1xf32, #tpu.memory_space<vmem>>, vector<1x1xf32>
    %add3A_34 = vector.broadcast %get3A_33 : vector<1x1xf32> to vector<4096x1xf32>
    %add3A_35 = arith.addf %dot_general3A_30, %add3A_34 : vector<4096x1xf32>
    %logistic3A = arith.negf %add3A_35 : vector<4096x1xf32>
    %logistic3A_36 = math.exp %logistic3A : vector<4096x1xf32>
    %logistic3A_37 = arith.constant 1.000000e+00 : f32
    %logistic3A_38 = vector.broadcast %logistic3A_37 : f32 to vector<4096x1xf32>
    %logistic3A_39 = arith.addf %logistic3A_38, %logistic3A_36 : vector<4096x1xf32>
    %logistic3A_40 = arith.divf %logistic3A_38, %logistic3A_39 : vector<4096x1xf32>
    %get3A_41 = arith.constant 0 : index
    %get3A_42 = arith.constant 0 : index
    %get3A_43 = vector.load %arg6[%get3A_41, %get3A_42] : memref<64x4096xf32, #tpu.memory_space<vmem>>, vector<64x4096xf32>
    %dot_general3A_44 = arith.constant dense<0.000000e+00> : vector<64x1xf32>
    %dot_general3A_45 = tpu.matmul %get3A_43, %logistic3A_40, %dot_general3A_44 {dimension_numbers = #tpu.dot_dimension_numbers<[1], [0], [0], [1], [0, 0, 1, 1], [], []>, precision = #tpu.contract_precision<fp32>, transpose_lhs_hint = false} : vector<64x4096xf32>, vector<4096x1xf32>, vector<64x1xf32> -> vector<64x1xf32>
    %iota3A = tpu.iota {dimensions = array<i32: 0>} : vector<64x64xi32>
    %iota3A_46 = tpu.iota {dimensions = array<i32: 1>} : vector<64x64xi32>
    %eq3A = arith.cmpi eq, %iota3A, %iota3A_46 : vector<64x64xi32>
    %convert_element_type3A = arith.extui %eq3A : vector<64x64xi1> to vector<64x64xi32>
    %convert_element_type3A_47 = arith.sitofp %convert_element_type3A : vector<64x64xi32> to vector<64x64xf32>
    %mul3A_48 = vector.broadcast %dot_general3A_45 : vector<64x1xf32> to vector<64x64xf32>
    %mul3A_49 = arith.mulf %convert_element_type3A_47, %mul3A_48 : vector<64x64xf32>
    %reduce_sum3A = arith.constant dense<0.000000e+00> : vector<64xf32>
    %reduce_sum3A_50 = vector.multi_reduction <add>, %mul3A_49, %reduce_sum3A [0] : vector<64x64xf32> to vector<64xf32>
    %broadcast_in_dim3A = vector.shape_cast %reduce_sum3A_50 : vector<64xf32> to vector<1x64xf32>
    %gt3A = vector.broadcast %broadcast_in_dim3A : vector<1x64xf32> to vector<64x64xf32>
    %gt3A_51 = vector.broadcast %dot_general3A_45 : vector<64x1xf32> to vector<64x64xf32>
    %gt3A_52 = arith.cmpf ogt, %gt3A, %gt3A_51 : vector<64x64xf32>
    %eq3A_53 = vector.broadcast %broadcast_in_dim3A : vector<1x64xf32> to vector<64x64xf32>
    %eq3A_54 = vector.broadcast %dot_general3A_45 : vector<64x1xf32> to vector<64x64xf32>
    %eq3A_55 = arith.cmpf oeq, %eq3A_53, %eq3A_54 : vector<64x64xf32>
    %lt3A = arith.cmpi slt, %iota3A_46, %iota3A : vector<64x64xi32>
    %and3A = arith.andi %eq3A_55, %lt3A : vector<64x64xi1>
    %or3A = arith.ori %gt3A_52, %and3A : vector<64x64xi1>
    %convert_element_type3A_56 = arith.extui %or3A : vector<64x64xi1> to vector<64x64xi32>
    %convert_element_type3A_57 = arith.sitofp %convert_element_type3A_56 : vector<64x64xi32> to vector<64x64xf32>
    %reduce_sum3A_58 = arith.constant dense<0.000000e+00> : vector<64xf32>
    %reduce_sum3A_59 = vector.multi_reduction <add>, %convert_element_type3A_57, %reduce_sum3A_58 [1] : vector<64x64xf32> to vector<64xf32>
    %broadcast_in_dim3A_60 = vector.shape_cast %reduce_sum3A_59 : vector<64xf32> to vector<64x1xf32>
    %lt3A_61 = arith.constant 4.400000e+01 : f32
    %lt3A_62 = vector.broadcast %lt3A_61 : f32 to vector<64x1xf32>
    %lt3A_63 = arith.cmpf olt, %broadcast_in_dim3A_60, %lt3A_62 : vector<64x1xf32>
    %le3A = arith.cmpi sle, %iota3A_46, %iota3A : vector<64x64xi32>
    %convert_element_type3A_64 = arith.extui %le3A : vector<64x64xi1> to vector<64x64xi32>
    %convert_element_type3A_65 = arith.sitofp %convert_element_type3A_64 : vector<64x64xi32> to vector<64x64xf32>
    %convert_element_type3A_66 = arith.extui %lt3A_63 : vector<64x1xi1> to vector<64x1xi32>
    %convert_element_type3A_67 = arith.sitofp %convert_element_type3A_66 : vector<64x1xi32> to vector<64x1xf32>
    %dot_general3A_68 = arith.constant dense<0.000000e+00> : vector<64x1xf32>
    %dot_general3A_69 = tpu.matmul %convert_element_type3A_65, %convert_element_type3A_67, %dot_general3A_68 {dimension_numbers = #tpu.dot_dimension_numbers<[1], [0], [0], [1], [0, 0, 1, 1], [], []>, transpose_lhs_hint = false} : vector<64x64xf32>, vector<64x1xf32>, vector<64x1xf32> -> vector<64x1xf32>
    %sub3A = arith.constant 1.000000e+00 : f32
    %sub3A_70 = vector.broadcast %sub3A : f32 to vector<64x1xf32>
    %sub3A_71 = arith.subf %dot_general3A_69, %sub3A_70 : vector<64x1xf32>
    %iota3A_72 = tpu.iota {dimensions = array<i32: 1>} : vector<64x48xi32>
    %convert_element_type3A_73 = arith.sitofp %iota3A_72 : vector<64x48xi32> to vector<64x48xf32>
    %iota3A_74 = tpu.iota {dimensions = array<i32: 0>} : vector<64x48xi32>
    %convert_element_type3A_75 = arith.sitofp %iota3A_74 : vector<64x48xi32> to vector<64x48xf32>
    %eq3A_76 = vector.broadcast %sub3A_71 : vector<64x1xf32> to vector<64x48xf32>
    %eq3A_77 = arith.cmpf oeq, %eq3A_76, %convert_element_type3A_73 : vector<64x48xf32>
    %and3A_78 = vector.broadcast %lt3A_63 : vector<64x1xi1> to vector<64x48xi1>
    %and3A_79 = arith.andi %and3A_78, %eq3A_77 : vector<64x48xi1>
    %jit3A = arith.constant 0.000000e+00 : f32
    %broadcast_in_dim3A_80 = vector.broadcast %jit3A : f32 to vector<64x48xf32>
    %select_n3A = arith.select %and3A_79, %convert_element_type3A_75, %broadcast_in_dim3A_80 : vector<64x48xi1>, vector<64x48xf32>
    %reduce_sum3A_81 = arith.constant dense<0.000000e+00> : vector<48xf32>
    %reduce_sum3A_82 = vector.multi_reduction <add>, %select_n3A, %reduce_sum3A_81 [0] : vector<64x48xf32> to vector<48xf32>
    %broadcast_in_dim3A_83 = vector.shape_cast %reduce_sum3A_82 : vector<48xf32> to vector<1x48xf32>
    %convert_element_type3A_84 = arith.fptosi %broadcast_in_dim3A_83 : vector<1x48xf32> to vector<1x48xi32>
    %swap3A = arith.constant 0 : index
    %swap3A_85 = arith.constant 0 : index
    %swap3A_86 = arith.constant 0 : index
    %swap3A_87 = vector.load %arg7[%swap3A, %swap3A_85, %swap3A_86] : memref<1x1x48xi32, #tpu.memory_space<vmem>>, vector<1x1x48xi32>
    %swap3A_88 = vector.shape_cast %swap3A_87 : vector<1x1x48xi32> to vector<1x48xi32>
    %swap3A_89 = vector.shape_cast %convert_element_type3A_84 : vector<1x48xi32> to vector<1x1x48xi32>
    tpu.vector_store %arg7[%swap3A, %swap3A_85, %swap3A_86], %swap3A_89 {strides = array<i32>} : memref<1x1x48xi32, #tpu.memory_space<vmem>>, vector<1x1x48xi32>,
    return
  }
  func.func @transform_0(%arg0: i32) -> (i32, i32, i32) {
    %c0_i32 = arith.constant 0 : i32
    %c0_i32_0 = arith.constant 0 : i32
    %c0_i32_1 = arith.constant 0 : i32
    return %arg0, %c0_i32, %c0_i32_0 : i32, i32, i32
  }
  func.func @transform_1(%arg0: i32) -> (i32, i32) {
    %c0_i32 = arith.constant 0 : i32
    %c0_i32_0 = arith.constant 0 : i32
    %c0_i32_1 = arith.constant 0 : i32
    return %c0_i32, %c0_i32_0 : i32, i32
  }
  func.func @transform_2(%arg0: i32) -> (i32, i32) {
    %c0_i32 = arith.constant 0 : i32
    %c0_i32_0 = arith.constant 0 : i32
    %c0_i32_1 = arith.constant 0 : i32
    return %c0_i32, %c0_i32_0 : i32, i32
  }
  func.func @transform_3(%arg0: i32) -> (i32, i32) {
    %c0_i32 = arith.constant 0 : i32
    %c0_i32_0 = arith.constant 0 : i32
    %c0_i32_1 = arith.constant 0 : i32
    return %c0_i32, %c0_i32_0 : i32, i32
  }
  func.func @transform_4(%arg0: i32) -> (i32, i32) {
    %c0_i32 = arith.constant 0 : i32
    %c0_i32_0 = arith.constant 0 : i32
    %c0_i32_1 = arith.constant 0 : i32
    return %c0_i32, %c0_i32_0 : i32, i32
  }
  func.func @transform_5(%arg0: i32) -> (i32, i32) {
    %c0_i32 = arith.constant 0 : i32
    %c0_i32_0 = arith.constant 0 : i32
    %c0_i32_1 = arith.constant 0 : i32
    return %c0_i32, %c0_i32_0 : i32, i32
  }
  func.func @transform_6(%arg0: i32) -> (i32, i32, i32) {
    %c0_i32 = arith.constant 0 : i32
    %c0_i32_0 = arith.constant 0 : i32
    %c0_i32_1 = arith.constant 0 : i32
    return %arg0, %c0_i32, %c0_i32_0 : i32, i32, i32
  }
}

</mosaic_0001>

<sc_bundles>
// kernel: kernel.4.cloned.1.call-start
scs
__scs_entry_jumppad:
0x0: {  	(pc) =	sbr.rel $0x88, $3  }
0x1: {  	(tag) =	ssettag $0x0;
	lr =	simm.s32 $0x1  }
0x2: {  	[smem:$0x3F9C] =	sst lr;
	_ =	strace $0xD0000000  }
0x3: {  	_ = 	snop  }
0x4: {  	_ = 	snop  }
0x5: {  	_ = 	snop  }
0x6: {  	_ = 	snop  }
0x7: {  	_ = 	snop  }
__scs_overlays_trampoline_lowered:
0x8: {  	[smem:$0x3FAB] =	sst s0  }
0x9: {  	[smem:$0x3FAC] =	sst s1  }
0xa: {  	[smem:$0x3FAD] =	sst s2  }
0xb: {  	[smem:$0x3FAE] =	sst s3  }
0xc: {  	[smem:$0x3FAF] =	sst s4  }
0xd: {  	[smem:$0x3FB0] =	sst s5  }
0xe: {  	[smem:$0x3FB1] =	sst s6  }
0xf: {  	[smem:$0x3FB2] =	sst s7  }
0x10: {  	[smem:$0x3FB3] =	sst s8  }
0x11: {  	[smem:$0x3FB4] =	sst s9;
	s0 =	simm.s32 @!p0 $0x0  }
0x12: {  	s1 =	sld [smem:$0x3F9A];
	s0 =	simm.s32 @p0 $0x1  }
0x13: {  	[smem:$0x3FB5] =	sst s0;
	s0 =	simm.s32 @!p1 $0x0  }
0x14: {  	s2 =	sld [smem:$0x3F99];
	s0 =	simm.s32 @p1 $0x1  }
0x15: {  	[smem:$0x3FB6] =	sst s0;
	s0 =	simm.s32 @!p2 $0x0  }
0x16: {  	s3 =	sld [smem:$0x3FDB];
	s0 =	simm.s32 @p2 $0x1  }
0x17: {  	s4 =	simm.s32 $0x1BF5;
	[smem:$0x3FB8] =	sst s0  }
0x18: {  	s0 =	sld [smem:$0x3F9B];
	_ =	swait.ge [sflag:s4], $0x0  }
0x19: {  	s7 =	sld [smem:$0x3F9C]  }
0x1a: {  	s8 =	sadd.s32 $0xFFFFE003, lr  }
0x1b: {  	s9 =	sadd.s32 $0xFFFFFEF7, lr;
	s5 =	simm.s32 $0xFFFFFFFF;
	p2 =	slt.u32 s8, $0xFFFFF086  }
0x1c: {  	p1 =	slt.u32 s9, $0xF7A;
	s5 =	simm.s32 @!p2 $0x0  }
0x1d: {  	s5 =	simm.s32 @p1 $0x1;
	p0 =	seq.s32 s7, s2  }
0x1e: {  	s7 =	smul.u32 @!p0 $0xF7A, s2;
	p2 =	seq.s32 @!p0 s5, $0x0  }
0x1f: {  	s9 =	smul.u32 $0xF7A, s1;
	s8 =	simm.s32 @!p0 $0x1BF5;
	p2 =	por !p2, p0  }
0x20: {  	[sflag:s8] =	ssyncset.s32 @!p0 $0xFFFFF086;
	s6 =	sadd.s32 @!p0 s3, s7;
	s7 =	simm.s32 @!p0 $0x108  }
0x21: {  	s3 =	sadd.s32 s3, s9;
	s6 =	sadd.s32 @!p0 $0x88, s6;
	s7 =	simm.s32 @p2 $0x1082  }
0x22: {  	[simem:s7], [sflag:s8] =	dma.local @!p0 [hbm:s6], $0xF7A  }
0x23: {  	s9 =	sor.u32 $0xD0000000, s2;
	s6 =	simm.s32 $0x108;
	_ =	swait.ge @!p0 [sflag:s8], $0x0  }
0x24: {  	s3 =	sadd.s32 $0x88, s3;
	s6 =	simm.s32 @!p1 $0x1082;
	[sflag:s4] =	ssyncset.s32 $0xFFFFF086  }
0x25: {  	[simem:s6], [sflag:s4] =	dma.local [hbm:s3], $0xF7A  }
0x26: {  	[smem:$0x3F9C] =	sst s1;
	(tag) =	ssettag s2;
	_ =	strace s9  }
0x27: {  	s1 =	sld [smem:$0x3FAC]  }
0x28: {  	s2 =	sld [smem:$0x3FAD]  }
0x29: {  	s4 =	sld [smem:$0x3FAF]  }
0x2a: {  	p0 =	seq.s32 s5, $0x0;
	s5 =	sld [smem:$0x3FB0]  }
0x2b: {  	s6 =	sld [smem:$0x3FB1]  }
0x2c: {  	s7 =	sld [smem:$0x3FB2]  }
0x2d: {  	s3 =	simm.s32 $0x108;
	s8 =	sld [smem:$0x3FB3]  }
0x2e: {  	s3 =	simm.s32 @!p0 $0x1082;
	s9 =	sld [smem:$0x3FB4]  }
0x2f: {  	lr =	sadd.s32 s0, s3;
	s0 =	sld [smem:$0x3FAB]  }
0x30: {  	s3 =	sld [smem:$0x3FAE]  }
0x31: {  	[smem:$0x3FB7] =	sst s10  }
0x32: {  	s10 =	sld [smem:$0x3FB5];
	_ =	sdelay $0x3  }
0x33: {  	p0 =	seq.s32 s10, $0x1;
	s10 =	sld [smem:$0x3FB7];
	_ =	sdelay $0x3  }
0x34: {  	[smem:$0x3FB7] =	sst s10  }
0x35: {  	s10 =	sld [smem:$0x3FB6];
	_ =	sdelay $0x3  }
0x36: {  	p1 =	seq.s32 s10, $0x1;
	s10 =	sld [smem:$0x3FB7];
	_ =	sdelay $0x3  }
0x37: {  	[smem:$0x3FB7] =	sst s10  }
0x38: {  	s10 =	sld [smem:$0x3FB8]  }
0x39: {  	_ = 	snop;
	(pc) =	sbr.ind lr, $3  }
0x3a: {  	_ = 	snop  }
0x3b: {  	_ = 	snop  }
0x3c: {  	p2 =	seq.s32 s10, $0x1;
	s10 =	sld [smem:$0x3FB7]  }
0x3d: {  	_ =	shalt  }
0x3e: {  	_ =	shalt  }
0x3f: {  	_ =	shalt  }
0x40: {  	_ =	shalt  }
0x41: {  	_ =	shalt  }
0x42: {  	_ =	shalt  }
0x43: {  	_ =	shalt  }
0x44: {  	_ =	shalt  }
0x45: {  	_ =	shalt  }
0x46: {  	_ =	shalt  }
0x47: {  	_ =	shalt  }
0x48: {  	_ =	shalt  }
0x49: {  	_ =	shalt  }
0x4a: {  	_ =	shalt  }
0x4b: {  	_ =	shalt  }
0x4c: {  	_ =	shalt  }
0x4d: {  	_ =	shalt  }
0x4e: {  	_ =	shalt  }
0x4f: {  	_ =	shalt  }
0x50: {  	_ =	shalt  }
0x51: {  	_ =	shalt  }
0x52: {  	_ =	shalt  }
0x53: {  	_ =	shalt  }
0x54: {  	_ =	shalt  }
0x55: {  	_ =	shalt  }
0x56: {  	_ =	shalt  }
0x57: {  	_ =	shalt  }
0x58: {  	_ =	shalt  }
0x59: {  	_ =	shalt  }
0x5a: {  	_ =	shalt  }
0x5b: {  	_ =	shalt  }
0x5c: {  	_ =	shalt  }
0x5d: {  	_ =	shalt  }
0x5e: {  	_ =	shalt  }
0x5f: {  	_ =	shalt  }
0x60: {  	_ =	shalt  }
0x61: {  	_ =	shalt  }
0x62: {  	_ =	shalt  }
0x63: {  	_ =	shalt  }
0x64: {  	_ =	shalt  }
0x65: {  	_ =	shalt  }
0x66: {  	_ =	shalt  }
0x67: {  	_ =	shalt  }
0x68: {  	_ =	shalt  }
0x69: {  	_ =	shalt  }
0x6a: {  	_ =	shalt  }
0x6b: {  	_ =	shalt  }
0x6c: {  	_ =	shalt  }
0x6d: {  	_ =	shalt  }
0x6e: {  	_ =	shalt  }
0x6f: {  	_ =	shalt  }
0x70: {  	_ =	shalt  }
0x71: {  	_ =	shalt  }
0x72: {  	_ =	shalt  }
0x73: {  	_ =	shalt  }
0x74: {  	_ =	shalt  }
0x75: {  	_ =	shalt  }
0x76: {  	_ =	shalt  }
0x77: {  	_ =	shalt  }
0x78: {  	_ =	shalt  }
0x79: {  	_ =	shalt  }
0x7a: {  	_ =	shalt  }
0x7b: {  	_ =	shalt  }
0x7c: {  	_ =	shalt  }
0x7d: {  	_ =	shalt  }
0x7e: {  	_ =	shalt  }
0x7f: {  	_ =	shalt  }
0x80: {  	_ =	shalt  }
0x81: {  	_ =	shalt  }
0x82: {  	_ =	shalt  }
0x83: {  	_ =	shalt  }
0x84: {  	_ =	shalt  }
0x85: {  	_ =	shalt  }
0x86: {  	_ =	shalt  }
0x87: {  	_ =	shalt  }
.Lfunc_end0:
.L_simem_size_0:
called_computation_lowered:
.L_overlay_start_0:
0x88: {  	s2 =	sld [smem:$0x3FD9]  }
0x89: {  	s3 =	sld [smem:$0x3FFE];
	_ =	sdelay $0x1  }
0x8a: {  	s1 =	srdreg.scid  }
0x8b: {  	s0 =	sand.u32 $0x1, s1  }
0x8c: {  	s17 =	sshll.u32 s0, $0xA;
	s2 =	sadd.s32 s3, s2  }
0x8d: {  	s2 =	sadd.s32 s2, s17  }
0x8e: {  	[smem:$0x3FC3] =	sst s2  }
0x8f: {  	_ = 	snop  }
0x90: {  	s2 =	sld [smem:$0x3FC9]  }
0x91: {  	s18 =	sld [smem:$0x3FD0];
	(tm) =	ssettm $0x1  }
0x92: {  	s4 =	sld [smem:$0x3FFB];
	_ =	sdelay $0x3  }
0x93: {  	_ =	strace s4  }
0x94: {  	s4 =	sld [smem:$0x3FFC];
	_ =	sdelay $0x3  }
0x95: {  	_ =	strace s4  }
0x96: {  	s4 =	sld [smem:$0x3FFD];
	_ =	sdelay $0x3  }
0x97: {  	_ =	strace s4  }
0x98: {  	_ =	strace $0x8FFFFFFF  }
0x99: {  	s19 =	sld [smem:$0x3FDB];
	_ =	sdelay $0x1  }
0x9a: {  	s5 =	simm.s32 $_scs_section_size  }
0x9b: {  	s6 =	simm.s32 $_size__tile_overlayer_lowered;
	s7 =	simm.s32 $_tile_overlayer_lowered  }
0x9c: {  	s22 =	simm.s32 $0x1BFF;
	s21 =	sshll.u32 s7, $0x1;
	s4 =	sadd.s32 s5, s19  }
0x9d: {  	s8 =	simm.s32 $0x0;
	s20 =	sshll.u32 s6, $0x1;
	s6 =	sadd.s32 s21, s4  }
0x9e: {  	[timem:s8], [sflag:s22] =	dma.local [hbm:s6], s20  }
0x9f: {  	_ =	swait.ge [sflag:s22], s20  }
0xa0: {  	s5 =	ssub.s32 $0x0, s20;
	[sflag:s22] =	ssyncset.done $0x0  }
0xa1: {  	[sflag:s22] =	ssyncadd.s32 s5;
	_ =	sdelay $0x1  }
0xa2: {  	s23 =	simm.s32 $0x1B8B  }
0xa3: {  	_ =	swait.ge [sflag:s23], $0x1  }
0xa4: {  	[sflag:s23] =	ssyncset.done $0x0  }
0xa5: {  	s25 =	simm.s32 $0x1B8E;
	s24 =	sld [smem:$0x3FFE];
	[sflag:s23] =	ssyncadd.s32 $0xFFFFFFFF  }
0xa6: {  	s26 =	simm.s32 $execute0_lowered;
	[smem:$0x3FD2] =	sst s25  }
0xa7: {  	s6 =	sshll.u32 s26, $0x1;
	_ =	strace $0x80000046;
	[dreg:$0x1] =	wrdreg $0xFFFFFFFF  }
0xa8: {  	s28 =	simm.s32 $_size_execute0_lowered;
	s4 =	sadd.s32 s4, s6;
	[dreg:$0x0] =	wrdreg $0x0  }
0xa9: {  	s6 =	sshll.u32 s28, $0x1;
	[dreg:$0x2] =	wrdreg s4  }
0xaa: {  	[dreg:$0x3] =	wrdreg s6  }
0xab: {  	[dreg:$0x4] =	wrdreg $0xC0  }
0xac: {  	_ =	task [dreg:s8], $0x5FFFF  }
0xad: {  	[dreg:$0x1] =	wrdreg $0xFFFFFFFF  }
0xae: {  	[dreg:$0x0] =	wrdreg $0x60  }
0xaf: {  	[dreg:$0x2] =	wrdreg s2  }
0xb0: {  	[dreg:$0x3] =	wrdreg s24  }
0xb1: {  	[dreg:$0x4] =	wrdreg s18  }
0xb2: {  	[dreg:$0x5] =	wrdreg $0x9  }
0xb3: {  	_ =	task.clear_ibuf [dreg:s8], $0x6FFFF;
	_ =	strace $0x90000046  }
0xb4: {  	s29 =	simm.s32 $0x9;
	_ =	strace $0x80000048  }
0xb5: {  	_ =	swait.ge [sflag:s29], $0x1  }
0xb6: {  	[sflag:s29] =	ssyncadd.s32 $0xFFFFFFFF  }
0xb7: {  	_ =	strace $0x90000048  }
0xb8: {  	_ =	sfence  }
0xb9: {  	s30 =	sld [smem:$0x0];
	_ =	sdelay $0x2  }
0xba: {  	s31 =	sshll.u32 s1, $0xD;
	s1 =	sshrl.u32 s1, $0x2  }
0xbb: {  	s3 =	sand.u32 $0x4000, s31;
	s1 =	sadd.s32 s1, s30  }
0xbc: {  	s0 =	sor.u32 s3, s0;
	s1 =	sshll.u32 s1, $0x11  }
0xbd: {  	s0 =	sor.u32 s1, s0  }
0xbe: {  	s0 =	sadd.s32 $0x8F2B, s0  }
0xbf: {  	[sflag:s0] =	ssyncadd.remote.s32 $0x1  }
0xc0: {  	_ =	sfence.sel $0xFFFF  }
0xc1: {  	[dreg:$0x0] =	wrdreg $0xFFFFFFFF;
	(pc) =	sbr.abs _section_cstart, $3  }
0xc2: {  	[dreg:$0x1] =	wrdreg $0xFFFFFFFF  }
0xc3: {  	_ =	task.clear_ibuf [dreg:s8], $0x2FFFF;
	_ =	strace $0x9FFFFFFF  }
0xc4: {  	(tm) =	ssettm $0x7FFFFFFF  }
0xc5: {  	_ =	shalt  }
tec
execute0_lowered:
.L_overlay_start_1:
0x0: {  	(tag) =	ssettag $0x1  }
0x1: {  	s0 =	srdreg.scid;
	s2 =	stileid.u32  }
0x2: {  	s0 =	sand.u32 $0x1, s0;
	s2 =	sshll.u32 s2, $0x1  }
0x3: {  	s1 =	rddreg [dreg:$0x0];
	s2 =	sor.u32 s0, s2  }
0x4: {  	s4 =	rddreg [dreg:$0x1];
	s0 =	ssub.s32 $0x2, s0;
	s5 =	smul.u32 $0x300, s2  }
0x5: {  	s6 =	rddreg [dreg:$0x2];
	s3 =	simm.s32 $0x0;
	s8 =	sshrl.u32 s0, $0x1  }
0x6: {  	[smem:$0x7FF] =	sst s3;
	s0 =	ssub.s32 s0, s8;
	s5 =	sshrl.u32 s5, $0x3  }
0x7: {  	s0 =	smax.u32 s0, $0x1;
	s7 =	smul.u32 $0x300, s5;
	s4 =	sadd.s32 s5, s4  }
0x8: {  	_ =	strace $0x80000047;
	[dreg:$0x17] =	wrdreg s0;
	s4 =	sadd.s32 $0x800, s4  }
0x9: {  	[dreg:$0x4] =	wrdreg s4;
	s11 =	sadd.s32 s6, s7  }
0xa: {  	s13 =	sadd.s32 $0x1800, s11;
	[dreg:$0x5] =	wrdreg s11  }
0xb: {  	s14 =	sadd.s32 $0x6000, s11;
	[dreg:$0x6] =	wrdreg s13  }
0xc: {  	s15 =	sadd.s32 $0x7800, s11;
	[dreg:$0x9] =	wrdreg s14  }
0xd: {  	s16 =	sadd.s32 $0x9000, s11;
	[dreg:$0xa] =	wrdreg s15  }
0xe: {  	s17 =	sadd.s32 $0xA800, s11;
	[dreg:$0xb] =	wrdreg s16  }
0xf: {  	s18 =	sadd.s32 $0xC000, s11;
	[dreg:$0xc] =	wrdreg s17  }
0x10: {  	s19 =	sadd.s32 $0xD800, s11;
	[dreg:$0xd] =	wrdreg s18  }
0x11: {  	s20 =	sadd.s32 $0xF000, s11;
	[dreg:$0xe] =	wrdreg s19  }
0x12: {  	s21 =	sadd.s32 $0x10800, s11;
	[dreg:$0xf] =	wrdreg s20  }
0x13: {  	s29 =	simm.s32 $0x2;
	s22 =	sadd.s32 $0x6C00, s11;
	[dreg:$0x10] =	wrdreg s21  }
0x14: {  	s2 =	sand.u32 $0x3, s2;
	s23 =	sadd.s32 $0x8400, s11;
	[dreg:$0x11] =	wrdreg s22  }
0x15: {  	p0 =	seq.s32 s2, $0x3;
	s24 =	sadd.s32 $0x9C00, s11;
	[dreg:$0x12] =	wrdreg s23  }
0x16: {  	s9 =	smul.u32 $0x1800, s5;
	s25 =	sadd.s32 $0xB400, s11;
	[dreg:$0x13] =	wrdreg s24  }
0x17: {  	s5 =	sadd.s32 $0x100, s1;
	s26 =	sadd.s32 $0xCC00, s11;
	[dreg:$0x14] =	wrdreg s25  }
0x18: {  	s12 =	sshrl.u32 s9, $0x3;
	s28 =	sadd.s32 $0xE400, s11;
	[dreg:$0x15] =	wrdreg s26  }
.Ltmp0:
0x19: {  	s30 =	sadd.s32 $0xFC00, s11;
	[dreg:$0x16] =	wrdreg s28;
	(pc) =	sbr.rel .LBB2_1-.Ltmp0, $4  }
0x1a: {  	s4 =	sadd.s32 s6, s12;
	s31 =	sadd.s32 $0x11400, s11;
	[dreg:$0x18] =	wrdreg s30  }
0x1b: {  	v3 =	vlaneseq.u32;
	s7 =	sadd.s32 $0x200, s1;
	s6 =	sadd.s32 $0x3000, s4;
	[dreg:$0x19] =	wrdreg s31  }
0x1c: {  	v0 =	vimm.f32 $0.0e+00;
	vm0 =	vmmov $0xffff;
	v2 =	vshrl.u32 v3, $0x3;
	s4 =	sadd.s32 $0x4800, s4;
	s13 =	simm.s32 $0x300;
	[dreg:$0x7] =	wrdreg s6  }
0x1d: {  	v1 =	vand.u32 $0x7, v3;
	v3 =	vor.u32 $0x8, v3;
	v2 =	vmul.u32 $0x8, v2;
	s25 =	simm.s32 $0x1;
	[dreg:$0x8] =	wrdreg s4;
	s6 =	simm.s32 $0x0  }
.LBB2_2:
0x1e: {  	v4 =	vld [tilespmem:$0x0];
	_ =	sdelay $0x4  }
0x1f: {  	v5 =	vshrl.u32 v4, $0x3  }
0x20: {  	v5 =	vmul.u32 $0x30, v5  }
0x21: {  	v4 =	vand.u32 $0x7, v4  }
0x22: {  	v4 =	vor.u32 v4, v5  }
0x23: {  	v5 =	vperm.xlane v4, v1;
	_ =	sdelay $0x1  }
0x24: {  	v5 =	vadd.s32 v2, v5;
	_ =	sdelay $0x3  }
0x25: {  	v4 =	vperm.xlane v4, v3  }
0x26: {  	[tilespmem:s13], [sflag:$0x1] =	stream.indirect_vreg.gather [hbm4b:s1+s3], $0x80, v5, vm0, $0xb8;
	[tilespmem:$0x12300] =	vst v63  }
0x27: {  	s0 =	simm.s32 $0xB00;
	v4 =	vadd.s32 v2, v4  }
0x28: {  	[tilespmem:s0], [sflag:$0x1] =	stream.indirect_vreg.gather [hbm4b:s5+s3], $0x80, v5, vm0, $0xb8;
	[tilespmem:$0x12300] =	vst v63  }
0x29: {  	s18 =	simm.s32 $0x1300  }
0x2a: {  	[tilespmem:s18], [sflag:$0x1] =	stream.indirect_vreg.gather [hbm4b:s7+s3], $0x80, v5, vm0, $0xb8;
	[tilespmem:$0x12300] =	vst v63  }
0x2b: {  	s19 =	simm.s32 $0x1B00  }
0x2c: {  	[tilespmem:s19], [sflag:$0x1] =	stream.indirect_vreg.gather [hbm4b:s1+s3], $0x80, v4, vm0, $0xb8;
	[tilespmem:$0x12300] =	vst v63  }
0x2d: {  	s20 =	simm.s32 $0x2300  }
0x2e: {  	[tilespmem:s20], [sflag:$0x1] =	stream.indirect_vreg.gather [hbm4b:s5+s3], $0x80, v4, vm0, $0xb8;
	[tilespmem:$0x12300] =	vst v63  }
0x2f: {  	s21 =	simm.s32 $0x2B00  }
0x30: {  	[tilespmem:s21], [sflag:$0x1] =	stream.indirect_vreg.gather [hbm4b:s7+s3], $0x80, v4, vm0, $0xb8;
	[tilespmem:$0x12300] =	vst v63  }
0x31: {  	v4 =	vld [tilespmem:$0x10];
	_ =	sdelay $0x4  }
0x32: {  	v5 =	vshrl.u32 v4, $0x3  }
0x33: {  	v5 =	vmul.u32 $0x30, v5  }
0x34: {  	v4 =	vand.u32 $0x7, v4  }
0x35: {  	v4 =	vor.u32 v4, v5  }
0x36: {  	v5 =	vperm.xlane v4, v1;
	_ =	sdelay $0x1  }
0x37: {  	v5 =	vadd.s32 v2, v5;
	_ =	sdelay $0x3  }
0x38: {  	s22 =	simm.s32 $0x3300;
	v4 =	vperm.xlane v4, v3  }
0x39: {  	[tilespmem:s22], [sflag:$0x1] =	stream.indirect_vreg.gather [hbm4b:s1+s3], $0x80, v5, vm0, $0xb8;
	[tilespmem:$0x12300] =	vst v63  }
0x3a: {  	s23 =	simm.s32 $0x3B00;
	v4 =	vadd.s32 v2, v4  }
0x3b: {  	[tilespmem:s23], [sflag:$0x1] =	stream.indirect_vreg.gather [hbm4b:s5+s3], $0x80, v5, vm0, $0xb8;
	[tilespmem:$0x12300] =	vst v63  }
0x3c: {  	s24 =	simm.s32 $0x4300  }
0x3d: {  	[tilespmem:s24], [sflag:$0x1] =	stream.indirect_vreg.gather [hbm4b:s7+s3], $0x80, v5, vm0, $0xb8;
	[tilespmem:$0x12300] =	vst v63  }
0x3e: {  	s26 =	simm.s32 $0x4B00  }
0x3f: {  	[tilespmem:s26], [sflag:$0x1] =	stream.indirect_vreg.gather [hbm4b:s1+s3], $0x80, v4, vm0, $0xb8;
	[tilespmem:$0x12300] =	vst v63  }
0x40: {  	s28 =	simm.s32 $0x5300  }
0x41: {  	[tilespmem:s28], [sflag:$0x1] =	stream.indirect_vreg.gather [hbm4b:s5+s3], $0x80, v4, vm0, $0xb8;
	[tilespmem:$0x12300] =	vst v63  }
0x42: {  	s4 =	simm.s32 $0x5B00  }
0x43: {  	[tilespmem:s4], [sflag:$0x1] =	stream.indirect_vreg.gather [hbm4b:s7+s3], $0x80, v4, vm0, $0xb8;
	[tilespmem:$0x12300] =	vst v63  }
0x44: {  	v4 =	vld [tilespmem:$0x20];
	_ =	sdelay $0x4  }
0x45: {  	v5 =	vshrl.u32 v4, $0x3  }
0x46: {  	v5 =	vmul.u32 $0x30, v5  }
0x47: {  	v4 =	vand.u32 $0x7, v4  }
0x48: {  	v4 =	vor.u32 v4, v5  }
0x49: {  	v5 =	vperm.xlane v4, v1;
	_ =	sdelay $0x1  }
0x4a: {  	v5 =	vadd.s32 v2, v5;
	_ =	sdelay $0x3  }
0x4b: {  	s30 =	simm.s32 $0x6300;
	v4 =	vperm.xlane v4, v3  }
0x4c: {  	[tilespmem:s30], [sflag:$0x1] =	stream.indirect_vreg.gather [hbm4b:s1+s3], $0x80, v5, vm0, $0xb8;
	[tilespmem:$0x12300] =	vst v63  }
0x4d: {  	s31 =	simm.s32 $0x6B00;
	v4 =	vadd.s32 v2, v4  }
0x4e: {  	[tilespmem:s31], [sflag:$0x1] =	stream.indirect_vreg.gather [hbm4b:s5+s3], $0x80, v5, vm0, $0xb8;
	[tilespmem:$0x12300] =	vst v63  }
0x4f: {  	s2 =	simm.s32 $0x7300  }
0x50: {  	[tilespmem:s2], [sflag:$0x1] =	stream.indirect_vreg.gather [hbm4b:s7+s3], $0x80, v5, vm0, $0xb8;
	[tilespmem:$0x12300] =	vst v63  }
0x51: {  	s4 =	simm.s32 $0x7B00  }
0x52: {  	[tilespmem:s4], [sflag:$0x1] =	stream.indirect_vreg.gather [hbm4b:s1+s3], $0x80, v4, vm0, $0xb8;
	[tilespmem:$0x12300] =	vst v63  }
0x53: {  	s8 =	simm.s32 $0x8300  }
0x54: {  	[tilespmem:s8], [sflag:$0x1] =	stream.indirect_vreg.gather [hbm4b:s5+s3], $0x80, v4, vm0, $0xb8;
	[tilespmem:$0x12300] =	vst v63  }
0x55: {  	s9 =	simm.s32 $0x8B00  }
0x56: {  	[tilespmem:s9], [sflag:$0x1] =	stream.indirect_vreg.gather [hbm4b:s7+s3], $0x80, v4, vm0, $0xb8;
	[tilespmem:$0x12300] =	vst v63  }
0x57: {  	v4 =	vld [tilespmem:$0x30];
	_ =	sdelay $0x4  }
0x58: {  	v5 =	vshrl.u32 v4, $0x3  }
0x59: {  	v5 =	vmul.u32 $0x30, v5  }
0x5a: {  	v4 =	vand.u32 $0x7, v4  }
0x5b: {  	v4 =	vor.u32 v4, v5  }
0x5c: {  	v5 =	vperm.xlane v4, v1;
	_ =	sdelay $0x1  }
0x5d: {  	v5 =	vadd.s32 v2, v5;
	_ =	sdelay $0x3  }
0x5e: {  	s10 =	simm.s32 $0x9300;
	v4 =	vperm.xlane v4, v3  }
0x5f: {  	[tilespmem:s10], [sflag:$0x1] =	stream.indirect_vreg.gather [hbm4b:s1+s3], $0x80, v5, vm0, $0xb8;
	[tilespmem:$0x12300] =	vst v63  }
0x60: {  	s11 =	simm.s32 $0x9B00;
	v4 =	vadd.s32 v2, v4  }
0x61: {  	[tilespmem:s11], [sflag:$0x1] =	stream.indirect_vreg.gather [hbm4b:s5+s3], $0x80, v5, vm0, $0xb8;
	[tilespmem:$0x12300] =	vst v63  }
0x62: {  	s12 =	simm.s32 $0xA300  }
0x63: {  	[tilespmem:s12], [sflag:$0x1] =	stream.indirect_vreg.gather [hbm4b:s7+s3], $0x80, v5, vm0, $0xb8;
	[tilespmem:$0x12300] =	vst v63  }
0x64: {  	s19 =	simm.s32 $0xAB00  }
0x65: {  	[tilespmem:s19], [sflag:$0x1] =	stream.indirect_vreg.gather [hbm4b:s1+s3], $0x80, v4, vm0, $0xb8;
	[tilespmem:$0x12300] =	vst v63  }
0x66: {  	s20 =	simm.s32 $0xB300  }
0x67: {  	[tilespmem:s20], [sflag:$0x1] =	stream.indirect_vreg.gather [hbm4b:s5+s3], $0x80, v4, vm0, $0xb8;
	[tilespmem:$0x12300] =	vst v63  }
0x68: {  	s21 =	simm.s32 $0xBB00  }
0x69: {  	[tilespmem:s21], [sflag:$0x1] =	stream.indirect_vreg.gather [hbm4b:s7+s3], $0x80, v4, vm0, $0xb8;
	[tilespmem:$0x12300] =	vst v63  }
0x6a: {  	_ =	swait.ge [sflag:s25], $0xC000  }
0x6b: {  	[sflag:s25] =	ssyncset.done $0x0  }
0x6c: {  	s30 =	rddreg [dreg:$0x5];
	[sflag:s25] =	ssyncadd.s32 $0xFFFF4000  }
0x6d: {  	[hbm4b:s30+s3] =	stream.linear.scatter [tilespmem:s13], [sflag:$0x2], $0xC000, $0x38;
	[tilespmem:$0x12300] =	vst v63  }
0x6e: {  	_ =	swait.ge [sflag:s29], $0xC000  }
0x6f: {  	[sflag:s29] =	ssyncset.done $0x0  }
0x70: {  	[sflag:s29] =	ssyncadd.s32 $0xFFFF4000  }
0x71: {  	v4 =	vld [tilespmem:$0x40];
	_ =	sdelay $0x4  }
0x72: {  	v5 =	vshrl.u32 v4, $0x3  }
0x73: {  	v5 =	vmul.u32 $0x30, v5  }
0x74: {  	v4 =	vand.u32 $0x7, v4  }
0x75: {  	v4 =	vor.u32 v4, v5  }
0x76: {  	v5 =	vperm.xlane v4, v1;
	_ =	sdelay $0x1  }
0x77: {  	v5 =	vadd.s32 v2, v5;
	_ =	sdelay $0x3  }
0x78: {  	v4 =	vperm.xlane v4, v3  }
0x79: {  	[tilespmem:s13], [sflag:$0x1] =	stream.indirect_vreg.gather [hbm4b:s1+s3], $0x80, v5, vm0, $0xb8;
	[tilespmem:$0x12300] =	vst v63  }
0x7a: {  	s0 =	simm.s32 $0xB00;
	v4 =	vadd.s32 v2, v4  }
0x7b: {  	[tilespmem:s0], [sflag:$0x1] =	stream.indirect_vreg.gather [hbm4b:s5+s3], $0x80, v5, vm0, $0xb8;
	[tilespmem:$0x12300] =	vst v63  }
0x7c: {  	s14 =	simm.s32 $0x1300  }
0x7d: {  	[tilespmem:s14], [sflag:$0x1] =	stream.indirect_vreg.gather [hbm4b:s7+s3], $0x80, v5, vm0, $0xb8;
	[tilespmem:$0x12300] =	vst v63  }
0x7e: {  	s30 =	simm.s32 $0x1B00  }
0x7f: {  	[tilespmem:s30], [sflag:$0x1] =	stream.indirect_vreg.gather [hbm4b:s1+s3], $0x80, v4, vm0, $0xb8;
	[tilespmem:$0x12300] =	vst v63  }
0x80: {  	s2 =	simm.s32 $0x2300  }
0x81: {  	[tilespmem:s2], [sflag:$0x1] =	stream.indirect_vreg.gather [hbm4b:s5+s3], $0x80, v4, vm0, $0xb8;
	[tilespmem:$0x12300] =	vst v63  }
0x82: {  	s14 =	simm.s32 $0x2B00  }
0x83: {  	[tilespmem:s14], [sflag:$0x1] =	stream.indirect_vreg.gather [hbm4b:s7+s3], $0x80, v4, vm0, $0xb8;
	[tilespmem:$0x12300] =	vst v63  }
0x84: {  	v4 =	vld [tilespmem:$0x50];
	_ =	sdelay $0x4  }
0x85: {  	v5 =	vshrl.u32 v4, $0x3  }
0x86: {  	v5 =	vmul.u32 $0x30, v5  }
0x87: {  	v4 =	vand.u32 $0x7, v4  }
0x88: {  	v4 =	vor.u32 v4, v5  }
0x89: {  	v5 =	vperm.xlane v4, v1;
	_ =	sdelay $0x1  }
0x8a: {  	v5 =	vadd.s32 v2, v5;
	_ =	sdelay $0x3  }
0x8b: {  	s8 =	simm.s32 $0x3300;
	v4 =	vperm.xlane v4, v3  }
0x8c: {  	[tilespmem:s8], [sflag:$0x1] =	stream.indirect_vreg.gather [hbm4b:s1+s3], $0x80, v5, vm0, $0xb8;
	[tilespmem:$0x12300] =	vst v63  }
0x8d: {  	s9 =	simm.s32 $0x3B00;
	v4 =	vadd.s32 v2, v4  }
0x8e: {  	[tilespmem:s9], [sflag:$0x1] =	stream.indirect_vreg.gather [hbm4b:s5+s3], $0x80, v5, vm0, $0xb8;
	[tilespmem:$0x12300] =	vst v63  }
0x8f: {  	s10 =	simm.s32 $0x4300  }
0x90: {  	[tilespmem:s10], [sflag:$0x1] =	stream.indirect_vreg.gather [hbm4b:s7+s3], $0x80, v5, vm0, $0xb8;
	[tilespmem:$0x12300] =	vst v63  }
0x91: {  	s11 =	simm.s32 $0x4B00  }
0x92: {  	[tilespmem:s11], [sflag:$0x1] =	stream.indirect_vreg.gather [hbm4b:s1+s3], $0x80, v4, vm0, $0xb8;
	[tilespmem:$0x12300] =	vst v63  }
0x93: {  	s12 =	simm.s32 $0x5300  }
0x94: {  	[tilespmem:s12], [sflag:$0x1] =	stream.indirect_vreg.gather [hbm4b:s5+s3], $0x80, v4, vm0, $0xb8;
	[tilespmem:$0x12300] =	vst v63  }
0x95: {  	s18 =	simm.s32 $0x5B00  }
0x96: {  	[tilespmem:s18], [sflag:$0x1] =	stream.indirect_vreg.gather [hbm4b:s7+s3], $0x80, v4, vm0, $0xb8;
	[tilespmem:$0x12300] =	vst v63  }
0x97: {  	v4 =	vld [tilespmem:$0x60];
	_ =	sdelay $0x4  }
0x98: {  	v5 =	vshrl.u32 v4, $0x3  }
0x99: {  	v5 =	vmul.u32 $0x30, v5  }
0x9a: {  	v4 =	vand.u32 $0x7, v4  }
0x9b: {  	v4 =	vor.u32 v4, v5  }
0x9c: {  	v5 =	vperm.xlane v4, v1;
	_ =	sdelay $0x1  }
0x9d: {  	v5 =	vadd.s32 v2, v5;
	_ =	sdelay $0x3  }
0x9e: {  	s15 =	simm.s32 $0x6300;
	v4 =	vperm.xlane v4, v3  }
0x9f: {  	[tilespmem:s15], [sflag:$0x1] =	stream.indirect_vreg.gather [hbm4b:s1+s3], $0x80, v5, vm0, $0xb8;
	[tilespmem:$0x12300] =	vst v63  }
0xa0: {  	s23 =	simm.s32 $0x6B00;
	v4 =	vadd.s32 v2, v4  }
0xa1: {  	[tilespmem:s23], [sflag:$0x1] =	stream.indirect_vreg.gather [hbm4b:s5+s3], $0x80, v5, vm0, $0xb8;
	[tilespmem:$0x12300] =	vst v63  }
0xa2: {  	s22 =	simm.s32 $0x7300  }
0xa3: {  	[tilespmem:s22], [sflag:$0x1] =	stream.indirect_vreg.gather [hbm4b:s7+s3], $0x80, v5, vm0, $0xb8;
	[tilespmem:$0x12300] =	vst v63  }
0xa4: {  	s24 =	simm.s32 $0x7B00  }
0xa5: {  	[tilespmem:s24], [sflag:$0x1] =	stream.indirect_vreg.gather [hbm4b:s1+s3], $0x80, v4, vm0, $0xb8;
	[tilespmem:$0x12300] =	vst v63  }
0xa6: {  	s26 =	simm.s32 $0x8300  }
0xa7: {  	[tilespmem:s26], [sflag:$0x1] =	stream.indirect_vreg.gather [hbm4b:s5+s3], $0x80, v4, vm0, $0xb8;
	[tilespmem:$0x12300] =	vst v63  }
0xa8: {  	s16 =	simm.s32 $0x8B00  }
0xa9: {  	[tilespmem:s16], [sflag:$0x1] =	stream.indirect_vreg.gather [hbm4b:s7+s3], $0x80, v4, vm0, $0xb8;
	[tilespmem:$0x12300] =	vst v63  }
0xaa: {  	v4 =	vld [tilespmem:$0x70];
	_ =	sdelay $0x4  }
0xab: {  	v5 =	vshrl.u32 v4, $0x3  }
0xac: {  	v5 =	vmul.u32 $0x30, v5  }
0xad: {  	v4 =	vand.u32 $0x7, v4  }
0xae: {  	v4 =	vor.u32 v4, v5  }
0xaf: {  	v5 =	vperm.xlane v4, v1;
	_ =	sdelay $0x1  }
0xb0: {  	v5 =	vadd.s32 v2, v5;
	_ =	sdelay $0x3  }
0xb1: {  	s17 =	simm.s32 $0x9300;
	v4 =	vperm.xlane v4, v3  }
0xb2: {  	[tilespmem:s17], [sflag:$0x1] =	stream.indirect_vreg.gather [hbm4b:s1+s3], $0x80, v5, vm0, $0xb8;
	[tilespmem:$0x12300] =	vst v63  }
0xb3: {  	s28 =	simm.s32 $0x9B00;
	v4 =	vadd.s32 v2, v4  }
0xb4: {  	[tilespmem:s28], [sflag:$0x1] =	stream.indirect_vreg.gather [hbm4b:s5+s3], $0x80, v5, vm0, $0xb8;
	[tilespmem:$0x12300] =	vst v63  }
0xb5: {  	s31 =	simm.s32 $0xA300  }
0xb6: {  	[tilespmem:s31], [sflag:$0x1] =	stream.indirect_vreg.gather [hbm4b:s7+s3], $0x80, v5, vm0, $0xb8;
	[tilespmem:$0x12300] =	vst v63  }
0xb7: {  	s31 =	simm.s32 $0xAB00  }
0xb8: {  	[tilespmem:s31], [sflag:$0x1] =	stream.indirect_vreg.gather [hbm4b:s1+s3], $0x80, v4, vm0, $0xb8;
	[tilespmem:$0x12300] =	vst v63  }
0xb9: {  	s4 =	simm.s32 $0xB300  }
0xba: {  	[tilespmem:s4], [sflag:$0x1] =	stream.indirect_vreg.gather [hbm4b:s5+s3], $0x80, v4, vm0, $0xb8;
	[tilespmem:$0x12300] =	vst v63  }
0xbb: {  	s20 =	simm.s32 $0xBB00  }
0xbc: {  	[tilespmem:s20], [sflag:$0x1] =	stream.indirect_vreg.gather [hbm4b:s7+s3], $0x80, v4, vm0, $0xb8;
	[tilespmem:$0x12300] =	vst v63  }
0xbd: {  	_ =	swait.ge [sflag:s25], $0xC000  }
0xbe: {  	[sflag:s25] =	ssyncset.done $0x0  }
0xbf: {  	s4 =	rddreg [dreg:$0x6];
	[sflag:s25] =	ssyncadd.s32 $0xFFFF4000  }
0xc0: {  	[hbm4b:s4+s3] =	stream.linear.scatter [tilespmem:s13], [sflag:$0x2], $0xC000, $0x38;
	[tilespmem:$0x12300] =	vst v63  }
0xc1: {  	_ =	swait.ge [sflag:s29], $0xC000  }
0xc2: {  	[sflag:s29] =	ssyncset.done $0x0  }
0xc3: {  	[sflag:s29] =	ssyncadd.s32 $0xFFFF4000  }
0xc4: {  	v4 =	vld [tilespmem:$0x80];
	_ =	sdelay $0x4  }
0xc5: {  	v5 =	vshrl.u32 v4, $0x3  }
0xc6: {  	v5 =	vmul.u32 $0x30, v5  }
0xc7: {  	v4 =	vand.u32 $0x7, v4  }
0xc8: {  	v4 =	vor.u32 v4, v5  }
0xc9: {  	v5 =	vperm.xlane v4, v1;
	_ =	sdelay $0x1  }
0xca: {  	v5 =	vadd.s32 v2, v5;
	_ =	sdelay $0x3  }
0xcb: {  	v4 =	vperm.xlane v4, v3  }
0xcc: {  	[tilespmem:s13], [sflag:$0x1] =	stream.indirect_vreg.gather [hbm4b:s1+s3], $0x80, v5, vm0, $0xb8;
	[tilespmem:$0x12300] =	vst v63  }
0xcd: {  	v4 =	vadd.s32 v2, v4  }
0xce: {  	[tilespmem:s0], [sflag:$0x1] =	stream.indirect_vreg.gather [hbm4b:s5+s3], $0x80, v5, vm0, $0xb8;
	[tilespmem:$0x12300] =	vst v63  }
0xcf: {  	s19 =	simm.s32 $0x1300  }
0xd0: {  	[tilespmem:s19], [sflag:$0x1] =	stream.indirect_vreg.gather [hbm4b:s7+s3], $0x80, v5, vm0, $0xb8;
	[tilespmem:$0x12300] =	vst v63  }
0xd1: {  	_ = 	snop  }
0xd2: {  	[tilespmem:s30], [sflag:$0x1] =	stream.indirect_vreg.gather [hbm4b:s1+s3], $0x80, v4, vm0, $0xb8;
	[tilespmem:$0x12300] =	vst v63  }
0xd3: {  	_ = 	snop  }
0xd4: {  	[tilespmem:s2], [sflag:$0x1] =	stream.indirect_vreg.gather [hbm4b:s5+s3], $0x80, v4, vm0, $0xb8;
	[tilespmem:$0x12300] =	vst v63  }
0xd5: {  	_ = 	snop  }
0xd6: {  	[tilespmem:s14], [sflag:$0x1] =	stream.indirect_vreg.gather [hbm4b:s7+s3], $0x80, v4, vm0, $0xb8;
	[tilespmem:$0x12300] =	vst v63  }
0xd7: {  	v4 =	vld [tilespmem:$0x90];
	_ =	sdelay $0x4  }
0xd8: {  	v5 =	vshrl.u32 v4, $0x3  }
0xd9: {  	v5 =	vmul.u32 $0x30, v5  }
0xda: {  	v4 =	vand.u32 $0x7, v4  }
0xdb: {  	v4 =	vor.u32 v4, v5  }
0xdc: {  	v5 =	vperm.xlane v4, v1;
	_ =	sdelay $0x1  }
0xdd: {  	v5 =	vadd.s32 v2, v5;
	_ =	sdelay $0x3  }
0xde: {  	v4 =	vperm.xlane v4, v3  }
0xdf: {  	[tilespmem:s8], [sflag:$0x1] =	stream.indirect_vreg.gather [hbm4b:s1+s3], $0x80, v5, vm0, $0xb8;
	[tilespmem:$0x12300] =	vst v63  }
0xe0: {  	v4 =	vadd.s32 v2, v4  }
0xe1: {  	[tilespmem:s9], [sflag:$0x1] =	stream.indirect_vreg.gather [hbm4b:s5+s3], $0x80, v5, vm0, $0xb8;
	[tilespmem:$0x12300] =	vst v63  }
0xe2: {  	_ = 	snop  }
0xe3: {  	[tilespmem:s10], [sflag:$0x1] =	stream.indirect_vreg.gather [hbm4b:s7+s3], $0x80, v5, vm0, $0xb8;
	[tilespmem:$0x12300] =	vst v63  }
0xe4: {  	_ = 	snop  }
0xe5: {  	[tilespmem:s11], [sflag:$0x1] =	stream.indirect_vreg.gather [hbm4b:s1+s3], $0x80, v4, vm0, $0xb8;
	[tilespmem:$0x12300] =	vst v63  }
0xe6: {  	_ = 	snop  }
0xe7: {  	[tilespmem:s12], [sflag:$0x1] =	stream.indirect_vreg.gather [hbm4b:s5+s3], $0x80, v4, vm0, $0xb8;
	[tilespmem:$0x12300] =	vst v63  }
0xe8: {  	s18 =	simm.s32 $0x5B00  }
0xe9: {  	[tilespmem:s18], [sflag:$0x1] =	stream.indirect_vreg.gather [hbm4b:s7+s3], $0x80, v4, vm0, $0xb8;
	[tilespmem:$0x12300] =	vst v63  }
0xea: {  	v4 =	vld [tilespmem:$0xA0];
	_ =	sdelay $0x4  }
0xeb: {  	v5 =	vshrl.u32 v4, $0x3  }
0xec: {  	v5 =	vmul.u32 $0x30, v5  }
0xed: {  	v4 =	vand.u32 $0x7, v4  }
0xee: {  	v4 =	vor.u32 v4, v5  }
0xef: {  	v5 =	vperm.xlane v4, v1;
	_ =	sdelay $0x1  }
0xf0: {  	v5 =	vadd.s32 v2, v5;
	_ =	sdelay $0x3  }
0xf1: {  	s15 =	simm.s32 $0x6300;
	v4 =	vperm.xlane v4, v3  }
0xf2: {  	[tilespmem:s15], [sflag:$0x1] =	stream.indirect_vreg.gather [hbm4b:s1+s3], $0x80, v5, vm0, $0xb8;
	[tilespmem:$0x12300] =	vst v63  }
0xf3: {  	s21 =	simm.s32 $0x6B00;
	v4 =	vadd.s32 v2, v4  }
0xf4: {  	[tilespmem:s21], [sflag:$0x1] =	stream.indirect_vreg.gather [hbm4b:s5+s3], $0x80, v5, vm0, $0xb8;
	[tilespmem:$0x12300] =	vst v63  }
0xf5: {  	s22 =	simm.s32 $0x7300  }
0xf6: {  	[tilespmem:s22], [sflag:$0x1] =	stream.indirect_vreg.gather [hbm4b:s7+s3], $0x80, v5, vm0, $0xb8;
	[tilespmem:$0x12300] =	vst v63  }
0xf7: {  	s23 =	simm.s32 $0x7B00  }
0xf8: {  	[tilespmem:s23], [sflag:$0x1] =	stream.indirect_vreg.gather [hbm4b:s1+s3], $0x80, v4, vm0, $0xb8;
	[tilespmem:$0x12300] =	vst v63  }
0xf9: {  	s24 =	simm.s32 $0x8300  }
0xfa: {  	[tilespmem:s24], [sflag:$0x1] =	stream.indirect_vreg.gather [hbm4b:s5+s3], $0x80, v4, vm0, $0xb8;
	[tilespmem:$0x12300] =	vst v63  }
0xfb: {  	s16 =	simm.s32 $0x8B00  }
0xfc: {  	[tilespmem:s16], [sflag:$0x1] =	stream.indirect_vreg.gather [hbm4b:s7+s3], $0x80, v4, vm0, $0xb8;
	[tilespmem:$0x12300] =	vst v63  }
0xfd: {  	v4 =	vld [tilespmem:$0xB0];
	_ =	sdelay $0x4  }
0xfe: {  	v5 =	vshrl.u32 v4, $0x3  }
0xff: {  	v5 =	vmul.u32 $0x30, v5  }
0x100: {  	v4 =	vand.u32 $0x7, v4  }
0x101: {  	v4 =	vor.u32 v4, v5  }
0x102: {  	v5 =	vperm.xlane v4, v1;
	_ =	sdelay $0x1  }
0x103: {  	v5 =	vadd.s32 v2, v5;
	_ =	sdelay $0x3  }
0x104: {  	s17 =	simm.s32 $0x9300;
	v4 =	vperm.xlane v4, v3  }
0x105: {  	[tilespmem:s17], [sflag:$0x1] =	stream.indirect_vreg.gather [hbm4b:s1+s3], $0x80, v5, vm0, $0xb8;
	[tilespmem:$0x12300] =	vst v63  }
0x106: {  	s26 =	simm.s32 $0x9B00;
	v4 =	vadd.s32 v2, v4  }
0x107: {  	[tilespmem:s26], [sflag:$0x1] =	stream.indirect_vreg.gather [hbm4b:s5+s3], $0x80, v5, vm0, $0xb8;
	[tilespmem:$0x12300] =	vst v63  }
0x108: {  	s28 =	simm.s32 $0xA300  }
0x109: {  	[tilespmem:s28], [sflag:$0x1] =	stream.indirect_vreg.gather [hbm4b:s7+s3], $0x80, v5, vm0, $0xb8;
	[tilespmem:$0x12300] =	vst v63  }
0x10a: {  	s31 =	simm.s32 $0xAB00  }
0x10b: {  	[tilespmem:s31], [sflag:$0x1] =	stream.indirect_vreg.gather [hbm4b:s1+s3], $0x80, v4, vm0, $0xb8;
	[tilespmem:$0x12300] =	vst v63  }
0x10c: {  	s28 =	simm.s32 $0xB300  }
0x10d: {  	[tilespmem:s28], [sflag:$0x1] =	stream.indirect_vreg.gather [hbm4b:s5+s3], $0x80, v4, vm0, $0xb8;
	[tilespmem:$0x12300] =	vst v63  }
0x10e: {  	s20 =	simm.s32 $0xBB00  }
0x10f: {  	[tilespmem:s20], [sflag:$0x1] =	stream.indirect_vreg.gather [hbm4b:s7+s3], $0x80, v4, vm0, $0xb8;
	[tilespmem:$0x12300] =	vst v63  }
0x110: {  	_ =	swait.ge [sflag:s25], $0xC000  }
0x111: {  	[sflag:s25] =	ssyncset.done $0x0  }
0x112: {  	s31 =	rddreg [dreg:$0x7];
	[sflag:s25] =	ssyncadd.s32 $0xFFFF4000  }
0x113: {  	[hbm4b:s31+s3] =	stream.linear.scatter [tilespmem:s13], [sflag:$0x2], $0xC000, $0x38;
	[tilespmem:$0x12300] =	vst v63  }
0x114: {  	_ =	swait.ge [sflag:s29], $0xC000  }
0x115: {  	[sflag:s29] =	ssyncset.done $0x0  }
0x116: {  	[sflag:s29] =	ssyncadd.s32 $0xFFFF4000  }
0x117: {  	v4 =	vld [tilespmem:$0xC0];
	_ =	sdelay $0x4  }
0x118: {  	v5 =	vshrl.u32 v4, $0x3  }
0x119: {  	v5 =	vmul.u32 $0x30, v5  }
0x11a: {  	v4 =	vand.u32 $0x7, v4  }
0x11b: {  	v4 =	vor.u32 v4, v5  }
0x11c: {  	v5 =	vperm.xlane v4, v1;
	_ =	sdelay $0x1  }
0x11d: {  	v5 =	vadd.s32 v2, v5;
	_ =	sdelay $0x3  }
0x11e: {  	v4 =	vperm.xlane v4, v3  }
0x11f: {  	[tilespmem:s13], [sflag:$0x1] =	stream.indirect_vreg.gather [hbm4b:s1+s3], $0x80, v5, vm0, $0xb8;
	[tilespmem:$0x12300] =	vst v63  }
0x120: {  	s31 =	simm.s32 $0xB00;
	v4 =	vadd.s32 v2, v4  }
0x121: {  	[tilespmem:s31], [sflag:$0x1] =	stream.indirect_vreg.gather [hbm4b:s5+s3], $0x80, v5, vm0, $0xb8;
	[tilespmem:$0x12300] =	vst v63  }
0x122: {  	s31 =	simm.s32 $0x1300  }
0x123: {  	[tilespmem:s31], [sflag:$0x1] =	stream.indirect_vreg.gather [hbm4b:s7+s3], $0x80, v5, vm0, $0xb8;
	[tilespmem:$0x12300] =	vst v63  }
0x124: {  	s0 =	simm.s32 $0x1B00  }
0x125: {  	[tilespmem:s0], [sflag:$0x1] =	stream.indirect_vreg.gather [hbm4b:s1+s3], $0x80, v4, vm0, $0xb8;
	[tilespmem:$0x12300] =	vst v63  }
0x126: {  	s30 =	simm.s32 $0x2300  }
0x127: {  	[tilespmem:s30], [sflag:$0x1] =	stream.indirect_vreg.gather [hbm4b:s5+s3], $0x80, v4, vm0, $0xb8;
	[tilespmem:$0x12300] =	vst v63  }
0x128: {  	s14 =	simm.s32 $0x2B00  }
0x129: {  	[tilespmem:s14], [sflag:$0x1] =	stream.indirect_vreg.gather [hbm4b:s7+s3], $0x80, v4, vm0, $0xb8;
	[tilespmem:$0x12300] =	vst v63  }
0x12a: {  	v4 =	vld [tilespmem:$0xD0];
	_ =	sdelay $0x4  }
0x12b: {  	v5 =	vshrl.u32 v4, $0x3  }
0x12c: {  	v5 =	vmul.u32 $0x30, v5  }
0x12d: {  	v4 =	vand.u32 $0x7, v4  }
0x12e: {  	v4 =	vor.u32 v4, v5  }
0x12f: {  	v5 =	vperm.xlane v4, v1;
	_ =	sdelay $0x1  }
0x130: {  	v5 =	vadd.s32 v2, v5;
	_ =	sdelay $0x3  }
0x131: {  	s2 =	simm.s32 $0x3300;
	v4 =	vperm.xlane v4, v3  }
0x132: {  	[tilespmem:s2], [sflag:$0x1] =	stream.indirect_vreg.gather [hbm4b:s1+s3], $0x80, v5, vm0, $0xb8;
	[tilespmem:$0x12300] =	vst v63  }
0x133: {  	s9 =	simm.s32 $0x3B00;
	v4 =	vadd.s32 v2, v4  }
0x134: {  	[tilespmem:s9], [sflag:$0x1] =	stream.indirect_vreg.gather [hbm4b:s5+s3], $0x80, v5, vm0, $0xb8;
	[tilespmem:$0x12300] =	vst v63  }
0x135: {  	s10 =	simm.s32 $0x4300  }
0x136: {  	[tilespmem:s10], [sflag:$0x1] =	stream.indirect_vreg.gather [hbm4b:s7+s3], $0x80, v5, vm0, $0xb8;
	[tilespmem:$0x12300] =	vst v63  }
0x137: {  	s11 =	simm.s32 $0x4B00  }
0x138: {  	[tilespmem:s11], [sflag:$0x1] =	stream.indirect_vreg.gather [hbm4b:s1+s3], $0x80, v4, vm0, $0xb8;
	[tilespmem:$0x12300] =	vst v63  }
0x139: {  	s12 =	simm.s32 $0x5300  }
0x13a: {  	[tilespmem:s12], [sflag:$0x1] =	stream.indirect_vreg.gather [hbm4b:s5+s3], $0x80, v4, vm0, $0xb8;
	[tilespmem:$0x12300] =	vst v63  }
0x13b: {  	s8 =	simm.s32 $0x5B00  }
0x13c: {  	[tilespmem:s8], [sflag:$0x1] =	stream.indirect_vreg.gather [hbm4b:s7+s3], $0x80, v4, vm0, $0xb8;
	[tilespmem:$0x12300] =	vst v63  }
0x13d: {  	v4 =	vld [tilespmem:$0xE0];
	_ =	sdelay $0x4  }
0x13e: {  	v5 =	vshrl.u32 v4, $0x3  }
0x13f: {  	v5 =	vmul.u32 $0x30, v5  }
0x140: {  	v4 =	vand.u32 $0x7, v4  }
0x141: {  	v4 =	vor.u32 v4, v5  }
0x142: {  	v5 =	vperm.xlane v4, v1;
	_ =	sdelay $0x1  }
0x143: {  	v5 =	vadd.s32 v2, v5;
	_ =	sdelay $0x3  }
0x144: {  	s15 =	simm.s32 $0x6300;
	v4 =	vperm.xlane v4, v3  }
0x145: {  	[tilespmem:s15], [sflag:$0x1] =	stream.indirect_vreg.gather [hbm4b:s1+s3], $0x80, v5, vm0, $0xb8;
	[tilespmem:$0x12300] =	vst v63  }
0x146: {  	s18 =	simm.s32 $0x6B00;
	v4 =	vadd.s32 v2, v4  }
0x147: {  	[tilespmem:s18], [sflag:$0x1] =	stream.indirect_vreg.gather [hbm4b:s5+s3], $0x80, v5, vm0, $0xb8;
	[tilespmem:$0x12300] =	vst v63  }
0x148: {  	s19 =	simm.s32 $0x7300  }
0x149: {  	[tilespmem:s19], [sflag:$0x1] =	stream.indirect_vreg.gather [hbm4b:s7+s3], $0x80, v5, vm0, $0xb8;
	[tilespmem:$0x12300] =	vst v63  }
0x14a: {  	s21 =	simm.s32 $0x7B00  }
0x14b: {  	[tilespmem:s21], [sflag:$0x1] =	stream.indirect_vreg.gather [hbm4b:s1+s3], $0x80, v4, vm0, $0xb8;
	[tilespmem:$0x12300] =	vst v63  }
0x14c: {  	s22 =	simm.s32 $0x8300  }
0x14d: {  	[tilespmem:s22], [sflag:$0x1] =	stream.indirect_vreg.gather [hbm4b:s5+s3], $0x80, v4, vm0, $0xb8;
	[tilespmem:$0x12300] =	vst v63  }
0x14e: {  	s16 =	simm.s32 $0x8B00  }
0x14f: {  	[tilespmem:s16], [sflag:$0x1] =	stream.indirect_vreg.gather [hbm4b:s7+s3], $0x80, v4, vm0, $0xb8;
	[tilespmem:$0x12300] =	vst v63  }
0x150: {  	v4 =	vld [tilespmem:$0xF0];
	_ =	sdelay $0x4  }
0x151: {  	v5 =	vshrl.u32 v4, $0x3  }
0x152: {  	v5 =	vmul.u32 $0x30, v5  }
0x153: {  	v4 =	vand.u32 $0x7, v4  }
0x154: {  	v4 =	vor.u32 v4, v5  }
0x155: {  	v5 =	vperm.xlane v4, v1;
	_ =	sdelay $0x1  }
0x156: {  	v5 =	vadd.s32 v2, v5;
	_ =	sdelay $0x3  }
0x157: {  	s17 =	simm.s32 $0x9300;
	v4 =	vperm.xlane v4, v3  }
0x158: {  	[tilespmem:s17], [sflag:$0x1] =	stream.indirect_vreg.gather [hbm4b:s1+s3], $0x80, v5, vm0, $0xb8;
	[tilespmem:$0x12300] =	vst v63  }
0x159: {  	s23 =	simm.s32 $0x9B00;
	v4 =	vadd.s32 v2, v4  }
0x15a: {  	[tilespmem:s23], [sflag:$0x1] =	stream.indirect_vreg.gather [hbm4b:s5+s3], $0x80, v5, vm0, $0xb8;
	[tilespmem:$0x12300] =	vst v63  }
0x15b: {  	s24 =	simm.s32 $0xA300  }
0x15c: {  	[tilespmem:s24], [sflag:$0x1] =	stream.indirect_vreg.gather [hbm4b:s7+s3], $0x80, v5, vm0, $0xb8;
	[tilespmem:$0x12300] =	vst v63  }
0x15d: {  	s26 =	simm.s32 $0xAB00  }
0x15e: {  	[tilespmem:s26], [sflag:$0x1] =	stream.indirect_vreg.gather [hbm4b:s1+s3], $0x80, v4, vm0, $0xb8;
	[tilespmem:$0x12300] =	vst v63  }
0x15f: {  	s28 =	simm.s32 $0xB300  }
0x160: {  	[tilespmem:s28], [sflag:$0x1] =	stream.indirect_vreg.gather [hbm4b:s5+s3], $0x80, v4, vm0, $0xb8;
	[tilespmem:$0x12300] =	vst v63  }
0x161: {  	s20 =	simm.s32 $0xBB00  }
0x162: {  	[tilespmem:s20], [sflag:$0x1] =	stream.indirect_vreg.gather [hbm4b:s7+s3], $0x80, v4, vm0, $0xb8;
	[tilespmem:$0x12300] =	vst v63  }
0x163: {  	_ =	swait.ge [sflag:s25], $0xC000  }
0x164: {  	[sflag:s25] =	ssyncset.done $0x0  }
0x165: {  	s28 =	rddreg [dreg:$0x8];
	[sflag:s25] =	ssyncadd.s32 $0xFFFF4000  }
0x166: {  	[hbm4b:s28+s3] =	stream.linear.scatter [tilespmem:s13], [sflag:$0x2], $0xC000, $0x38;
	[tilespmem:$0x12300] =	vst v63  }
0x167: {  	_ =	swait.ge [sflag:s29], $0xC000  }
0x168: {  	[sflag:s29] =	ssyncset.done $0x0  }
0x169: {  	[sflag:s29] =	ssyncadd.s32 $0xFFFF4000  }
0x16a: {  	v4 =	vld [tilespmem:$0x100];
	_ =	sdelay $0x4  }
0x16b: {  	v5 =	vshrl.u32 v4, $0x3  }
0x16c: {  	v5 =	vmul.u32 $0x30, v5  }
0x16d: {  	v4 =	vand.u32 $0x7, v4  }
0x16e: {  	v4 =	vor.u32 v4, v5  }
0x16f: {  	v5 =	vperm.xlane v4, v1;
	_ =	sdelay $0x1  }
0x170: {  	v5 =	vadd.s32 v2, v5;
	_ =	sdelay $0x3  }
0x171: {  	v4 =	vperm.xlane v4, v3  }
0x172: {  	[tilespmem:s13], [sflag:$0x1] =	stream.indirect_vreg.gather [hbm4b:s1+s3], $0x80, v5, vm0, $0xb8;
	[tilespmem:$0x12300] =	vst v63  }
0x173: {  	s28 =	simm.s32 $0xB00;
	v4 =	vadd.s32 v2, v4  }
0x174: {  	[tilespmem:s28], [sflag:$0x1] =	stream.indirect_vreg.gather [hbm4b:s5+s3], $0x80, v5, vm0, $0xb8;
	[tilespmem:$0x12300] =	vst v63  }
0x175: {  	s31 =	simm.s32 $0x1300  }
0x176: {  	[tilespmem:s31], [sflag:$0x1] =	stream.indirect_vreg.gather [hbm4b:s7+s3], $0x80, v5, vm0, $0xb8;
	[tilespmem:$0x12300] =	vst v63  }
0x177: {  	s0 =	simm.s32 $0x1B00  }
0x178: {  	[tilespmem:s0], [sflag:$0x1] =	stream.indirect_vreg.gather [hbm4b:s1+s3], $0x80, v4, vm0, $0xb8;
	[tilespmem:$0x12300] =	vst v63  }
0x179: {  	s31 =	simm.s32 $0x2300  }
0x17a: {  	[tilespmem:s31], [sflag:$0x1] =	stream.indirect_vreg.gather [hbm4b:s5+s3], $0x80, v4, vm0, $0xb8;
	[tilespmem:$0x12300] =	vst v63  }
0x17b: {  	s14 =	simm.s32 $0x2B00  }
0x17c: {  	[tilespmem:s14], [sflag:$0x1] =	stream.indirect_vreg.gather [hbm4b:s7+s3], $0x80, v4, vm0, $0xb8;
	[tilespmem:$0x12300] =	vst v63  }
0x17d: {  	v4 =	vld [tilespmem:$0x110];
	_ =	sdelay $0x4  }
0x17e: {  	v5 =	vshrl.u32 v4, $0x3  }
0x17f: {  	v5 =	vmul.u32 $0x30, v5  }
0x180: {  	v4 =	vand.u32 $0x7, v4  }
0x181: {  	v4 =	vor.u32 v4, v5  }
0x182: {  	v5 =	vperm.xlane v4, v1;
	_ =	sdelay $0x1  }
0x183: {  	v5 =	vadd.s32 v2, v5;
	_ =	sdelay $0x3  }
0x184: {  	s30 =	simm.s32 $0x3300;
	v4 =	vperm.xlane v4, v3  }
0x185: {  	[tilespmem:s30], [sflag:$0x1] =	stream.indirect_vreg.gather [hbm4b:s1+s3], $0x80, v5, vm0, $0xb8;
	[tilespmem:$0x12300] =	vst v63  }
0x186: {  	s9 =	simm.s32 $0x3B00;
	v4 =	vadd.s32 v2, v4  }
0x187: {  	[tilespmem:s9], [sflag:$0x1] =	stream.indirect_vreg.gather [hbm4b:s5+s3], $0x80, v5, vm0, $0xb8;
	[tilespmem:$0x12300] =	vst v63  }
0x188: {  	s10 =	simm.s32 $0x4300  }
0x189: {  	[tilespmem:s10], [sflag:$0x1] =	stream.indirect_vreg.gather [hbm4b:s7+s3], $0x80, v5, vm0, $0xb8;
	[tilespmem:$0x12300] =	vst v63  }
0x18a: {  	s11 =	simm.s32 $0x4B00  }
0x18b: {  	[tilespmem:s11], [sflag:$0x1] =	stream.indirect_vreg.gather [hbm4b:s1+s3], $0x80, v4, vm0, $0xb8;
	[tilespmem:$0x12300] =	vst v63  }
0x18c: {  	s12 =	simm.s32 $0x5300  }
0x18d: {  	[tilespmem:s12], [sflag:$0x1] =	stream.indirect_vreg.gather [hbm4b:s5+s3], $0x80, v4, vm0, $0xb8;
	[tilespmem:$0x12300] =	vst v63  }
0x18e: {  	s2 =	simm.s32 $0x5B00  }
0x18f: {  	[tilespmem:s2], [sflag:$0x1] =	stream.indirect_vreg.gather [hbm4b:s7+s3], $0x80, v4, vm0, $0xb8;
	[tilespmem:$0x12300] =	vst v63  }
0x190: {  	v4 =	vld [tilespmem:$0x120];
	_ =	sdelay $0x4  }
0x191: {  	v5 =	vshrl.u32 v4, $0x3  }
0x192: {  	v5 =	vmul.u32 $0x30, v5  }
0x193: {  	v4 =	vand.u32 $0x7, v4  }
0x194: {  	v4 =	vor.u32 v4, v5  }
0x195: {  	v5 =	vperm.xlane v4, v1;
	_ =	sdelay $0x1  }
0x196: {  	v5 =	vadd.s32 v2, v5;
	_ =	sdelay $0x3  }
0x197: {  	s8 =	simm.s32 $0x6300;
	v4 =	vperm.xlane v4, v3  }
0x198: {  	[tilespmem:s8], [sflag:$0x1] =	stream.indirect_vreg.gather [hbm4b:s1+s3], $0x80, v5, vm0, $0xb8;
	[tilespmem:$0x12300] =	vst v63  }
0x199: {  	s15 =	simm.s32 $0x6B00;
	v4 =	vadd.s32 v2, v4  }
0x19a: {  	[tilespmem:s15], [sflag:$0x1] =	stream.indirect_vreg.gather [hbm4b:s5+s3], $0x80, v5, vm0, $0xb8;
	[tilespmem:$0x12300] =	vst v63  }
0x19b: {  	s18 =	simm.s32 $0x7300  }
0x19c: {  	[tilespmem:s18], [sflag:$0x1] =	stream.indirect_vreg.gather [hbm4b:s7+s3], $0x80, v5, vm0, $0xb8;
	[tilespmem:$0x12300] =	vst v63  }
0x19d: {  	s19 =	simm.s32 $0x7B00  }
0x19e: {  	[tilespmem:s19], [sflag:$0x1] =	stream.indirect_vreg.gather [hbm4b:s1+s3], $0x80, v4, vm0, $0xb8;
	[tilespmem:$0x12300] =	vst v63  }
0x19f: {  	s21 =	simm.s32 $0x8300  }
0x1a0: {  	[tilespmem:s21], [sflag:$0x1] =	stream.indirect_vreg.gather [hbm4b:s5+s3], $0x80, v4, vm0, $0xb8;
	[tilespmem:$0x12300] =	vst v63  }
0x1a1: {  	s22 =	simm.s32 $0x8B00  }
0x1a2: {  	[tilespmem:s22], [sflag:$0x1] =	stream.indirect_vreg.gather [hbm4b:s7+s3], $0x80, v4, vm0, $0xb8;
	[tilespmem:$0x12300] =	vst v63  }
0x1a3: {  	v4 =	vld [tilespmem:$0x130];
	_ =	sdelay $0x4  }
0x1a4: {  	v5 =	vshrl.u32 v4, $0x3  }
0x1a5: {  	v5 =	vmul.u32 $0x30, v5  }
0x1a6: {  	v4 =	vand.u32 $0x7, v4  }
0x1a7: {  	v4 =	vor.u32 v4, v5  }
0x1a8: {  	v5 =	vperm.xlane v4, v1;
	_ =	sdelay $0x1  }
0x1a9: {  	v5 =	vadd.s32 v2, v5;
	_ =	sdelay $0x3  }
0x1aa: {  	s16 =	simm.s32 $0x9300;
	v4 =	vperm.xlane v4, v3  }
0x1ab: {  	[tilespmem:s16], [sflag:$0x1] =	stream.indirect_vreg.gather [hbm4b:s1+s3], $0x80, v5, vm0, $0xb8;
	[tilespmem:$0x12300] =	vst v63  }
0x1ac: {  	s17 =	simm.s32 $0x9B00;
	v4 =	vadd.s32 v2, v4  }
0x1ad: {  	[tilespmem:s17], [sflag:$0x1] =	stream.indirect_vreg.gather [hbm4b:s5+s3], $0x80, v5, vm0, $0xb8;
	[tilespmem:$0x12300] =	vst v63  }
0x1ae: {  	s23 =	simm.s32 $0xA300  }
0x1af: {  	[tilespmem:s23], [sflag:$0x1] =	stream.indirect_vreg.gather [hbm4b:s7+s3], $0x80, v5, vm0, $0xb8;
	[tilespmem:$0x12300] =	vst v63  }
0x1b0: {  	s24 =	simm.s32 $0xAB00  }
0x1b1: {  	[tilespmem:s24], [sflag:$0x1] =	stream.indirect_vreg.gather [hbm4b:s1+s3], $0x80, v4, vm0, $0xb8;
	[tilespmem:$0x12300] =	vst v63  }
0x1b2: {  	s26 =	simm.s32 $0xB300  }
0x1b3: {  	[tilespmem:s26], [sflag:$0x1] =	stream.indirect_vreg.gather [hbm4b:s5+s3], $0x80, v4, vm0, $0xb8;
	[tilespmem:$0x12300] =	vst v63  }
0x1b4: {  	s20 =	simm.s32 $0xBB00  }
0x1b5: {  	[tilespmem:s20], [sflag:$0x1] =	stream.indirect_vreg.gather [hbm4b:s7+s3], $0x80, v4, vm0, $0xb8;
	[tilespmem:$0x12300] =	vst v63  }
0x1b6: {  	_ =	swait.ge [sflag:s25], $0xC000  }
0x1b7: {  	[sflag:s25] =	ssyncset.done $0x0  }
0x1b8: {  	s26 =	rddreg [dreg:$0x9];
	[sflag:s25] =	ssyncadd.s32 $0xFFFF4000  }
0x1b9: {  	[hbm4b:s26+s3] =	stream.linear.scatter [tilespmem:s13], [sflag:$0x2], $0xC000, $0x38;
	[tilespmem:$0x12300] =	vst v63  }
0x1ba: {  	_ =	swait.ge [sflag:s29], $0xC000  }
0x1bb: {  	[sflag:s29] =	ssyncset.done $0x0  }
0x1bc: {  	[sflag:s29] =	ssyncadd.s32 $0xFFFF4000  }
0x1bd: {  	v4 =	vld [tilespmem:$0x140];
	_ =	sdelay $0x4  }
0x1be: {  	v5 =	vshrl.u32 v4, $0x3  }
0x1bf: {  	v5 =	vmul.u32 $0x30, v5  }
0x1c0: {  	v4 =	vand.u32 $0x7, v4  }
0x1c1: {  	v4 =	vor.u32 v4, v5  }
0x1c2: {  	v5 =	vperm.xlane v4, v1;
	_ =	sdelay $0x1  }
0x1c3: {  	v5 =	vadd.s32 v2, v5;
	_ =	sdelay $0x3  }
0x1c4: {  	v4 =	vperm.xlane v4, v3  }
0x1c5: {  	[tilespmem:s13], [sflag:$0x1] =	stream.indirect_vreg.gather [hbm4b:s1+s3], $0x80, v5, vm0, $0xb8;
	[tilespmem:$0x12300] =	vst v63  }
0x1c6: {  	s28 =	simm.s32 $0xB00;
	v4 =	vadd.s32 v2, v4  }
0x1c7: {  	[tilespmem:s28], [sflag:$0x1] =	stream.indirect_vreg.gather [hbm4b:s5+s3], $0x80, v5, vm0, $0xb8;
	[tilespmem:$0x12300] =	vst v63  }
0x1c8: {  	s26 =	simm.s32 $0x1300  }
0x1c9: {  	[tilespmem:s26], [sflag:$0x1] =	stream.indirect_vreg.gather [hbm4b:s7+s3], $0x80, v5, vm0, $0xb8;
	[tilespmem:$0x12300] =	vst v63  }
0x1ca: {  	s0 =	simm.s32 $0x1B00  }
0x1cb: {  	[tilespmem:s0], [sflag:$0x1] =	stream.indirect_vreg.gather [hbm4b:s1+s3], $0x80, v4, vm0, $0xb8;
	[tilespmem:$0x12300] =	vst v63  }
0x1cc: {  	s4 =	simm.s32 $0x2300  }
0x1cd: {  	[tilespmem:s4], [sflag:$0x1] =	stream.indirect_vreg.gather [hbm4b:s5+s3], $0x80, v4, vm0, $0xb8;
	[tilespmem:$0x12300] =	vst v63  }
0x1ce: {  	s14 =	simm.s32 $0x2B00  }
0x1cf: {  	[tilespmem:s14], [sflag:$0x1] =	stream.indirect_vreg.gather [hbm4b:s7+s3], $0x80, v4, vm0, $0xb8;
	[tilespmem:$0x12300] =	vst v63  }
0x1d0: {  	v4 =	vld [tilespmem:$0x150];
	_ =	sdelay $0x4  }
0x1d1: {  	v5 =	vshrl.u32 v4, $0x3  }
0x1d2: {  	v5 =	vmul.u32 $0x30, v5  }
0x1d3: {  	v4 =	vand.u32 $0x7, v4  }
0x1d4: {  	v4 =	vor.u32 v4, v5  }
0x1d5: {  	v5 =	vperm.xlane v4, v1;
	_ =	sdelay $0x1  }
0x1d6: {  	v5 =	vadd.s32 v2, v5;
	_ =	sdelay $0x3  }
0x1d7: {  	s30 =	simm.s32 $0x3300;
	v4 =	vperm.xlane v4, v3  }
0x1d8: {  	[tilespmem:s30], [sflag:$0x1] =	stream.indirect_vreg.gather [hbm4b:s1+s3], $0x80, v5, vm0, $0xb8;
	[tilespmem:$0x12300] =	vst v63  }
0x1d9: {  	s9 =	simm.s32 $0x3B00;
	v4 =	vadd.s32 v2, v4  }
0x1da: {  	[tilespmem:s9], [sflag:$0x1] =	stream.indirect_vreg.gather [hbm4b:s5+s3], $0x80, v5, vm0, $0xb8;
	[tilespmem:$0x12300] =	vst v63  }
0x1db: {  	s10 =	simm.s32 $0x4300  }
0x1dc: {  	[tilespmem:s10], [sflag:$0x1] =	stream.indirect_vreg.gather [hbm4b:s7+s3], $0x80, v5, vm0, $0xb8;
	[tilespmem:$0x12300] =	vst v63  }
0x1dd: {  	s11 =	simm.s32 $0x4B00  }
0x1de: {  	[tilespmem:s11], [sflag:$0x1] =	stream.indirect_vreg.gather [hbm4b:s1+s3], $0x80, v4, vm0, $0xb8;
	[tilespmem:$0x12300] =	vst v63  }
0x1df: {  	s12 =	simm.s32 $0x5300  }
0x1e0: {  	[tilespmem:s12], [sflag:$0x1] =	stream.indirect_vreg.gather [hbm4b:s5+s3], $0x80, v4, vm0, $0xb8;
	[tilespmem:$0x12300] =	vst v63  }
0x1e1: {  	s31 =	simm.s32 $0x5B00  }
0x1e2: {  	[tilespmem:s31], [sflag:$0x1] =	stream.indirect_vreg.gather [hbm4b:s7+s3], $0x80, v4, vm0, $0xb8;
	[tilespmem:$0x12300] =	vst v63  }
0x1e3: {  	v4 =	vld [tilespmem:$0x160];
	_ =	sdelay $0x4  }
0x1e4: {  	v5 =	vshrl.u32 v4, $0x3  }
0x1e5: {  	v5 =	vmul.u32 $0x30, v5  }
0x1e6: {  	v4 =	vand.u32 $0x7, v4  }
0x1e7: {  	v4 =	vor.u32 v4, v5  }
0x1e8: {  	v5 =	vperm.xlane v4, v1;
	_ =	sdelay $0x1  }
0x1e9: {  	v5 =	vadd.s32 v2, v5;
	_ =	sdelay $0x3  }
0x1ea: {  	s8 =	simm.s32 $0x6300;
	v4 =	vperm.xlane v4, v3  }
0x1eb: {  	[tilespmem:s8], [sflag:$0x1] =	stream.indirect_vreg.gather [hbm4b:s1+s3], $0x80, v5, vm0, $0xb8;
	[tilespmem:$0x12300] =	vst v63  }
0x1ec: {  	s15 =	simm.s32 $0x6B00;
	v4 =	vadd.s32 v2, v4  }
0x1ed: {  	[tilespmem:s15], [sflag:$0x1] =	stream.indirect_vreg.gather [hbm4b:s5+s3], $0x80, v5, vm0, $0xb8;
	[tilespmem:$0x12300] =	vst v63  }
0x1ee: {  	s18 =	simm.s32 $0x7300  }
0x1ef: {  	[tilespmem:s18], [sflag:$0x1] =	stream.indirect_vreg.gather [hbm4b:s7+s3], $0x80, v5, vm0, $0xb8;
	[tilespmem:$0x12300] =	vst v63  }
0x1f0: {  	s19 =	simm.s32 $0x7B00  }
0x1f1: {  	[tilespmem:s19], [sflag:$0x1] =	stream.indirect_vreg.gather [hbm4b:s1+s3], $0x80, v4, vm0, $0xb8;
	[tilespmem:$0x12300] =	vst v63  }
0x1f2: {  	s21 =	simm.s32 $0x8300  }
0x1f3: {  	[tilespmem:s21], [sflag:$0x1] =	stream.indirect_vreg.gather [hbm4b:s5+s3], $0x80, v4, vm0, $0xb8;
	[tilespmem:$0x12300] =	vst v63  }
0x1f4: {  	s22 =	simm.s32 $0x8B00  }
0x1f5: {  	[tilespmem:s22], [sflag:$0x1] =	stream.indirect_vreg.gather [hbm4b:s7+s3], $0x80, v4, vm0, $0xb8;
	[tilespmem:$0x12300] =	vst v63  }
0x1f6: {  	v4 =	vld [tilespmem:$0x170];
	_ =	sdelay $0x4  }
0x1f7: {  	v5 =	vshrl.u32 v4, $0x3  }
0x1f8: {  	v5 =	vmul.u32 $0x30, v5  }
0x1f9: {  	v4 =	vand.u32 $0x7, v4  }
0x1fa: {  	v4 =	vor.u32 v4, v5  }
0x1fb: {  	v5 =	vperm.xlane v4, v1;
	_ =	sdelay $0x1  }
0x1fc: {  	v5 =	vadd.s32 v2, v5;
	_ =	sdelay $0x3  }
0x1fd: {  	s2 =	simm.s32 $0x9300;
	v4 =	vperm.xlane v4, v3  }
0x1fe: {  	[tilespmem:s2], [sflag:$0x1] =	stream.indirect_vreg.gather [hbm4b:s1+s3], $0x80, v5, vm0, $0xb8;
	[tilespmem:$0x12300] =	vst v63  }
0x1ff: {  	s17 =	simm.s32 $0x9B00;
	v4 =	vadd.s32 v2, v4  }
0x200: {  	[tilespmem:s17], [sflag:$0x1] =	stream.indirect_vreg.gather [hbm4b:s5+s3], $0x80, v5, vm0, $0xb8;
	[tilespmem:$0x12300] =	vst v63  }
0x201: {  	s23 =	simm.s32 $0xA300  }
0x202: {  	[tilespmem:s23], [sflag:$0x1] =	stream.indirect_vreg.gather [hbm4b:s7+s3], $0x80, v5, vm0, $0xb8;
	[tilespmem:$0x12300] =	vst v63  }
0x203: {  	s16 =	simm.s32 $0xAB00  }
0x204: {  	[tilespmem:s16], [sflag:$0x1] =	stream.indirect_vreg.gather [hbm4b:s1+s3], $0x80, v4, vm0, $0xb8;
	[tilespmem:$0x12300] =	vst v63  }
0x205: {  	s24 =	simm.s32 $0xB300  }
0x206: {  	[tilespmem:s24], [sflag:$0x1] =	stream.indirect_vreg.gather [hbm4b:s5+s3], $0x80, v4, vm0, $0xb8;
	[tilespmem:$0x12300] =	vst v63  }
0x207: {  	s20 =	simm.s32 $0xBB00  }
0x208: {  	[tilespmem:s20], [sflag:$0x1] =	stream.indirect_vreg.gather [hbm4b:s7+s3], $0x80, v4, vm0, $0xb8;
	[tilespmem:$0x12300] =	vst v63  }
0x209: {  	_ =	swait.ge [sflag:s25], $0xC000  }
0x20a: {  	[sflag:s25] =	ssyncset.done $0x0  }
0x20b: {  	s24 =	rddreg [dreg:$0xa];
	[sflag:s25] =	ssyncadd.s32 $0xFFFF4000  }
0x20c: {  	[hbm4b:s24+s3] =	stream.linear.scatter [tilespmem:s13], [sflag:$0x2], $0xC000, $0x38;
	[tilespmem:$0x12300] =	vst v63  }
0x20d: {  	_ =	swait.ge [sflag:s29], $0xC000  }
0x20e: {  	[sflag:s29] =	ssyncset.done $0x0  }
0x20f: {  	[sflag:s29] =	ssyncadd.s32 $0xFFFF4000  }
0x210: {  	v4 =	vld [tilespmem:$0x180];
	_ =	sdelay $0x4  }
0x211: {  	v5 =	vshrl.u32 v4, $0x3  }
0x212: {  	v5 =	vmul.u32 $0x30, v5  }
0x213: {  	v4 =	vand.u32 $0x7, v4  }
0x214: {  	v4 =	vor.u32 v4, v5  }
0x215: {  	v5 =	vperm.xlane v4, v1;
	_ =	sdelay $0x1  }
0x216: {  	v5 =	vadd.s32 v2, v5;
	_ =	sdelay $0x3  }
0x217: {  	v4 =	vperm.xlane v4, v3  }
0x218: {  	[tilespmem:s13], [sflag:$0x1] =	stream.indirect_vreg.gather [hbm4b:s1+s3], $0x80, v5, vm0, $0xb8;
	[tilespmem:$0x12300] =	vst v63  }
0x219: {  	s28 =	simm.s32 $0xB00;
	v4 =	vadd.s32 v2, v4  }
0x21a: {  	[tilespmem:s28], [sflag:$0x1] =	stream.indirect_vreg.gather [hbm4b:s5+s3], $0x80, v5, vm0, $0xb8;
	[tilespmem:$0x12300] =	vst v63  }
0x21b: {  	s26 =	simm.s32 $0x1300  }
0x21c: {  	[tilespmem:s26], [sflag:$0x1] =	stream.indirect_vreg.gather [hbm4b:s7+s3], $0x80, v5, vm0, $0xb8;
	[tilespmem:$0x12300] =	vst v63  }
0x21d: {  	s0 =	simm.s32 $0x1B00  }
0x21e: {  	[tilespmem:s0], [sflag:$0x1] =	stream.indirect_vreg.gather [hbm4b:s1+s3], $0x80, v4, vm0, $0xb8;
	[tilespmem:$0x12300] =	vst v63  }
0x21f: {  	s26 =	simm.s32 $0x2300  }
0x220: {  	[tilespmem:s26], [sflag:$0x1] =	stream.indirect_vreg.gather [hbm4b:s5+s3], $0x80, v4, vm0, $0xb8;
	[tilespmem:$0x12300] =	vst v63  }
0x221: {  	s14 =	simm.s32 $0x2B00  }
0x222: {  	[tilespmem:s14], [sflag:$0x1] =	stream.indirect_vreg.gather [hbm4b:s7+s3], $0x80, v4, vm0, $0xb8;
	[tilespmem:$0x12300] =	vst v63  }
0x223: {  	v4 =	vld [tilespmem:$0x190];
	_ =	sdelay $0x4  }
0x224: {  	v5 =	vshrl.u32 v4, $0x3  }
0x225: {  	v5 =	vmul.u32 $0x30, v5  }
0x226: {  	v4 =	vand.u32 $0x7, v4  }
0x227: {  	v4 =	vor.u32 v4, v5  }
0x228: {  	v5 =	vperm.xlane v4, v1;
	_ =	sdelay $0x1  }
0x229: {  	v5 =	vadd.s32 v2, v5;
	_ =	sdelay $0x3  }
0x22a: {  	s28 =	simm.s32 $0x3300;
	v4 =	vperm.xlane v4, v3  }
0x22b: {  	[tilespmem:s28], [sflag:$0x1] =	stream.indirect_vreg.gather [hbm4b:s1+s3], $0x80, v5, vm0, $0xb8;
	[tilespmem:$0x12300] =	vst v63  }
0x22c: {  	s9 =	simm.s32 $0x3B00;
	v4 =	vadd.s32 v2, v4  }
0x22d: {  	[tilespmem:s9], [sflag:$0x1] =	stream.indirect_vreg.gather [hbm4b:s5+s3], $0x80, v5, vm0, $0xb8;
	[tilespmem:$0x12300] =	vst v63  }
0x22e: {  	s10 =	simm.s32 $0x4300  }
0x22f: {  	[tilespmem:s10], [sflag:$0x1] =	stream.indirect_vreg.gather [hbm4b:s7+s3], $0x80, v5, vm0, $0xb8;
	[tilespmem:$0x12300] =	vst v63  }
0x230: {  	s11 =	simm.s32 $0x4B00  }
0x231: {  	[tilespmem:s11], [sflag:$0x1] =	stream.indirect_vreg.gather [hbm4b:s1+s3], $0x80, v4, vm0, $0xb8;
	[tilespmem:$0x12300] =	vst v63  }
0x232: {  	s12 =	simm.s32 $0x5300  }
0x233: {  	[tilespmem:s12], [sflag:$0x1] =	stream.indirect_vreg.gather [hbm4b:s5+s3], $0x80, v4, vm0, $0xb8;
	[tilespmem:$0x12300] =	vst v63  }
0x234: {  	s31 =	simm.s32 $0x5B00  }
0x235: {  	[tilespmem:s31], [sflag:$0x1] =	stream.indirect_vreg.gather [hbm4b:s7+s3], $0x80, v4, vm0, $0xb8;
	[tilespmem:$0x12300] =	vst v63  }
0x236: {  	v4 =	vld [tilespmem:$0x1A0];
	_ =	sdelay $0x4  }
0x237: {  	v5 =	vshrl.u32 v4, $0x3  }
0x238: {  	v5 =	vmul.u32 $0x30, v5  }
0x239: {  	v4 =	vand.u32 $0x7, v4  }
0x23a: {  	v4 =	vor.u32 v4, v5  }
0x23b: {  	v5 =	vperm.xlane v4, v1;
	_ =	sdelay $0x1  }
0x23c: {  	v5 =	vadd.s32 v2, v5;
	_ =	sdelay $0x3  }
0x23d: {  	s30 =	simm.s32 $0x6300;
	v4 =	vperm.xlane v4, v3  }
0x23e: {  	[tilespmem:s30], [sflag:$0x1] =	stream.indirect_vreg.gather [hbm4b:s1+s3], $0x80, v5, vm0, $0xb8;
	[tilespmem:$0x12300] =	vst v63  }
0x23f: {  	s15 =	simm.s32 $0x6B00;
	v4 =	vadd.s32 v2, v4  }
0x240: {  	[tilespmem:s15], [sflag:$0x1] =	stream.indirect_vreg.gather [hbm4b:s5+s3], $0x80, v5, vm0, $0xb8;
	[tilespmem:$0x12300] =	vst v63  }
0x241: {  	s18 =	simm.s32 $0x7300  }
0x242: {  	[tilespmem:s18], [sflag:$0x1] =	stream.indirect_vreg.gather [hbm4b:s7+s3], $0x80, v5, vm0, $0xb8;
	[tilespmem:$0x12300] =	vst v63  }
0x243: {  	s19 =	simm.s32 $0x7B00  }
0x244: {  	[tilespmem:s19], [sflag:$0x1] =	stream.indirect_vreg.gather [hbm4b:s1+s3], $0x80, v4, vm0, $0xb8;
	[tilespmem:$0x12300] =	vst v63  }
0x245: {  	s21 =	simm.s32 $0x8300  }
0x246: {  	[tilespmem:s21], [sflag:$0x1] =	stream.indirect_vreg.gather [hbm4b:s5+s3], $0x80, v4, vm0, $0xb8;
	[tilespmem:$0x12300] =	vst v63  }
0x247: {  	s22 =	simm.s32 $0x8B00  }
0x248: {  	[tilespmem:s22], [sflag:$0x1] =	stream.indirect_vreg.gather [hbm4b:s7+s3], $0x80, v4, vm0, $0xb8;
	[tilespmem:$0x12300] =	vst v63  }
0x249: {  	v4 =	vld [tilespmem:$0x1B0];
	_ =	sdelay $0x4  }
0x24a: {  	v5 =	vshrl.u32 v4, $0x3  }
0x24b: {  	v5 =	vmul.u32 $0x30, v5  }
0x24c: {  	v4 =	vand.u32 $0x7, v4  }
0x24d: {  	v4 =	vor.u32 v4, v5  }
0x24e: {  	v5 =	vperm.xlane v4, v1;
	_ =	sdelay $0x1  }
0x24f: {  	v5 =	vadd.s32 v2, v5;
	_ =	sdelay $0x3  }
0x250: {  	s2 =	simm.s32 $0x9300;
	v4 =	vperm.xlane v4, v3  }
0x251: {  	[tilespmem:s2], [sflag:$0x1] =	stream.indirect_vreg.gather [hbm4b:s1+s3], $0x80, v5, vm0, $0xb8;
	[tilespmem:$0x12300] =	vst v63  }
0x252: {  	s17 =	simm.s32 $0x9B00;
	v4 =	vadd.s32 v2, v4  }
0x253: {  	[tilespmem:s17], [sflag:$0x1] =	stream.indirect_vreg.gather [hbm4b:s5+s3], $0x80, v5, vm0, $0xb8;
	[tilespmem:$0x12300] =	vst v63  }
0x254: {  	s23 =	simm.s32 $0xA300  }
0x255: {  	[tilespmem:s23], [sflag:$0x1] =	stream.indirect_vreg.gather [hbm4b:s7+s3], $0x80, v5, vm0, $0xb8;
	[tilespmem:$0x12300] =	vst v63  }
0x256: {  	s8 =	simm.s32 $0xAB00  }
0x257: {  	[tilespmem:s8], [sflag:$0x1] =	stream.indirect_vreg.gather [hbm4b:s1+s3], $0x80, v4, vm0, $0xb8;
	[tilespmem:$0x12300] =	vst v63  }
0x258: {  	s16 =	simm.s32 $0xB300  }
0x259: {  	[tilespmem:s16], [sflag:$0x1] =	stream.indirect_vreg.gather [hbm4b:s5+s3], $0x80, v4, vm0, $0xb8;
	[tilespmem:$0x12300] =	vst v63  }
0x25a: {  	s20 =	simm.s32 $0xBB00  }
0x25b: {  	[tilespmem:s20], [sflag:$0x1] =	stream.indirect_vreg.gather [hbm4b:s7+s3], $0x80, v4, vm0, $0xb8;
	[tilespmem:$0x12300] =	vst v63  }
0x25c: {  	_ =	swait.ge [sflag:s25], $0xC000  }
0x25d: {  	[sflag:s25] =	ssyncset.done $0x0  }
0x25e: {  	s20 =	rddreg [dreg:$0xb];
	[sflag:s25] =	ssyncadd.s32 $0xFFFF4000  }
0x25f: {  	[hbm4b:s20+s3] =	stream.linear.scatter [tilespmem:s13], [sflag:$0x2], $0xC000, $0x38;
	[tilespmem:$0x12300] =	vst v63  }
0x260: {  	_ =	swait.ge [sflag:s29], $0xC000  }
0x261: {  	[sflag:s29] =	ssyncset.done $0x0  }
0x262: {  	[sflag:s29] =	ssyncadd.s32 $0xFFFF4000  }
0x263: {  	v4 =	vld [tilespmem:$0x1C0];
	_ =	sdelay $0x4  }
0x264: {  	v5 =	vshrl.u32 v4, $0x3  }
0x265: {  	v5 =	vmul.u32 $0x30, v5  }
0x266: {  	v4 =	vand.u32 $0x7, v4  }
0x267: {  	v4 =	vor.u32 v4, v5  }
0x268: {  	v5 =	vperm.xlane v4, v1;
	_ =	sdelay $0x1  }
0x269: {  	v5 =	vadd.s32 v2, v5;
	_ =	sdelay $0x3  }
0x26a: {  	v4 =	vperm.xlane v4, v3  }
0x26b: {  	[tilespmem:s13], [sflag:$0x1] =	stream.indirect_vreg.gather [hbm4b:s1+s3], $0x80, v5, vm0, $0xb8;
	[tilespmem:$0x12300] =	vst v63  }
0x26c: {  	s20 =	simm.s32 $0xB00;
	v4 =	vadd.s32 v2, v4  }
0x26d: {  	[tilespmem:s20], [sflag:$0x1] =	stream.indirect_vreg.gather [hbm4b:s5+s3], $0x80, v5, vm0, $0xb8;
	[tilespmem:$0x12300] =	vst v63  }
0x26e: {  	s24 =	simm.s32 $0x1300  }
0x26f: {  	[tilespmem:s24], [sflag:$0x1] =	stream.indirect_vreg.gather [hbm4b:s7+s3], $0x80, v5, vm0, $0xb8;
	[tilespmem:$0x12300] =	vst v63  }
0x270: {  	s0 =	simm.s32 $0x1B00  }
0x271: {  	[tilespmem:s0], [sflag:$0x1] =	stream.indirect_vreg.gather [hbm4b:s1+s3], $0x80, v4, vm0, $0xb8;
	[tilespmem:$0x12300] =	vst v63  }
0x272: {  	s24 =	simm.s32 $0x2300  }
0x273: {  	[tilespmem:s24], [sflag:$0x1] =	stream.indirect_vreg.gather [hbm4b:s5+s3], $0x80, v4, vm0, $0xb8;
	[tilespmem:$0x12300] =	vst v63  }
0x274: {  	s14 =	simm.s32 $0x2B00  }
0x275: {  	[tilespmem:s14], [sflag:$0x1] =	stream.indirect_vreg.gather [hbm4b:s7+s3], $0x80, v4, vm0, $0xb8;
	[tilespmem:$0x12300] =	vst v63  }
0x276: {  	v4 =	vld [tilespmem:$0x1D0];
	_ =	sdelay $0x4  }
0x277: {  	v5 =	vshrl.u32 v4, $0x3  }
0x278: {  	v5 =	vmul.u32 $0x30, v5  }
0x279: {  	v4 =	vand.u32 $0x7, v4  }
0x27a: {  	v4 =	vor.u32 v4, v5  }
0x27b: {  	v5 =	vperm.xlane v4, v1;
	_ =	sdelay $0x1  }
0x27c: {  	v5 =	vadd.s32 v2, v5;
	_ =	sdelay $0x3  }
0x27d: {  	s26 =	simm.s32 $0x3300;
	v4 =	vperm.xlane v4, v3  }
0x27e: {  	[tilespmem:s26], [sflag:$0x1] =	stream.indirect_vreg.gather [hbm4b:s1+s3], $0x80, v5, vm0, $0xb8;
	[tilespmem:$0x12300] =	vst v63  }
0x27f: {  	s9 =	simm.s32 $0x3B00;
	v4 =	vadd.s32 v2, v4  }
0x280: {  	[tilespmem:s9], [sflag:$0x1] =	stream.indirect_vreg.gather [hbm4b:s5+s3], $0x80, v5, vm0, $0xb8;
	[tilespmem:$0x12300] =	vst v63  }
0x281: {  	s10 =	simm.s32 $0x4300  }
0x282: {  	[tilespmem:s10], [sflag:$0x1] =	stream.indirect_vreg.gather [hbm4b:s7+s3], $0x80, v5, vm0, $0xb8;
	[tilespmem:$0x12300] =	vst v63  }
0x283: {  	s11 =	simm.s32 $0x4B00  }
0x284: {  	[tilespmem:s11], [sflag:$0x1] =	stream.indirect_vreg.gather [hbm4b:s1+s3], $0x80, v4, vm0, $0xb8;
	[tilespmem:$0x12300] =	vst v63  }
0x285: {  	s12 =	simm.s32 $0x5300  }
0x286: {  	[tilespmem:s12], [sflag:$0x1] =	stream.indirect_vreg.gather [hbm4b:s5+s3], $0x80, v4, vm0, $0xb8;
	[tilespmem:$0x12300] =	vst v63  }
0x287: {  	s31 =	simm.s32 $0x5B00  }
0x288: {  	[tilespmem:s31], [sflag:$0x1] =	stream.indirect_vreg.gather [hbm4b:s7+s3], $0x80, v4, vm0, $0xb8;
	[tilespmem:$0x12300] =	vst v63  }
0x289: {  	v4 =	vld [tilespmem:$0x1E0];
	_ =	sdelay $0x4  }
0x28a: {  	v5 =	vshrl.u32 v4, $0x3  }
0x28b: {  	v5 =	vmul.u32 $0x30, v5  }
0x28c: {  	v4 =	vand.u32 $0x7, v4  }
0x28d: {  	v4 =	vor.u32 v4, v5  }
0x28e: {  	v5 =	vperm.xlane v4, v1;
	_ =	sdelay $0x1  }
0x28f: {  	v5 =	vadd.s32 v2, v5;
	_ =	sdelay $0x3  }
0x290: {  	s28 =	simm.s32 $0x6300;
	v4 =	vperm.xlane v4, v3  }
0x291: {  	[tilespmem:s28], [sflag:$0x1] =	stream.indirect_vreg.gather [hbm4b:s1+s3], $0x80, v5, vm0, $0xb8;
	[tilespmem:$0x12300] =	vst v63  }
0x292: {  	s30 =	simm.s32 $0x6B00;
	v4 =	vadd.s32 v2, v4  }
0x293: {  	[tilespmem:s30], [sflag:$0x1] =	stream.indirect_vreg.gather [hbm4b:s5+s3], $0x80, v5, vm0, $0xb8;
	[tilespmem:$0x12300] =	vst v63  }
0x294: {  	s15 =	simm.s32 $0x7300  }
0x295: {  	[tilespmem:s15], [sflag:$0x1] =	stream.indirect_vreg.gather [hbm4b:s7+s3], $0x80, v5, vm0, $0xb8;
	[tilespmem:$0x12300] =	vst v63  }
0x296: {  	s19 =	simm.s32 $0x7B00  }
0x297: {  	[tilespmem:s19], [sflag:$0x1] =	stream.indirect_vreg.gather [hbm4b:s1+s3], $0x80, v4, vm0, $0xb8;
	[tilespmem:$0x12300] =	vst v63  }
0x298: {  	s21 =	simm.s32 $0x8300  }
0x299: {  	[tilespmem:s21], [sflag:$0x1] =	stream.indirect_vreg.gather [hbm4b:s5+s3], $0x80, v4, vm0, $0xb8;
	[tilespmem:$0x12300] =	vst v63  }
0x29a: {  	s22 =	simm.s32 $0x8B00  }
0x29b: {  	[tilespmem:s22], [sflag:$0x1] =	stream.indirect_vreg.gather [hbm4b:s7+s3], $0x80, v4, vm0, $0xb8;
	[tilespmem:$0x12300] =	vst v63  }
0x29c: {  	v4 =	vld [tilespmem:$0x1F0];
	_ =	sdelay $0x4  }
0x29d: {  	v5 =	vshrl.u32 v4, $0x3  }
0x29e: {  	v5 =	vmul.u32 $0x30, v5  }
0x29f: {  	v4 =	vand.u32 $0x7, v4  }
0x2a0: {  	v4 =	vor.u32 v4, v5  }
0x2a1: {  	v5 =	vperm.xlane v4, v1;
	_ =	sdelay $0x1  }
0x2a2: {  	v5 =	vadd.s32 v2, v5;
	_ =	sdelay $0x3  }
0x2a3: {  	s18 =	simm.s32 $0x9300;
	v4 =	vperm.xlane v4, v3  }
0x2a4: {  	[tilespmem:s18], [sflag:$0x1] =	stream.indirect_vreg.gather [hbm4b:s1+s3], $0x80, v5, vm0, $0xb8;
	[tilespmem:$0x12300] =	vst v63  }
0x2a5: {  	s17 =	simm.s32 $0x9B00;
	v4 =	vadd.s32 v2, v4  }
0x2a6: {  	[tilespmem:s17], [sflag:$0x1] =	stream.indirect_vreg.gather [hbm4b:s5+s3], $0x80, v5, vm0, $0xb8;
	[tilespmem:$0x12300] =	vst v63  }
0x2a7: {  	s23 =	simm.s32 $0xA300  }
0x2a8: {  	[tilespmem:s23], [sflag:$0x1] =	stream.indirect_vreg.gather [hbm4b:s7+s3], $0x80, v5, vm0, $0xb8;
	[tilespmem:$0x12300] =	vst v63  }
0x2a9: {  	s2 =	simm.s32 $0xAB00  }
0x2aa: {  	[tilespmem:s2], [sflag:$0x1] =	stream.indirect_vreg.gather [hbm4b:s1+s3], $0x80, v4, vm0, $0xb8;
	[tilespmem:$0x12300] =	vst v63  }
0x2ab: {  	s8 =	simm.s32 $0xB300  }
0x2ac: {  	[tilespmem:s8], [sflag:$0x1] =	stream.indirect_vreg.gather [hbm4b:s5+s3], $0x80, v4, vm0, $0xb8;
	[tilespmem:$0x12300] =	vst v63  }
0x2ad: {  	s16 =	simm.s32 $0xBB00  }
0x2ae: {  	[tilespmem:s16], [sflag:$0x1] =	stream.indirect_vreg.gather [hbm4b:s7+s3], $0x80, v4, vm0, $0xb8;
	[tilespmem:$0x12300] =	vst v63  }
0x2af: {  	_ =	swait.ge [sflag:s25], $0xC000  }
0x2b0: {  	[sflag:s25] =	ssyncset.done $0x0  }
0x2b1: {  	s16 =	rddreg [dreg:$0xc];
	[sflag:s25] =	ssyncadd.s32 $0xFFFF4000  }
0x2b2: {  	[hbm4b:s16+s3] =	stream.linear.scatter [tilespmem:s13], [sflag:$0x2], $0xC000, $0x38;
	[tilespmem:$0x12300] =	vst v63  }
0x2b3: {  	_ =	swait.ge [sflag:s29], $0xC000  }
0x2b4: {  	[sflag:s29] =	ssyncset.done $0x0  }
0x2b5: {  	[sflag:s29] =	ssyncadd.s32 $0xFFFF4000  }
0x2b6: {  	v4 =	vld [tilespmem:$0x200];
	_ =	sdelay $0x4  }
0x2b7: {  	v5 =	vshrl.u32 v4, $0x3  }
0x2b8: {  	v5 =	vmul.u32 $0x30, v5  }
0x2b9: {  	v4 =	vand.u32 $0x7, v4  }
0x2ba: {  	v4 =	vor.u32 v4, v5  }
0x2bb: {  	v5 =	vperm.xlane v4, v1;
	_ =	sdelay $0x1  }
0x2bc: {  	v5 =	vadd.s32 v2, v5;
	_ =	sdelay $0x3  }
0x2bd: {  	v4 =	vperm.xlane v4, v3  }
0x2be: {  	[tilespmem:s13], [sflag:$0x1] =	stream.indirect_vreg.gather [hbm4b:s1+s3], $0x80, v5, vm0, $0xb8;
	[tilespmem:$0x12300] =	vst v63  }
0x2bf: {  	s16 =	simm.s32 $0xB00;
	v4 =	vadd.s32 v2, v4  }
0x2c0: {  	[tilespmem:s16], [sflag:$0x1] =	stream.indirect_vreg.gather [hbm4b:s5+s3], $0x80, v5, vm0, $0xb8;
	[tilespmem:$0x12300] =	vst v63  }
0x2c1: {  	s20 =	simm.s32 $0x1300  }
0x2c2: {  	[tilespmem:s20], [sflag:$0x1] =	stream.indirect_vreg.gather [hbm4b:s7+s3], $0x80, v5, vm0, $0xb8;
	[tilespmem:$0x12300] =	vst v63  }
0x2c3: {  	s0 =	simm.s32 $0x1B00  }
0x2c4: {  	[tilespmem:s0], [sflag:$0x1] =	stream.indirect_vreg.gather [hbm4b:s1+s3], $0x80, v4, vm0, $0xb8;
	[tilespmem:$0x12300] =	vst v63  }
0x2c5: {  	s16 =	simm.s32 $0x2300  }
0x2c6: {  	[tilespmem:s16], [sflag:$0x1] =	stream.indirect_vreg.gather [hbm4b:s5+s3], $0x80, v4, vm0, $0xb8;
	[tilespmem:$0x12300] =	vst v63  }
0x2c7: {  	s14 =	simm.s32 $0x2B00  }
0x2c8: {  	[tilespmem:s14], [sflag:$0x1] =	stream.indirect_vreg.gather [hbm4b:s7+s3], $0x80, v4, vm0, $0xb8;
	[tilespmem:$0x12300] =	vst v63  }
0x2c9: {  	v4 =	vld [tilespmem:$0x210];
	_ =	sdelay $0x4  }
0x2ca: {  	v5 =	vshrl.u32 v4, $0x3  }
0x2cb: {  	v5 =	vmul.u32 $0x30, v5  }
0x2cc: {  	v4 =	vand.u32 $0x7, v4  }
0x2cd: {  	v4 =	vor.u32 v4, v5  }
0x2ce: {  	v5 =	vperm.xlane v4, v1;
	_ =	sdelay $0x1  }
0x2cf: {  	v5 =	vadd.s32 v2, v5;
	_ =	sdelay $0x3  }
0x2d0: {  	s26 =	simm.s32 $0x3300;
	v4 =	vperm.xlane v4, v3  }
0x2d1: {  	[tilespmem:s26], [sflag:$0x1] =	stream.indirect_vreg.gather [hbm4b:s1+s3], $0x80, v5, vm0, $0xb8;
	[tilespmem:$0x12300] =	vst v63  }
0x2d2: {  	s9 =	simm.s32 $0x3B00;
	v4 =	vadd.s32 v2, v4  }
0x2d3: {  	[tilespmem:s9], [sflag:$0x1] =	stream.indirect_vreg.gather [hbm4b:s5+s3], $0x80, v5, vm0, $0xb8;
	[tilespmem:$0x12300] =	vst v63  }
0x2d4: {  	s10 =	simm.s32 $0x4300  }
0x2d5: {  	[tilespmem:s10], [sflag:$0x1] =	stream.indirect_vreg.gather [hbm4b:s7+s3], $0x80, v5, vm0, $0xb8;
	[tilespmem:$0x12300] =	vst v63  }
0x2d6: {  	s11 =	simm.s32 $0x4B00  }
0x2d7: {  	[tilespmem:s11], [sflag:$0x1] =	stream.indirect_vreg.gather [hbm4b:s1+s3], $0x80, v4, vm0, $0xb8;
	[tilespmem:$0x12300] =	vst v63  }
0x2d8: {  	s12 =	simm.s32 $0x5300  }
0x2d9: {  	[tilespmem:s12], [sflag:$0x1] =	stream.indirect_vreg.gather [hbm4b:s5+s3], $0x80, v4, vm0, $0xb8;
	[tilespmem:$0x12300] =	vst v63  }
0x2da: {  	s31 =	simm.s32 $0x5B00  }
0x2db: {  	[tilespmem:s31], [sflag:$0x1] =	stream.indirect_vreg.gather [hbm4b:s7+s3], $0x80, v4, vm0, $0xb8;
	[tilespmem:$0x12300] =	vst v63  }
0x2dc: {  	v4 =	vld [tilespmem:$0x220];
	_ =	sdelay $0x4  }
0x2dd: {  	v5 =	vshrl.u32 v4, $0x3  }
0x2de: {  	v5 =	vmul.u32 $0x30, v5  }
0x2df: {  	v4 =	vand.u32 $0x7, v4  }
0x2e0: {  	v4 =	vor.u32 v4, v5  }
0x2e1: {  	v5 =	vperm.xlane v4, v1;
	_ =	sdelay $0x1  }
0x2e2: {  	v5 =	vadd.s32 v2, v5;
	_ =	sdelay $0x3  }
0x2e3: {  	s24 =	simm.s32 $0x6300;
	v4 =	vperm.xlane v4, v3  }
0x2e4: {  	[tilespmem:s24], [sflag:$0x1] =	stream.indirect_vreg.gather [hbm4b:s1+s3], $0x80, v5, vm0, $0xb8;
	[tilespmem:$0x12300] =	vst v63  }
0x2e5: {  	s28 =	simm.s32 $0x6B00;
	v4 =	vadd.s32 v2, v4  }
0x2e6: {  	[tilespmem:s28], [sflag:$0x1] =	stream.indirect_vreg.gather [hbm4b:s5+s3], $0x80, v5, vm0, $0xb8;
	[tilespmem:$0x12300] =	vst v63  }
0x2e7: {  	s15 =	simm.s32 $0x7300  }
0x2e8: {  	[tilespmem:s15], [sflag:$0x1] =	stream.indirect_vreg.gather [hbm4b:s7+s3], $0x80, v5, vm0, $0xb8;
	[tilespmem:$0x12300] =	vst v63  }
0x2e9: {  	s30 =	simm.s32 $0x7B00  }
0x2ea: {  	[tilespmem:s30], [sflag:$0x1] =	stream.indirect_vreg.gather [hbm4b:s1+s3], $0x80, v4, vm0, $0xb8;
	[tilespmem:$0x12300] =	vst v63  }
0x2eb: {  	s21 =	simm.s32 $0x8300  }
0x2ec: {  	[tilespmem:s21], [sflag:$0x1] =	stream.indirect_vreg.gather [hbm4b:s5+s3], $0x80, v4, vm0, $0xb8;
	[tilespmem:$0x12300] =	vst v63  }
0x2ed: {  	s22 =	simm.s32 $0x8B00  }
0x2ee: {  	[tilespmem:s22], [sflag:$0x1] =	stream.indirect_vreg.gather [hbm4b:s7+s3], $0x80, v4, vm0, $0xb8;
	[tilespmem:$0x12300] =	vst v63  }
0x2ef: {  	v4 =	vld [tilespmem:$0x230];
	_ =	sdelay $0x4  }
0x2f0: {  	v5 =	vshrl.u32 v4, $0x3  }
0x2f1: {  	v5 =	vmul.u32 $0x30, v5  }
0x2f2: {  	v4 =	vand.u32 $0x7, v4  }
0x2f3: {  	v4 =	vor.u32 v4, v5  }
0x2f4: {  	v5 =	vperm.xlane v4, v1;
	_ =	sdelay $0x1  }
0x2f5: {  	v5 =	vadd.s32 v2, v5;
	_ =	sdelay $0x3  }
0x2f6: {  	s18 =	simm.s32 $0x9300;
	v4 =	vperm.xlane v4, v3  }
0x2f7: {  	[tilespmem:s18], [sflag:$0x1] =	stream.indirect_vreg.gather [hbm4b:s1+s3], $0x80, v5, vm0, $0xb8;
	[tilespmem:$0x12300] =	vst v63  }
0x2f8: {  	s17 =	simm.s32 $0x9B00;
	v4 =	vadd.s32 v2, v4  }
0x2f9: {  	[tilespmem:s17], [sflag:$0x1] =	stream.indirect_vreg.gather [hbm4b:s5+s3], $0x80, v5, vm0, $0xb8;
	[tilespmem:$0x12300] =	vst v63  }
0x2fa: {  	s19 =	simm.s32 $0xA300  }
0x2fb: {  	[tilespmem:s19], [sflag:$0x1] =	stream.indirect_vreg.gather [hbm4b:s7+s3], $0x80, v5, vm0, $0xb8;
	[tilespmem:$0x12300] =	vst v63  }
0x2fc: {  	s23 =	simm.s32 $0xAB00  }
0x2fd: {  	[tilespmem:s23], [sflag:$0x1] =	stream.indirect_vreg.gather [hbm4b:s1+s3], $0x80, v4, vm0, $0xb8;
	[tilespmem:$0x12300] =	vst v63  }
0x2fe: {  	s2 =	simm.s32 $0xB300  }
0x2ff: {  	[tilespmem:s2], [sflag:$0x1] =	stream.indirect_vreg.gather [hbm4b:s5+s3], $0x80, v4, vm0, $0xb8;
	[tilespmem:$0x12300] =	vst v63  }
0x300: {  	s8 =	simm.s32 $0xBB00  }
0x301: {  	[tilespmem:s8], [sflag:$0x1] =	stream.indirect_vreg.gather [hbm4b:s7+s3], $0x80, v4, vm0, $0xb8;
	[tilespmem:$0x12300] =	vst v63  }
0x302: {  	_ =	swait.ge [sflag:s25], $0xC000  }
0x303: {  	[sflag:s25] =	ssyncset.done $0x0  }
0x304: {  	s30 =	rddreg [dreg:$0xd];
	[sflag:s25] =	ssyncadd.s32 $0xFFFF4000  }
0x305: {  	[hbm4b:s30+s3] =	stream.linear.scatter [tilespmem:s13], [sflag:$0x2], $0xC000, $0x38;
	[tilespmem:$0x12300] =	vst v63  }
0x306: {  	_ =	swait.ge [sflag:s29], $0xC000  }
0x307: {  	[sflag:s29] =	ssyncset.done $0x0  }
0x308: {  	[sflag:s29] =	ssyncadd.s32 $0xFFFF4000  }
0x309: {  	v4 =	vld [tilespmem:$0x240];
	_ =	sdelay $0x4  }
0x30a: {  	v5 =	vshrl.u32 v4, $0x3  }
0x30b: {  	v5 =	vmul.u32 $0x30, v5  }
0x30c: {  	v4 =	vand.u32 $0x7, v4  }
0x30d: {  	v4 =	vor.u32 v4, v5  }
0x30e: {  	v5 =	vperm.xlane v4, v1;
	_ =	sdelay $0x1  }
0x30f: {  	v5 =	vadd.s32 v2, v5;
	_ =	sdelay $0x3  }
0x310: {  	v4 =	vperm.xlane v4, v3  }
0x311: {  	[tilespmem:s13], [sflag:$0x1] =	stream.indirect_vreg.gather [hbm4b:s1+s3], $0x80, v5, vm0, $0xb8;
	[tilespmem:$0x12300] =	vst v63  }
0x312: {  	s23 =	simm.s32 $0xB00;
	v4 =	vadd.s32 v2, v4  }
0x313: {  	[tilespmem:s23], [sflag:$0x1] =	stream.indirect_vreg.gather [hbm4b:s5+s3], $0x80, v5, vm0, $0xb8;
	[tilespmem:$0x12300] =	vst v63  }
0x314: {  	s20 =	simm.s32 $0x1300  }
0x315: {  	[tilespmem:s20], [sflag:$0x1] =	stream.indirect_vreg.gather [hbm4b:s7+s3], $0x80, v5, vm0, $0xb8;
	[tilespmem:$0x12300] =	vst v63  }
0x316: {  	s30 =	simm.s32 $0x1B00  }
0x317: {  	[tilespmem:s30], [sflag:$0x1] =	stream.indirect_vreg.gather [hbm4b:s1+s3], $0x80, v4, vm0, $0xb8;
	[tilespmem:$0x12300] =	vst v63  }
0x318: {  	s20 =	simm.s32 $0x2300  }
0x319: {  	[tilespmem:s20], [sflag:$0x1] =	stream.indirect_vreg.gather [hbm4b:s5+s3], $0x80, v4, vm0, $0xb8;
	[tilespmem:$0x12300] =	vst v63  }
0x31a: {  	s14 =	simm.s32 $0x2B00  }
0x31b: {  	[tilespmem:s14], [sflag:$0x1] =	stream.indirect_vreg.gather [hbm4b:s7+s3], $0x80, v4, vm0, $0xb8;
	[tilespmem:$0x12300] =	vst v63  }
0x31c: {  	v4 =	vld [tilespmem:$0x250];
	_ =	sdelay $0x4  }
0x31d: {  	v5 =	vshrl.u32 v4, $0x3  }
0x31e: {  	v5 =	vmul.u32 $0x30, v5  }
0x31f: {  	v4 =	vand.u32 $0x7, v4  }
0x320: {  	v4 =	vor.u32 v4, v5  }
0x321: {  	v5 =	vperm.xlane v4, v1;
	_ =	sdelay $0x1  }
0x322: {  	v5 =	vadd.s32 v2, v5;
	_ =	sdelay $0x3  }
0x323: {  	s0 =	simm.s32 $0x3300;
	v4 =	vperm.xlane v4, v3  }
0x324: {  	[tilespmem:s0], [sflag:$0x1] =	stream.indirect_vreg.gather [hbm4b:s1+s3], $0x80, v5, vm0, $0xb8;
	[tilespmem:$0x12300] =	vst v63  }
0x325: {  	s9 =	simm.s32 $0x3B00;
	v4 =	vadd.s32 v2, v4  }
0x326: {  	[tilespmem:s9], [sflag:$0x1] =	stream.indirect_vreg.gather [hbm4b:s5+s3], $0x80, v5, vm0, $0xb8;
	[tilespmem:$0x12300] =	vst v63  }
0x327: {  	s10 =	simm.s32 $0x4300  }
0x328: {  	[tilespmem:s10], [sflag:$0x1] =	stream.indirect_vreg.gather [hbm4b:s7+s3], $0x80, v5, vm0, $0xb8;
	[tilespmem:$0x12300] =	vst v63  }
0x329: {  	s11 =	simm.s32 $0x4B00  }
0x32a: {  	[tilespmem:s11], [sflag:$0x1] =	stream.indirect_vreg.gather [hbm4b:s1+s3], $0x80, v4, vm0, $0xb8;
	[tilespmem:$0x12300] =	vst v63  }
0x32b: {  	s12 =	simm.s32 $0x5300  }
0x32c: {  	[tilespmem:s12], [sflag:$0x1] =	stream.indirect_vreg.gather [hbm4b:s5+s3], $0x80, v4, vm0, $0xb8;
	[tilespmem:$0x12300] =	vst v63  }
0x32d: {  	s26 =	simm.s32 $0x5B00  }
0x32e: {  	[tilespmem:s26], [sflag:$0x1] =	stream.indirect_vreg.gather [hbm4b:s7+s3], $0x80, v4, vm0, $0xb8;
	[tilespmem:$0x12300] =	vst v63  }
0x32f: {  	v4 =	vld [tilespmem:$0x260];
	_ =	sdelay $0x4  }
0x330: {  	v5 =	vshrl.u32 v4, $0x3  }
0x331: {  	v5 =	vmul.u32 $0x30, v5  }
0x332: {  	v4 =	vand.u32 $0x7, v4  }
0x333: {  	v4 =	vor.u32 v4, v5  }
0x334: {  	v5 =	vperm.xlane v4, v1;
	_ =	sdelay $0x1  }
0x335: {  	v5 =	vadd.s32 v2, v5;
	_ =	sdelay $0x3  }
0x336: {  	s16 =	simm.s32 $0x6300;
	v4 =	vperm.xlane v4, v3  }
0x337: {  	[tilespmem:s16], [sflag:$0x1] =	stream.indirect_vreg.gather [hbm4b:s1+s3], $0x80, v5, vm0, $0xb8;
	[tilespmem:$0x12300] =	vst v63  }
0x338: {  	s28 =	simm.s32 $0x6B00;
	v4 =	vadd.s32 v2, v4  }
0x339: {  	[tilespmem:s28], [sflag:$0x1] =	stream.indirect_vreg.gather [hbm4b:s5+s3], $0x80, v5, vm0, $0xb8;
	[tilespmem:$0x12300] =	vst v63  }
0x33a: {  	s31 =	simm.s32 $0x7300  }
0x33b: {  	[tilespmem:s31], [sflag:$0x1] =	stream.indirect_vreg.gather [hbm4b:s7+s3], $0x80, v5, vm0, $0xb8;
	[tilespmem:$0x12300] =	vst v63  }
0x33c: {  	s15 =	simm.s32 $0x7B00  }
0x33d: {  	[tilespmem:s15], [sflag:$0x1] =	stream.indirect_vreg.gather [hbm4b:s1+s3], $0x80, v4, vm0, $0xb8;
	[tilespmem:$0x12300] =	vst v63  }
0x33e: {  	s24 =	simm.s32 $0x8300  }
0x33f: {  	[tilespmem:s24], [sflag:$0x1] =	stream.indirect_vreg.gather [hbm4b:s5+s3], $0x80, v4, vm0, $0xb8;
	[tilespmem:$0x12300] =	vst v63  }
0x340: {  	s22 =	simm.s32 $0x8B00  }
0x341: {  	[tilespmem:s22], [sflag:$0x1] =	stream.indirect_vreg.gather [hbm4b:s7+s3], $0x80, v4, vm0, $0xb8;
	[tilespmem:$0x12300] =	vst v63  }
0x342: {  	v4 =	vld [tilespmem:$0x270];
	_ =	sdelay $0x4  }
0x343: {  	v5 =	vshrl.u32 v4, $0x3  }
0x344: {  	v5 =	vmul.u32 $0x30, v5  }
0x345: {  	v4 =	vand.u32 $0x7, v4  }
0x346: {  	v4 =	vor.u32 v4, v5  }
0x347: {  	v5 =	vperm.xlane v4, v1;
	_ =	sdelay $0x1  }
0x348: {  	v5 =	vadd.s32 v2, v5;
	_ =	sdelay $0x3  }
0x349: {  	s18 =	simm.s32 $0x9300;
	v4 =	vperm.xlane v4, v3  }
0x34a: {  	[tilespmem:s18], [sflag:$0x1] =	stream.indirect_vreg.gather [hbm4b:s1+s3], $0x80, v5, vm0, $0xb8;
	[tilespmem:$0x12300] =	vst v63  }
0x34b: {  	s17 =	simm.s32 $0x9B00;
	v4 =	vadd.s32 v2, v4  }
0x34c: {  	[tilespmem:s17], [sflag:$0x1] =	stream.indirect_vreg.gather [hbm4b:s5+s3], $0x80, v5, vm0, $0xb8;
	[tilespmem:$0x12300] =	vst v63  }
0x34d: {  	s19 =	simm.s32 $0xA300  }
0x34e: {  	[tilespmem:s19], [sflag:$0x1] =	stream.indirect_vreg.gather [hbm4b:s7+s3], $0x80, v5, vm0, $0xb8;
	[tilespmem:$0x12300] =	vst v63  }
0x34f: {  	s21 =	simm.s32 $0xAB00  }
0x350: {  	[tilespmem:s21], [sflag:$0x1] =	stream.indirect_vreg.gather [hbm4b:s1+s3], $0x80, v4, vm0, $0xb8;
	[tilespmem:$0x12300] =	vst v63  }
0x351: {  	s2 =	simm.s32 $0xB300  }
0x352: {  	[tilespmem:s2], [sflag:$0x1] =	stream.indirect_vreg.gather [hbm4b:s5+s3], $0x80, v4, vm0, $0xb8;
	[tilespmem:$0x12300] =	vst v63  }
0x353: {  	s8 =	simm.s32 $0xBB00  }
0x354: {  	[tilespmem:s8], [sflag:$0x1] =	stream.indirect_vreg.gather [hbm4b:s7+s3], $0x80, v4, vm0, $0xb8;
	[tilespmem:$0x12300] =	vst v63  }
0x355: {  	_ =	swait.ge [sflag:s25], $0xC000  }
0x356: {  	[sflag:s25] =	ssyncset.done $0x0  }
0x357: {  	s22 =	rddreg [dreg:$0xe];
	[sflag:s25] =	ssyncadd.s32 $0xFFFF4000  }
0x358: {  	[hbm4b:s22+s3] =	stream.linear.scatter [tilespmem:s13], [sflag:$0x2], $0xC000, $0x38;
	[tilespmem:$0x12300] =	vst v63  }
0x359: {  	_ =	swait.ge [sflag:s29], $0xC000  }
0x35a: {  	[sflag:s29] =	ssyncset.done $0x0  }
0x35b: {  	[sflag:s29] =	ssyncadd.s32 $0xFFFF4000  }
0x35c: {  	v4 =	vld [tilespmem:$0x280];
	_ =	sdelay $0x4  }
0x35d: {  	v5 =	vshrl.u32 v4, $0x3  }
0x35e: {  	v5 =	vmul.u32 $0x30, v5  }
0x35f: {  	v4 =	vand.u32 $0x7, v4  }
0x360: {  	v4 =	vor.u32 v4, v5  }
0x361: {  	v5 =	vperm.xlane v4, v1;
	_ =	sdelay $0x1  }
0x362: {  	v5 =	vadd.s32 v2, v5;
	_ =	sdelay $0x3  }
0x363: {  	v4 =	vperm.xlane v4, v3  }
0x364: {  	[tilespmem:s13], [sflag:$0x1] =	stream.indirect_vreg.gather [hbm4b:s1+s3], $0x80, v5, vm0, $0xb8;
	[tilespmem:$0x12300] =	vst v63  }
0x365: {  	s23 =	simm.s32 $0xB00;
	v4 =	vadd.s32 v2, v4  }
0x366: {  	[tilespmem:s23], [sflag:$0x1] =	stream.indirect_vreg.gather [hbm4b:s5+s3], $0x80, v5, vm0, $0xb8;
	[tilespmem:$0x12300] =	vst v63  }
0x367: {  	s23 =	simm.s32 $0x1300  }
0x368: {  	[tilespmem:s23], [sflag:$0x1] =	stream.indirect_vreg.gather [hbm4b:s7+s3], $0x80, v5, vm0, $0xb8;
	[tilespmem:$0x12300] =	vst v63  }
0x369: {  	s30 =	simm.s32 $0x1B00  }
0x36a: {  	[tilespmem:s30], [sflag:$0x1] =	stream.indirect_vreg.gather [hbm4b:s1+s3], $0x80, v4, vm0, $0xb8;
	[tilespmem:$0x12300] =	vst v63  }
0x36b: {  	s30 =	simm.s32 $0x2300  }
0x36c: {  	[tilespmem:s30], [sflag:$0x1] =	stream.indirect_vreg.gather [hbm4b:s5+s3], $0x80, v4, vm0, $0xb8;
	[tilespmem:$0x12300] =	vst v63  }
0x36d: {  	s20 =	simm.s32 $0x2B00  }
0x36e: {  	[tilespmem:s20], [sflag:$0x1] =	stream.indirect_vreg.gather [hbm4b:s7+s3], $0x80, v4, vm0, $0xb8;
	[tilespmem:$0x12300] =	vst v63  }
0x36f: {  	v4 =	vld [tilespmem:$0x290];
	_ =	sdelay $0x4  }
0x370: {  	v5 =	vshrl.u32 v4, $0x3  }
0x371: {  	v5 =	vmul.u32 $0x30, v5  }
0x372: {  	v4 =	vand.u32 $0x7, v4  }
0x373: {  	v4 =	vor.u32 v4, v5  }
0x374: {  	v5 =	vperm.xlane v4, v1;
	_ =	sdelay $0x1  }
0x375: {  	v5 =	vadd.s32 v2, v5;
	_ =	sdelay $0x3  }
0x376: {  	s0 =	simm.s32 $0x3300;
	v4 =	vperm.xlane v4, v3  }
0x377: {  	[tilespmem:s0], [sflag:$0x1] =	stream.indirect_vreg.gather [hbm4b:s1+s3], $0x80, v5, vm0, $0xb8;
	[tilespmem:$0x12300] =	vst v63  }
0x378: {  	s9 =	simm.s32 $0x3B00;
	v4 =	vadd.s32 v2, v4  }
0x379: {  	[tilespmem:s9], [sflag:$0x1] =	stream.indirect_vreg.gather [hbm4b:s5+s3], $0x80, v5, vm0, $0xb8;
	[tilespmem:$0x12300] =	vst v63  }
0x37a: {  	s10 =	simm.s32 $0x4300  }
0x37b: {  	[tilespmem:s10], [sflag:$0x1] =	stream.indirect_vreg.gather [hbm4b:s7+s3], $0x80, v5, vm0, $0xb8;
	[tilespmem:$0x12300] =	vst v63  }
0x37c: {  	s11 =	simm.s32 $0x4B00  }
0x37d: {  	[tilespmem:s11], [sflag:$0x1] =	stream.indirect_vreg.gather [hbm4b:s1+s3], $0x80, v4, vm0, $0xb8;
	[tilespmem:$0x12300] =	vst v63  }
0x37e: {  	s12 =	simm.s32 $0x5300  }
0x37f: {  	[tilespmem:s12], [sflag:$0x1] =	stream.indirect_vreg.gather [hbm4b:s5+s3], $0x80, v4, vm0, $0xb8;
	[tilespmem:$0x12300] =	vst v63  }
0x380: {  	s26 =	simm.s32 $0x5B00  }
0x381: {  	[tilespmem:s26], [sflag:$0x1] =	stream.indirect_vreg.gather [hbm4b:s7+s3], $0x80, v4, vm0, $0xb8;
	[tilespmem:$0x12300] =	vst v63  }
0x382: {  	v4 =	vld [tilespmem:$0x2A0];
	_ =	sdelay $0x4  }
0x383: {  	v5 =	vshrl.u32 v4, $0x3  }
0x384: {  	v5 =	vmul.u32 $0x30, v5  }
0x385: {  	v4 =	vand.u32 $0x7, v4  }
0x386: {  	v4 =	vor.u32 v4, v5  }
0x387: {  	v5 =	vperm.xlane v4, v1;
	_ =	sdelay $0x1  }
0x388: {  	v5 =	vadd.s32 v2, v5;
	_ =	sdelay $0x3  }
0x389: {  	s14 =	simm.s32 $0x6300;
	v4 =	vperm.xlane v4, v3  }
0x38a: {  	[tilespmem:s14], [sflag:$0x1] =	stream.indirect_vreg.gather [hbm4b:s1+s3], $0x80, v5, vm0, $0xb8;
	[tilespmem:$0x12300] =	vst v63  }
0x38b: {  	s28 =	simm.s32 $0x6B00;
	v4 =	vadd.s32 v2, v4  }
0x38c: {  	[tilespmem:s28], [sflag:$0x1] =	stream.indirect_vreg.gather [hbm4b:s5+s3], $0x80, v5, vm0, $0xb8;
	[tilespmem:$0x12300] =	vst v63  }
0x38d: {  	s31 =	simm.s32 $0x7300  }
0x38e: {  	[tilespmem:s31], [sflag:$0x1] =	stream.indirect_vreg.gather [hbm4b:s7+s3], $0x80, v5, vm0, $0xb8;
	[tilespmem:$0x12300] =	vst v63  }
0x38f: {  	s15 =	simm.s32 $0x7B00  }
0x390: {  	[tilespmem:s15], [sflag:$0x1] =	stream.indirect_vreg.gather [hbm4b:s1+s3], $0x80, v4, vm0, $0xb8;
	[tilespmem:$0x12300] =	vst v63  }
0x391: {  	s31 =	simm.s32 $0x8300  }
0x392: {  	[tilespmem:s31], [sflag:$0x1] =	stream.indirect_vreg.gather [hbm4b:s5+s3], $0x80, v4, vm0, $0xb8;
	[tilespmem:$0x12300] =	vst v63  }
0x393: {  	s15 =	simm.s32 $0x8B00  }
0x394: {  	[tilespmem:s15], [sflag:$0x1] =	stream.indirect_vreg.gather [hbm4b:s7+s3], $0x80, v4, vm0, $0xb8;
	[tilespmem:$0x12300] =	vst v63  }
0x395: {  	v4 =	vld [tilespmem:$0x2B0];
	_ =	sdelay $0x4  }
0x396: {  	v5 =	vshrl.u32 v4, $0x3  }
0x397: {  	v5 =	vmul.u32 $0x30, v5  }
0x398: {  	v4 =	vand.u32 $0x7, v4  }
0x399: {  	v4 =	vor.u32 v4, v5  }
0x39a: {  	v5 =	vperm.xlane v4, v1;
	_ =	sdelay $0x1  }
0x39b: {  	v5 =	vadd.s32 v2, v5;
	_ =	sdelay $0x3  }
0x39c: {  	s16 =	simm.s32 $0x9300;
	v4 =	vperm.xlane v4, v3  }
0x39d: {  	[tilespmem:s16], [sflag:$0x1] =	stream.indirect_vreg.gather [hbm4b:s1+s3], $0x80, v5, vm0, $0xb8;
	[tilespmem:$0x12300] =	vst v63  }
0x39e: {  	s17 =	simm.s32 $0x9B00;
	v4 =	vadd.s32 v2, v4  }
0x39f: {  	[tilespmem:s17], [sflag:$0x1] =	stream.indirect_vreg.gather [hbm4b:s5+s3], $0x80, v5, vm0, $0xb8;
	[tilespmem:$0x12300] =	vst v63  }
0x3a0: {  	s18 =	simm.s32 $0xA300  }
0x3a1: {  	[tilespmem:s18], [sflag:$0x1] =	stream.indirect_vreg.gather [hbm4b:s7+s3], $0x80, v5, vm0, $0xb8;
	[tilespmem:$0x12300] =	vst v63  }
0x3a2: {  	s19 =	simm.s32 $0xAB00  }
0x3a3: {  	[tilespmem:s19], [sflag:$0x1] =	stream.indirect_vreg.gather [hbm4b:s1+s3], $0x80, v4, vm0, $0xb8;
	[tilespmem:$0x12300] =	vst v63  }
0x3a4: {  	s24 =	simm.s32 $0xB300  }
0x3a5: {  	[tilespmem:s24], [sflag:$0x1] =	stream.indirect_vreg.gather [hbm4b:s5+s3], $0x80, v4, vm0, $0xb8;
	[tilespmem:$0x12300] =	vst v63  }
0x3a6: {  	s24 =	simm.s32 $0xBB00  }
0x3a7: {  	[tilespmem:s24], [sflag:$0x1] =	stream.indirect_vreg.gather [hbm4b:s7+s3], $0x80, v4, vm0, $0xb8;
	[tilespmem:$0x12300] =	vst v63  }
0x3a8: {  	_ =	swait.ge [sflag:s25], $0xC000  }
0x3a9: {  	[sflag:s25] =	ssyncset.done $0x0  }
0x3aa: {  	s4 =	rddreg [dreg:$0xf];
	[sflag:s25] =	ssyncadd.s32 $0xFFFF4000  }
0x3ab: {  	[hbm4b:s4+s3] =	stream.linear.scatter [tilespmem:s13], [sflag:$0x2], $0xC000, $0x38;
	[tilespmem:$0x12300] =	vst v63  }
0x3ac: {  	_ =	swait.ge [sflag:s29], $0xC000  }
0x3ad: {  	[sflag:s29] =	ssyncset.done $0x0  }
0x3ae: {  	[sflag:s29] =	ssyncadd.s32 $0xFFFF4000  }
0x3af: {  	v4 =	vld [tilespmem:$0x2C0];
	_ =	sdelay $0x4  }
0x3b0: {  	v5 =	vshrl.u32 v4, $0x3  }
0x3b1: {  	v5 =	vmul.u32 $0x30, v5  }
0x3b2: {  	v4 =	vand.u32 $0x7, v4  }
0x3b3: {  	v4 =	vor.u32 v4, v5  }
0x3b4: {  	v5 =	vperm.xlane v4, v1;
	_ =	sdelay $0x1  }
0x3b5: {  	v5 =	vadd.s32 v2, v5;
	_ =	sdelay $0x3  }
0x3b6: {  	v4 =	vperm.xlane v4, v3  }
0x3b7: {  	[tilespmem:s13], [sflag:$0x1] =	stream.indirect_vreg.gather [hbm4b:s1+s3], $0x80, v5, vm0, $0xb8;
	[tilespmem:$0x12300] =	vst v63  }
0x3b8: {  	s21 =	simm.s32 $0xB00;
	v4 =	vadd.s32 v2, v4  }
0x3b9: {  	[tilespmem:s21], [sflag:$0x1] =	stream.indirect_vreg.gather [hbm4b:s5+s3], $0x80, v5, vm0, $0xb8;
	[tilespmem:$0x12300] =	vst v63  }
0x3ba: {  	s2 =	simm.s32 $0x1300  }
0x3bb: {  	[tilespmem:s2], [sflag:$0x1] =	stream.indirect_vreg.gather [hbm4b:s7+s3], $0x80, v5, vm0, $0xb8;
	[tilespmem:$0x12300] =	vst v63  }
0x3bc: {  	s23 =	simm.s32 $0x1B00  }
0x3bd: {  	[tilespmem:s23], [sflag:$0x1] =	stream.indirect_vreg.gather [hbm4b:s1+s3], $0x80, v4, vm0, $0xb8;
	[tilespmem:$0x12300] =	vst v63  }
0x3be: {  	s23 =	simm.s32 $0x2300  }
0x3bf: {  	[tilespmem:s23], [sflag:$0x1] =	stream.indirect_vreg.gather [hbm4b:s5+s3], $0x80, v4, vm0, $0xb8;
	[tilespmem:$0x12300] =	vst v63  }
0x3c0: {  	s22 =	simm.s32 $0x2B00  }
0x3c1: {  	[tilespmem:s22], [sflag:$0x1] =	stream.indirect_vreg.gather [hbm4b:s7+s3], $0x80, v4, vm0, $0xb8;
	[tilespmem:$0x12300] =	vst v63  }
0x3c2: {  	v4 =	vld [tilespmem:$0x2D0];
	_ =	sdelay $0x4  }
0x3c3: {  	v5 =	vshrl.u32 v4, $0x3  }
0x3c4: {  	v5 =	vmul.u32 $0x30, v5  }
0x3c5: {  	v4 =	vand.u32 $0x7, v4  }
0x3c6: {  	v4 =	vor.u32 v4, v5  }
0x3c7: {  	v5 =	vperm.xlane v4, v1;
	_ =	sdelay $0x1  }
0x3c8: {  	v5 =	vadd.s32 v2, v5;
	_ =	sdelay $0x3  }
0x3c9: {  	s8 =	simm.s32 $0x3300;
	v4 =	vperm.xlane v4, v3  }
0x3ca: {  	[tilespmem:s8], [sflag:$0x1] =	stream.indirect_vreg.gather [hbm4b:s1+s3], $0x80, v5, vm0, $0xb8;
	[tilespmem:$0x12300] =	vst v63  }
0x3cb: {  	s0 =	simm.s32 $0x3B00;
	v4 =	vadd.s32 v2, v4  }
0x3cc: {  	[tilespmem:s0], [sflag:$0x1] =	stream.indirect_vreg.gather [hbm4b:s5+s3], $0x80, v5, vm0, $0xb8;
	[tilespmem:$0x12300] =	vst v63  }
0x3cd: {  	s9 =	simm.s32 $0x4300  }
0x3ce: {  	[tilespmem:s9], [sflag:$0x1] =	stream.indirect_vreg.gather [hbm4b:s7+s3], $0x80, v5, vm0, $0xb8;
	[tilespmem:$0x12300] =	vst v63  }
0x3cf: {  	s10 =	simm.s32 $0x4B00  }
0x3d0: {  	[tilespmem:s10], [sflag:$0x1] =	stream.indirect_vreg.gather [hbm4b:s1+s3], $0x80, v4, vm0, $0xb8;
	[tilespmem:$0x12300] =	vst v63  }
0x3d1: {  	s11 =	simm.s32 $0x5300  }
0x3d2: {  	[tilespmem:s11], [sflag:$0x1] =	stream.indirect_vreg.gather [hbm4b:s5+s3], $0x80, v4, vm0, $0xb8;
	[tilespmem:$0x12300] =	vst v63  }
0x3d3: {  	s20 =	simm.s32 $0x5B00  }
0x3d4: {  	[tilespmem:s20], [sflag:$0x1] =	stream.indirect_vreg.gather [hbm4b:s7+s3], $0x80, v4, vm0, $0xb8;
	[tilespmem:$0x12300] =	vst v63  }
0x3d5: {  	v4 =	vld [tilespmem:$0x2E0];
	_ =	sdelay $0x4  }
0x3d6: {  	v5 =	vshrl.u32 v4, $0x3  }
0x3d7: {  	v5 =	vmul.u32 $0x30, v5  }
0x3d8: {  	v4 =	vand.u32 $0x7, v4  }
0x3d9: {  	v4 =	vor.u32 v4, v5  }
0x3da: {  	v5 =	vperm.xlane v4, v1;
	_ =	sdelay $0x1  }
0x3db: {  	v5 =	vadd.s32 v2, v5;
	_ =	sdelay $0x3  }
0x3dc: {  	s12 =	simm.s32 $0x6300;
	v4 =	vperm.xlane v4, v3  }
0x3dd: {  	[tilespmem:s12], [sflag:$0x1] =	stream.indirect_vreg.gather [hbm4b:s1+s3], $0x80, v5, vm0, $0xb8;
	[tilespmem:$0x12300] =	vst v63  }
0x3de: {  	s26 =	simm.s32 $0x6B00;
	v4 =	vadd.s32 v2, v4  }
0x3df: {  	[tilespmem:s26], [sflag:$0x1] =	stream.indirect_vreg.gather [hbm4b:s5+s3], $0x80, v5, vm0, $0xb8;
	[tilespmem:$0x12300] =	vst v63  }
0x3e0: {  	s28 =	simm.s32 $0x7300  }
0x3e1: {  	[tilespmem:s28], [sflag:$0x1] =	stream.indirect_vreg.gather [hbm4b:s7+s3], $0x80, v5, vm0, $0xb8;
	[tilespmem:$0x12300] =	vst v63  }
0x3e2: {  	s14 =	simm.s32 $0x7B00  }
0x3e3: {  	[tilespmem:s14], [sflag:$0x1] =	stream.indirect_vreg.gather [hbm4b:s1+s3], $0x80, v4, vm0, $0xb8;
	[tilespmem:$0x12300] =	vst v63  }
0x3e4: {  	s30 =	simm.s32 $0x8300  }
0x3e5: {  	[tilespmem:s30], [sflag:$0x1] =	stream.indirect_vreg.gather [hbm4b:s5+s3], $0x80, v4, vm0, $0xb8;
	[tilespmem:$0x12300] =	vst v63  }
0x3e6: {  	s31 =	simm.s32 $0x8B00  }
0x3e7: {  	[tilespmem:s31], [sflag:$0x1] =	stream.indirect_vreg.gather [hbm4b:s7+s3], $0x80, v4, vm0, $0xb8;
	[tilespmem:$0x12300] =	vst v63  }
0x3e8: {  	v4 =	vld [tilespmem:$0x2F0];
	_ =	sdelay $0x4  }
0x3e9: {  	v5 =	vshrl.u32 v4, $0x3  }
0x3ea: {  	v5 =	vmul.u32 $0x30, v5  }
0x3eb: {  	v4 =	vand.u32 $0x7, v4  }
0x3ec: {  	v4 =	vor.u32 v4, v5  }
0x3ed: {  	v5 =	vperm.xlane v4, v1;
	_ =	sdelay $0x1  }
0x3ee: {  	v5 =	vadd.s32 v2, v5;
	_ =	sdelay $0x3  }
0x3ef: {  	s15 =	simm.s32 $0x9300;
	v4 =	vperm.xlane v4, v3  }
0x3f0: {  	[tilespmem:s15], [sflag:$0x1] =	stream.indirect_vreg.gather [hbm4b:s1+s3], $0x80, v5, vm0, $0xb8;
	[tilespmem:$0x12300] =	vst v63  }
0x3f1: {  	s16 =	simm.s32 $0x9B00;
	v4 =	vadd.s32 v2, v4  }
0x3f2: {  	[tilespmem:s16], [sflag:$0x1] =	stream.indirect_vreg.gather [hbm4b:s5+s3], $0x80, v5, vm0, $0xb8;
	[tilespmem:$0x12300] =	vst v63  }
0x3f3: {  	s17 =	simm.s32 $0xA300  }
0x3f4: {  	[tilespmem:s17], [sflag:$0x1] =	stream.indirect_vreg.gather [hbm4b:s7+s3], $0x80, v5, vm0, $0xb8;
	[tilespmem:$0x12300] =	vst v63  }
0x3f5: {  	s18 =	simm.s32 $0xAB00  }
0x3f6: {  	[tilespmem:s18], [sflag:$0x1] =	stream.indirect_vreg.gather [hbm4b:s1+s3], $0x80, v4, vm0, $0xb8;
	[tilespmem:$0x12300] =	vst v63  }
0x3f7: {  	s19 =	simm.s32 $0xB300  }
0x3f8: {  	[tilespmem:s19], [sflag:$0x1] =	stream.indirect_vreg.gather [hbm4b:s5+s3], $0x80, v4, vm0, $0xb8;
	[tilespmem:$0x12300] =	vst v63  }
0x3f9: {  	s24 =	simm.s32 $0xBB00  }
0x3fa: {  	[tilespmem:s24], [sflag:$0x1] =	stream.indirect_vreg.gather [hbm4b:s7+s3], $0x80, v4, vm0, $0xb8;
	[tilespmem:$0x12300] =	vst v63  }
0x3fb: {  	_ =	swait.ge [sflag:s25], $0xC000  }
0x3fc: {  	[sflag:s25] =	ssyncset.done $0x0  }
0x3fd: {  	s31 =	rddreg [dreg:$0x10];
	[sflag:s25] =	ssyncadd.s32 $0xFFFF4000  }
0x3fe: {  	[hbm4b:s31+s3] =	stream.linear.scatter [tilespmem:s13], [sflag:$0x2], $0xC000, $0x38;
	[tilespmem:$0x12300] =	vst v63  }
0x3ff: {  	_ =	swait.ge [sflag:s29], $0xC000  }
0x400: {  	[sflag:s29] =	ssyncset.done $0x0  }
0x401: {  	[sflag:s29] =	ssyncadd.s32 $0xFFFF4000  }
.LBB2_7:
0x402: {  	s6 =	sadd.s32 $0x1, s6;
	s4 =	rddreg [dreg:$0x17]  }
0x403: {  	p1 =	sne.s32 s6, s4  }
.Ltmp1:
0x404: {  	_ = 	snop;
	(pc) =	sbr.rel @!p1 .LBB2_8-.Ltmp1, $1  }
0x405: {  	_ =	sdelay $0x3  }
.LBB2_1:
.Ltmp2:
0x406: {  	s4 =	rddreg [dreg:$0x4];
	(pc) =	sbr.rel @!p0 .LBB2_2-.Ltmp2, $4  }
0x407: {  	[tilespmem:s3], [sflag:$0x2] =	stream.linear.gather [hbm4b:s4+s3], $0x300, $0x38;
	[tilespmem:$0x12300] =	vst v63  }
0x408: {  	_ =	swait.ge [sflag:s29], $0x300  }
0x409: {  	[sflag:s29] =	ssyncset.done $0x0  }
0x40a: {  	s4 =	simm.s32 $0x0;
	[sflag:s29] =	ssyncadd.s32 $0xFFFFFD00  }
.LBB2_3:
0x40b: {  	s8 =	sshrl.u32 s4, $0x3  }
0x40c: {  	s8 =	smul.u32 $0x6000, s8  }
0x40d: {  	s9 =	sshll.u32 s4, $0x7  }
0x40e: {  	s9 =	sand.u32 $0x380, s9;
	s8 =	sshra.s32 s8, $0x2  }
0x40f: {  	s9 =	sor.u32 s9, s8;
	s8 =	simm.s32 $0x0  }
0x410: {  	s9 =	sadd.s32 $0xC300, s9;
	s10 =	sand.u32 $0x1C00, s8  }
0x411: {  	s11 =	sand.u32 $0x70, s8;
	s12 =	sadd.s32 s10, s9  }
0x412: {  	s10 =	simm.s32 $0x10;
	s11 =	sadd.s32 s11, s12  }
.LBB2_4:
0x413: {  	p1 =	sne.s32 s10, $0x2F0  }
0x414: {  	[tilespmem:s11+$0x0] =	vst v0;
	s8 =	sadd.s32 $0x80, s8;
	s11 =	smov.u32 s10;
	s10 =	sadd.s32 $0x10, s10  }
.Ltmp3:
0x415: {  	(pc) =	sbr.rel @p1 .LBB2_4-.Ltmp3, $4  }
0x416: {  	_ = 	snop  }
0x417: {  	s12 =	sand.u32 $0x1C00, s8  }
0x418: {  	s11 =	sand.u32 $0x70, s11;
	s12 =	sadd.s32 s12, s9  }
0x419: {  	s11 =	sadd.s32 s11, s12  }
0x41a: {  	s4 =	sadd.s32 $0x1, s4  }
0x41b: {  	p1 =	sne.s32 s4, $0x20  }
.Ltmp4:
0x41c: {  	_ = 	snop;
	(pc) =	sbr.rel @p1 .LBB2_3-.Ltmp4, $2  }
0x41d: {  	_ =	sdelay $0x2  }
0x41e: {  	[tilespmem:s11+$0x0] =	vst v0  }
0x41f: {  	v4 =	vld [tilespmem:$0x0];
	_ =	sdelay $0x4  }
0x420: {  	v5 =	vshrl.u32 v4, $0x3  }
0x421: {  	v5 =	vmul.u32 $0x30, v5  }
0x422: {  	v4 =	vand.u32 $0x7, v4  }
0x423: {  	v4 =	vor.u32 v4, v5  }
0x424: {  	v5 =	vperm.xlane v4, v1;
	_ =	sdelay $0x1  }
0x425: {  	v5 =	vadd.s32 v2, v5;
	_ =	sdelay $0x3  }
0x426: {  	v4 =	vperm.xlane v4, v3  }
0x427: {  	[tilespmem:s13], [sflag:$0x1] =	stream.indirect_vreg.gather [hbm4b:s1+s3], $0x80, v5, vm0, $0xb8;
	[tilespmem:$0x12300] =	vst v63  }
0x428: {  	s2 =	simm.s32 $0xB00;
	v4 =	vadd.s32 v2, v4  }
0x429: {  	[tilespmem:s2], [sflag:$0x1] =	stream.indirect_vreg.gather [hbm4b:s5+s3], $0x80, v5, vm0, $0xb8;
	[tilespmem:$0x12300] =	vst v63  }
0x42a: {  	s0 =	simm.s32 $0x1300  }
0x42b: {  	[tilespmem:s0], [sflag:$0x1] =	stream.indirect_vreg.gather [hbm4b:s7+s3], $0x80, v5, vm0, $0xb8;
	[tilespmem:$0x12300] =	vst v63  }
0x42c: {  	s19 =	simm.s32 $0x1B00  }
0x42d: {  	[tilespmem:s19], [sflag:$0x1] =	stream.indirect_vreg.gather [hbm4b:s1+s3], $0x80, v4, vm0, $0xb8;
	[tilespmem:$0x12300] =	vst v63  }
0x42e: {  	s20 =	simm.s32 $0x2300  }
0x42f: {  	[tilespmem:s20], [sflag:$0x1] =	stream.indirect_vreg.gather [hbm4b:s5+s3], $0x80, v4, vm0, $0xb8;
	[tilespmem:$0x12300] =	vst v63  }
0x430: {  	s21 =	simm.s32 $0x2B00  }
0x431: {  	[tilespmem:s21], [sflag:$0x1] =	stream.indirect_vreg.gather [hbm4b:s7+s3], $0x80, v4, vm0, $0xb8;
	[tilespmem:$0x12300] =	vst v63  }
0x432: {  	v4 =	vld [tilespmem:$0x10];
	_ =	sdelay $0x4  }
0x433: {  	v5 =	vshrl.u32 v4, $0x3  }
0x434: {  	v5 =	vmul.u32 $0x30, v5  }
0x435: {  	v4 =	vand.u32 $0x7, v4  }
0x436: {  	v4 =	vor.u32 v4, v5  }
0x437: {  	v5 =	vperm.xlane v4, v1;
	_ =	sdelay $0x1  }
0x438: {  	v5 =	vadd.s32 v2, v5;
	_ =	sdelay $0x3  }
0x439: {  	s22 =	simm.s32 $0x3300;
	v4 =	vperm.xlane v4, v3  }
0x43a: {  	[tilespmem:s22], [sflag:$0x1] =	stream.indirect_vreg.gather [hbm4b:s1+s3], $0x80, v5, vm0, $0xb8;
	[tilespmem:$0x12300] =	vst v63  }
0x43b: {  	s23 =	simm.s32 $0x3B00;
	v4 =	vadd.s32 v2, v4  }
0x43c: {  	[tilespmem:s23], [sflag:$0x1] =	stream.indirect_vreg.gather [hbm4b:s5+s3], $0x80, v5, vm0, $0xb8;
	[tilespmem:$0x12300] =	vst v63  }
0x43d: {  	s24 =	simm.s32 $0x4300  }
0x43e: {  	[tilespmem:s24], [sflag:$0x1] =	stream.indirect_vreg.gather [hbm4b:s7+s3], $0x80, v5, vm0, $0xb8;
	[tilespmem:$0x12300] =	vst v63  }
0x43f: {  	s26 =	simm.s32 $0x4B00  }
0x440: {  	[tilespmem:s26], [sflag:$0x1] =	stream.indirect_vreg.gather [hbm4b:s1+s3], $0x80, v4, vm0, $0xb8;
	[tilespmem:$0x12300] =	vst v63  }
0x441: {  	s28 =	simm.s32 $0x5300  }
0x442: {  	[tilespmem:s28], [sflag:$0x1] =	stream.indirect_vreg.gather [hbm4b:s5+s3], $0x80, v4, vm0, $0xb8;
	[tilespmem:$0x12300] =	vst v63  }
0x443: {  	[dreg:$0x1a] =	wrdreg s6;
	s6 =	simm.s32 $0x5B00  }
0x444: {  	[tilespmem:s6], [sflag:$0x1] =	stream.indirect_vreg.gather [hbm4b:s7+s3], $0x80, v4, vm0, $0xb8;
	[tilespmem:$0x12300] =	vst v63  }
0x445: {  	v4 =	vld [tilespmem:$0x20];
	_ =	sdelay $0x4  }
0x446: {  	v5 =	vshrl.u32 v4, $0x3  }
0x447: {  	v5 =	vmul.u32 $0x30, v5  }
0x448: {  	v4 =	vand.u32 $0x7, v4  }
0x449: {  	v4 =	vor.u32 v4, v5  }
0x44a: {  	v5 =	vperm.xlane v4, v1;
	_ =	sdelay $0x1  }
0x44b: {  	v5 =	vadd.s32 v2, v5;
	_ =	sdelay $0x3  }
0x44c: {  	s8 =	simm.s32 $0x6300;
	v4 =	vperm.xlane v4, v3  }
0x44d: {  	[tilespmem:s8], [sflag:$0x1] =	stream.indirect_vreg.gather [hbm4b:s1+s3], $0x80, v5, vm0, $0xb8;
	[tilespmem:$0x12300] =	vst v63  }
0x44e: {  	s9 =	simm.s32 $0x6B00;
	v4 =	vadd.s32 v2, v4  }
0x44f: {  	[tilespmem:s9], [sflag:$0x1] =	stream.indirect_vreg.gather [hbm4b:s5+s3], $0x80, v5, vm0, $0xb8;
	[tilespmem:$0x12300] =	vst v63  }
0x450: {  	s10 =	simm.s32 $0x7300  }
0x451: {  	[tilespmem:s10], [sflag:$0x1] =	stream.indirect_vreg.gather [hbm4b:s7+s3], $0x80, v5, vm0, $0xb8;
	[tilespmem:$0x12300] =	vst v63  }
0x452: {  	s11 =	simm.s32 $0x7B00  }
0x453: {  	[tilespmem:s11], [sflag:$0x1] =	stream.indirect_vreg.gather [hbm4b:s1+s3], $0x80, v4, vm0, $0xb8;
	[tilespmem:$0x12300] =	vst v63  }
0x454: {  	s12 =	simm.s32 $0x8300  }
0x455: {  	[tilespmem:s12], [sflag:$0x1] =	stream.indirect_vreg.gather [hbm4b:s5+s3], $0x80, v4, vm0, $0xb8;
	[tilespmem:$0x12300] =	vst v63  }
0x456: {  	s30 =	simm.s32 $0x8B00  }
0x457: {  	[tilespmem:s30], [sflag:$0x1] =	stream.indirect_vreg.gather [hbm4b:s7+s3], $0x80, v4, vm0, $0xb8;
	[tilespmem:$0x12300] =	vst v63  }
0x458: {  	v4 =	vld [tilespmem:$0x30];
	_ =	sdelay $0x4  }
0x459: {  	v5 =	vshrl.u32 v4, $0x3  }
0x45a: {  	v5 =	vmul.u32 $0x30, v5  }
0x45b: {  	v4 =	vand.u32 $0x7, v4  }
0x45c: {  	v4 =	vor.u32 v4, v5  }
0x45d: {  	v5 =	vperm.xlane v4, v1;
	_ =	sdelay $0x1  }
0x45e: {  	v5 =	vadd.s32 v2, v5;
	_ =	sdelay $0x3  }
0x45f: {  	s14 =	simm.s32 $0x9300;
	v4 =	vperm.xlane v4, v3  }
0x460: {  	[tilespmem:s14], [sflag:$0x1] =	stream.indirect_vreg.gather [hbm4b:s1+s3], $0x80, v5, vm0, $0xb8;
	[tilespmem:$0x12300] =	vst v63  }
0x461: {  	s15 =	simm.s32 $0x9B00;
	v4 =	vadd.s32 v2, v4  }
0x462: {  	[tilespmem:s15], [sflag:$0x1] =	stream.indirect_vreg.gather [hbm4b:s5+s3], $0x80, v5, vm0, $0xb8;
	[tilespmem:$0x12300] =	vst v63  }
0x463: {  	s16 =	simm.s32 $0xA300  }
0x464: {  	[tilespmem:s16], [sflag:$0x1] =	stream.indirect_vreg.gather [hbm4b:s7+s3], $0x80, v5, vm0, $0xb8;
	[tilespmem:$0x12300] =	vst v63  }
0x465: {  	s17 =	simm.s32 $0xAB00  }
0x466: {  	[tilespmem:s17], [sflag:$0x1] =	stream.indirect_vreg.gather [hbm4b:s1+s3], $0x80, v4, vm0, $0xb8;
	[tilespmem:$0x12300] =	vst v63  }
0x467: {  	s18 =	simm.s32 $0xB300  }
0x468: {  	[tilespmem:s18], [sflag:$0x1] =	stream.indirect_vreg.gather [hbm4b:s5+s3], $0x80, v4, vm0, $0xb8;
	[tilespmem:$0x12300] =	vst v63  }
0x469: {  	s31 =	simm.s32 $0xBB00  }
0x46a: {  	[tilespmem:s31], [sflag:$0x1] =	stream.indirect_vreg.gather [hbm4b:s7+s3], $0x80, v4, vm0, $0xb8;
	[tilespmem:$0x12300] =	vst v63  }
0x46b: {  	_ =	swait.ge [sflag:s25], $0xC000  }
0x46c: {  	[sflag:s25] =	ssyncset.done $0x0  }
0x46d: {  	s4 =	rddreg [dreg:$0x5];
	[sflag:s25] =	ssyncadd.s32 $0xFFFF4000  }
0x46e: {  	[hbm4b:s4+s3] =	stream.linear.scatter [tilespmem:s13], [sflag:$0x2], $0xC000, $0x38;
	[tilespmem:$0x12300] =	vst v63  }
0x46f: {  	_ =	swait.ge [sflag:s29], $0xC000  }
0x470: {  	[sflag:s29] =	ssyncset.done $0x0  }
0x471: {  	[sflag:s29] =	ssyncadd.s32 $0xFFFF4000  }
0x472: {  	v4 =	vld [tilespmem:$0x40];
	_ =	sdelay $0x4  }
0x473: {  	v5 =	vshrl.u32 v4, $0x3  }
0x474: {  	v5 =	vmul.u32 $0x30, v5  }
0x475: {  	v4 =	vand.u32 $0x7, v4  }
0x476: {  	v4 =	vor.u32 v4, v5  }
0x477: {  	v5 =	vperm.xlane v4, v1;
	_ =	sdelay $0x1  }
0x478: {  	v5 =	vadd.s32 v2, v5;
	_ =	sdelay $0x3  }
0x479: {  	v4 =	vperm.xlane v4, v3  }
0x47a: {  	[tilespmem:s13], [sflag:$0x1] =	stream.indirect_vreg.gather [hbm4b:s1+s3], $0x80, v5, vm0, $0xb8;
	[tilespmem:$0x12300] =	vst v63  }
0x47b: {  	v4 =	vadd.s32 v2, v4  }
0x47c: {  	[tilespmem:s2], [sflag:$0x1] =	stream.indirect_vreg.gather [hbm4b:s5+s3], $0x80, v5, vm0, $0xb8;
	[tilespmem:$0x12300] =	vst v63  }
0x47d: {  	_ = 	snop  }
0x47e: {  	[tilespmem:s0], [sflag:$0x1] =	stream.indirect_vreg.gather [hbm4b:s7+s3], $0x80, v5, vm0, $0xb8;
	[tilespmem:$0x12300] =	vst v63  }
0x47f: {  	_ = 	snop  }
0x480: {  	[tilespmem:s19], [sflag:$0x1] =	stream.indirect_vreg.gather [hbm4b:s1+s3], $0x80, v4, vm0, $0xb8;
	[tilespmem:$0x12300] =	vst v63  }
0x481: {  	_ = 	snop  }
0x482: {  	[tilespmem:s20], [sflag:$0x1] =	stream.indirect_vreg.gather [hbm4b:s5+s3], $0x80, v4, vm0, $0xb8;
	[tilespmem:$0x12300] =	vst v63  }
0x483: {  	_ = 	snop  }
0x484: {  	[tilespmem:s21], [sflag:$0x1] =	stream.indirect_vreg.gather [hbm4b:s7+s3], $0x80, v4, vm0, $0xb8;
	[tilespmem:$0x12300] =	vst v63  }
0x485: {  	v4 =	vld [tilespmem:$0x50];
	_ =	sdelay $0x4  }
0x486: {  	v5 =	vshrl.u32 v4, $0x3  }
0x487: {  	v5 =	vmul.u32 $0x30, v5  }
0x488: {  	v4 =	vand.u32 $0x7, v4  }
0x489: {  	v4 =	vor.u32 v4, v5  }
0x48a: {  	v5 =	vperm.xlane v4, v1;
	_ =	sdelay $0x1  }
0x48b: {  	v5 =	vadd.s32 v2, v5;
	_ =	sdelay $0x3  }
0x48c: {  	v4 =	vperm.xlane v4, v3  }
0x48d: {  	[tilespmem:s22], [sflag:$0x1] =	stream.indirect_vreg.gather [hbm4b:s1+s3], $0x80, v5, vm0, $0xb8;
	[tilespmem:$0x12300] =	vst v63  }
0x48e: {  	v4 =	vadd.s32 v2, v4  }
0x48f: {  	[tilespmem:s23], [sflag:$0x1] =	stream.indirect_vreg.gather [hbm4b:s5+s3], $0x80, v5, vm0, $0xb8;
	[tilespmem:$0x12300] =	vst v63  }
0x490: {  	_ = 	snop  }
0x491: {  	[tilespmem:s24], [sflag:$0x1] =	stream.indirect_vreg.gather [hbm4b:s7+s3], $0x80, v5, vm0, $0xb8;
	[tilespmem:$0x12300] =	vst v63  }
0x492: {  	_ = 	snop  }
0x493: {  	[tilespmem:s26], [sflag:$0x1] =	stream.indirect_vreg.gather [hbm4b:s1+s3], $0x80, v4, vm0, $0xb8;
	[tilespmem:$0x12300] =	vst v63  }
0x494: {  	_ = 	snop  }
0x495: {  	[tilespmem:s28], [sflag:$0x1] =	stream.indirect_vreg.gather [hbm4b:s5+s3], $0x80, v4, vm0, $0xb8;
	[tilespmem:$0x12300] =	vst v63  }
0x496: {  	_ = 	snop  }
0x497: {  	[tilespmem:s6], [sflag:$0x1] =	stream.indirect_vreg.gather [hbm4b:s7+s3], $0x80, v4, vm0, $0xb8;
	[tilespmem:$0x12300] =	vst v63  }
0x498: {  	v4 =	vld [tilespmem:$0x60];
	_ =	sdelay $0x4  }
0x499: {  	v5 =	vshrl.u32 v4, $0x3  }
0x49a: {  	v5 =	vmul.u32 $0x30, v5  }
0x49b: {  	v4 =	vand.u32 $0x7, v4  }
0x49c: {  	v4 =	vor.u32 v4, v5  }
0x49d: {  	v5 =	vperm.xlane v4, v1;
	_ =	sdelay $0x1  }
0x49e: {  	v5 =	vadd.s32 v2, v5;
	_ =	sdelay $0x3  }
0x49f: {  	v4 =	vperm.xlane v4, v3  }
0x4a0: {  	[tilespmem:s8], [sflag:$0x1] =	stream.indirect_vreg.gather [hbm4b:s1+s3], $0x80, v5, vm0, $0xb8;
	[tilespmem:$0x12300] =	vst v63  }
0x4a1: {  	v4 =	vadd.s32 v2, v4  }
0x4a2: {  	[tilespmem:s9], [sflag:$0x1] =	stream.indirect_vreg.gather [hbm4b:s5+s3], $0x80, v5, vm0, $0xb8;
	[tilespmem:$0x12300] =	vst v63  }
0x4a3: {  	_ = 	snop  }
0x4a4: {  	[tilespmem:s10], [sflag:$0x1] =	stream.indirect_vreg.gather [hbm4b:s7+s3], $0x80, v5, vm0, $0xb8;
	[tilespmem:$0x12300] =	vst v63  }
0x4a5: {  	_ = 	snop  }
0x4a6: {  	[tilespmem:s11], [sflag:$0x1] =	stream.indirect_vreg.gather [hbm4b:s1+s3], $0x80, v4, vm0, $0xb8;
	[tilespmem:$0x12300] =	vst v63  }
0x4a7: {  	_ = 	snop  }
0x4a8: {  	[tilespmem:s12], [sflag:$0x1] =	stream.indirect_vreg.gather [hbm4b:s5+s3], $0x80, v4, vm0, $0xb8;
	[tilespmem:$0x12300] =	vst v63  }
0x4a9: {  	_ = 	snop  }
0x4aa: {  	[tilespmem:s30], [sflag:$0x1] =	stream.indirect_vreg.gather [hbm4b:s7+s3], $0x80, v4, vm0, $0xb8;
	[tilespmem:$0x12300] =	vst v63  }
0x4ab: {  	v4 =	vld [tilespmem:$0x70];
	_ =	sdelay $0x4  }
0x4ac: {  	v5 =	vshrl.u32 v4, $0x3  }
0x4ad: {  	v5 =	vmul.u32 $0x30, v5  }
0x4ae: {  	v4 =	vand.u32 $0x7, v4  }
0x4af: {  	v4 =	vor.u32 v4, v5  }
0x4b0: {  	v5 =	vperm.xlane v4, v1;
	_ =	sdelay $0x1  }
0x4b1: {  	v5 =	vadd.s32 v2, v5;
	_ =	sdelay $0x3  }
0x4b2: {  	v4 =	vperm.xlane v4, v3  }
0x4b3: {  	[tilespmem:s14], [sflag:$0x1] =	stream.indirect_vreg.gather [hbm4b:s1+s3], $0x80, v5, vm0, $0xb8;
	[tilespmem:$0x12300] =	vst v63  }
0x4b4: {  	v4 =	vadd.s32 v2, v4  }
0x4b5: {  	[tilespmem:s15], [sflag:$0x1] =	stream.indirect_vreg.gather [hbm4b:s5+s3], $0x80, v5, vm0, $0xb8;
	[tilespmem:$0x12300] =	vst v63  }
0x4b6: {  	_ = 	snop  }
0x4b7: {  	[tilespmem:s16], [sflag:$0x1] =	stream.indirect_vreg.gather [hbm4b:s7+s3], $0x80, v5, vm0, $0xb8;
	[tilespmem:$0x12300] =	vst v63  }
0x4b8: {  	_ = 	snop  }
0x4b9: {  	[tilespmem:s17], [sflag:$0x1] =	stream.indirect_vreg.gather [hbm4b:s1+s3], $0x80, v4, vm0, $0xb8;
	[tilespmem:$0x12300] =	vst v63  }
0x4ba: {  	_ = 	snop  }
0x4bb: {  	[tilespmem:s18], [sflag:$0x1] =	stream.indirect_vreg.gather [hbm4b:s5+s3], $0x80, v4, vm0, $0xb8;
	[tilespmem:$0x12300] =	vst v63  }
0x4bc: {  	_ = 	snop  }
0x4bd: {  	[tilespmem:s31], [sflag:$0x1] =	stream.indirect_vreg.gather [hbm4b:s7+s3], $0x80, v4, vm0, $0xb8;
	[tilespmem:$0x12300] =	vst v63  }
0x4be: {  	_ =	swait.ge [sflag:s25], $0xC000  }
0x4bf: {  	[sflag:s25] =	ssyncset.done $0x0  }
0x4c0: {  	s4 =	rddreg [dreg:$0x6];
	[sflag:s25] =	ssyncadd.s32 $0xFFFF4000  }
0x4c1: {  	[hbm4b:s4+s3] =	stream.linear.scatter [tilespmem:s13], [sflag:$0x2], $0xC000, $0x38;
	[tilespmem:$0x12300] =	vst v63  }
0x4c2: {  	_ =	swait.ge [sflag:s29], $0xC000  }
0x4c3: {  	[sflag:s29] =	ssyncset.done $0x0  }
0x4c4: {  	[sflag:s29] =	ssyncadd.s32 $0xFFFF4000  }
0x4c5: {  	v4 =	vld [tilespmem:$0x80];
	_ =	sdelay $0x4  }
0x4c6: {  	v5 =	vshrl.u32 v4, $0x3  }
0x4c7: {  	v5 =	vmul.u32 $0x30, v5  }
0x4c8: {  	v4 =	vand.u32 $0x7, v4  }
0x4c9: {  	v4 =	vor.u32 v4, v5  }
0x4ca: {  	v5 =	vperm.xlane v4, v1;
	_ =	sdelay $0x1  }
0x4cb: {  	v5 =	vadd.s32 v2, v5;
	_ =	sdelay $0x3  }
0x4cc: {  	v4 =	vperm.xlane v4, v3  }
0x4cd: {  	[tilespmem:s13], [sflag:$0x1] =	stream.indirect_vreg.gather [hbm4b:s1+s3], $0x80, v5, vm0, $0xb8;
	[tilespmem:$0x12300] =	vst v63  }
0x4ce: {  	v4 =	vadd.s32 v2, v4  }
0x4cf: {  	[tilespmem:s2], [sflag:$0x1] =	stream.indirect_vreg.gather [hbm4b:s5+s3], $0x80, v5, vm0, $0xb8;
	[tilespmem:$0x12300] =	vst v63  }
0x4d0: {  	_ = 	snop  }
0x4d1: {  	[tilespmem:s0], [sflag:$0x1] =	stream.indirect_vreg.gather [hbm4b:s7+s3], $0x80, v5, vm0, $0xb8;
	[tilespmem:$0x12300] =	vst v63  }
0x4d2: {  	_ = 	snop  }
0x4d3: {  	[tilespmem:s19], [sflag:$0x1] =	stream.indirect_vreg.gather [hbm4b:s1+s3], $0x80, v4, vm0, $0xb8;
	[tilespmem:$0x12300] =	vst v63  }
0x4d4: {  	_ = 	snop  }
0x4d5: {  	[tilespmem:s20], [sflag:$0x1] =	stream.indirect_vreg.gather [hbm4b:s5+s3], $0x80, v4, vm0, $0xb8;
	[tilespmem:$0x12300] =	vst v63  }
0x4d6: {  	_ = 	snop  }
0x4d7: {  	[tilespmem:s21], [sflag:$0x1] =	stream.indirect_vreg.gather [hbm4b:s7+s3], $0x80, v4, vm0, $0xb8;
	[tilespmem:$0x12300] =	vst v63  }
0x4d8: {  	v4 =	vld [tilespmem:$0x90];
	_ =	sdelay $0x4  }
0x4d9: {  	v5 =	vshrl.u32 v4, $0x3  }
0x4da: {  	v5 =	vmul.u32 $0x30, v5  }
0x4db: {  	v4 =	vand.u32 $0x7, v4  }
0x4dc: {  	v4 =	vor.u32 v4, v5  }
0x4dd: {  	v5 =	vperm.xlane v4, v1;
	_ =	sdelay $0x1  }
0x4de: {  	v5 =	vadd.s32 v2, v5;
	_ =	sdelay $0x3  }
0x4df: {  	v4 =	vperm.xlane v4, v3  }
0x4e0: {  	[tilespmem:s22], [sflag:$0x1] =	stream.indirect_vreg.gather [hbm4b:s1+s3], $0x80, v5, vm0, $0xb8;
	[tilespmem:$0x12300] =	vst v63  }
0x4e1: {  	v4 =	vadd.s32 v2, v4  }
0x4e2: {  	[tilespmem:s23], [sflag:$0x1] =	stream.indirect_vreg.gather [hbm4b:s5+s3], $0x80, v5, vm0, $0xb8;
	[tilespmem:$0x12300] =	vst v63  }
0x4e3: {  	_ = 	snop  }
0x4e4: {  	[tilespmem:s24], [sflag:$0x1] =	stream.indirect_vreg.gather [hbm4b:s7+s3], $0x80, v5, vm0, $0xb8;
	[tilespmem:$0x12300] =	vst v63  }
0x4e5: {  	_ = 	snop  }
0x4e6: {  	[tilespmem:s26], [sflag:$0x1] =	stream.indirect_vreg.gather [hbm4b:s1+s3], $0x80, v4, vm0, $0xb8;
	[tilespmem:$0x12300] =	vst v63  }
0x4e7: {  	_ = 	snop  }
0x4e8: {  	[tilespmem:s28], [sflag:$0x1] =	stream.indirect_vreg.gather [hbm4b:s5+s3], $0x80, v4, vm0, $0xb8;
	[tilespmem:$0x12300] =	vst v63  }
0x4e9: {  	_ = 	snop  }
0x4ea: {  	[tilespmem:s6], [sflag:$0x1] =	stream.indirect_vreg.gather [hbm4b:s7+s3], $0x80, v4, vm0, $0xb8;
	[tilespmem:$0x12300] =	vst v63  }
0x4eb: {  	v4 =	vld [tilespmem:$0xA0];
	_ =	sdelay $0x4  }
0x4ec: {  	v5 =	vshrl.u32 v4, $0x3  }
0x4ed: {  	v5 =	vmul.u32 $0x30, v5  }
0x4ee: {  	v4 =	vand.u32 $0x7, v4  }
0x4ef: {  	v4 =	vor.u32 v4, v5  }
0x4f0: {  	v5 =	vperm.xlane v4, v1;
	_ =	sdelay $0x1  }
0x4f1: {  	v5 =	vadd.s32 v2, v5;
	_ =	sdelay $0x3  }
0x4f2: {  	v4 =	vperm.xlane v4, v3  }
0x4f3: {  	[tilespmem:s8], [sflag:$0x1] =	stream.indirect_vreg.gather [hbm4b:s1+s3], $0x80, v5, vm0, $0xb8;
	[tilespmem:$0x12300] =	vst v63  }
0x4f4: {  	v4 =	vadd.s32 v2, v4  }
0x4f5: {  	[tilespmem:s9], [sflag:$0x1] =	stream.indirect_vreg.gather [hbm4b:s5+s3], $0x80, v5, vm0, $0xb8;
	[tilespmem:$0x12300] =	vst v63  }
0x4f6: {  	_ = 	snop  }
0x4f7: {  	[tilespmem:s10], [sflag:$0x1] =	stream.indirect_vreg.gather [hbm4b:s7+s3], $0x80, v5, vm0, $0xb8;
	[tilespmem:$0x12300] =	vst v63  }
0x4f8: {  	_ = 	snop  }
0x4f9: {  	[tilespmem:s11], [sflag:$0x1] =	stream.indirect_vreg.gather [hbm4b:s1+s3], $0x80, v4, vm0, $0xb8;
	[tilespmem:$0x12300] =	vst v63  }
0x4fa: {  	_ = 	snop  }
0x4fb: {  	[tilespmem:s12], [sflag:$0x1] =	stream.indirect_vreg.gather [hbm4b:s5+s3], $0x80, v4, vm0, $0xb8;
	[tilespmem:$0x12300] =	vst v63  }
0x4fc: {  	_ = 	snop  }
0x4fd: {  	[tilespmem:s30], [sflag:$0x1] =	stream.indirect_vreg.gather [hbm4b:s7+s3], $0x80, v4, vm0, $0xb8;
	[tilespmem:$0x12300] =	vst v63  }
0x4fe: {  	v4 =	vld [tilespmem:$0xB0];
	_ =	sdelay $0x4  }
0x4ff: {  	v5 =	vshrl.u32 v4, $0x3  }
0x500: {  	v5 =	vmul.u32 $0x30, v5  }
0x501: {  	v4 =	vand.u32 $0x7, v4  }
0x502: {  	v4 =	vor.u32 v4, v5  }
0x503: {  	v5 =	vperm.xlane v4, v1;
	_ =	sdelay $0x1  }
0x504: {  	v5 =	vadd.s32 v2, v5;
	_ =	sdelay $0x3  }
0x505: {  	v4 =	vperm.xlane v4, v3  }
0x506: {  	[tilespmem:s14], [sflag:$0x1] =	stream.indirect_vreg.gather [hbm4b:s1+s3], $0x80, v5, vm0, $0xb8;
	[tilespmem:$0x12300] =	vst v63  }
0x507: {  	v4 =	vadd.s32 v2, v4  }
0x508: {  	[tilespmem:s15], [sflag:$0x1] =	stream.indirect_vreg.gather [hbm4b:s5+s3], $0x80, v5, vm0, $0xb8;
	[tilespmem:$0x12300] =	vst v63  }
0x509: {  	_ = 	snop  }
0x50a: {  	[tilespmem:s16], [sflag:$0x1] =	stream.indirect_vreg.gather [hbm4b:s7+s3], $0x80, v5, vm0, $0xb8;
	[tilespmem:$0x12300] =	vst v63  }
0x50b: {  	_ = 	snop  }
0x50c: {  	[tilespmem:s17], [sflag:$0x1] =	stream.indirect_vreg.gather [hbm4b:s1+s3], $0x80, v4, vm0, $0xb8;
	[tilespmem:$0x12300] =	vst v63  }
0x50d: {  	_ = 	snop  }
0x50e: {  	[tilespmem:s18], [sflag:$0x1] =	stream.indirect_vreg.gather [hbm4b:s5+s3], $0x80, v4, vm0, $0xb8;
	[tilespmem:$0x12300] =	vst v63  }
0x50f: {  	_ = 	snop  }
0x510: {  	[tilespmem:s31], [sflag:$0x1] =	stream.indirect_vreg.gather [hbm4b:s7+s3], $0x80, v4, vm0, $0xb8;
	[tilespmem:$0x12300] =	vst v63  }
0x511: {  	_ =	swait.ge [sflag:s25], $0xC000  }
0x512: {  	[sflag:s25] =	ssyncset.done $0x0  }
0x513: {  	s4 =	rddreg [dreg:$0x7];
	[sflag:s25] =	ssyncadd.s32 $0xFFFF4000  }
0x514: {  	[hbm4b:s4+s3] =	stream.linear.scatter [tilespmem:s13], [sflag:$0x2], $0xC000, $0x38;
	[tilespmem:$0x12300] =	vst v63  }
0x515: {  	_ =	swait.ge [sflag:s29], $0xC000  }
0x516: {  	[sflag:s29] =	ssyncset.done $0x0  }
0x517: {  	[sflag:s29] =	ssyncadd.s32 $0xFFFF4000  }
0x518: {  	v4 =	vld [tilespmem:$0xC0];
	_ =	sdelay $0x4  }
0x519: {  	v5 =	vshrl.u32 v4, $0x3  }
0x51a: {  	v5 =	vmul.u32 $0x30, v5  }
0x51b: {  	v4 =	vand.u32 $0x7, v4  }
0x51c: {  	v4 =	vor.u32 v4, v5  }
0x51d: {  	v5 =	vperm.xlane v4, v1;
	_ =	sdelay $0x1  }
0x51e: {  	v5 =	vadd.s32 v2, v5;
	_ =	sdelay $0x3  }
0x51f: {  	v4 =	vperm.xlane v4, v3  }
0x520: {  	[tilespmem:s13], [sflag:$0x1] =	stream.indirect_vreg.gather [hbm4b:s1+s3], $0x80, v5, vm0, $0xb8;
	[tilespmem:$0x12300] =	vst v63  }
0x521: {  	v4 =	vadd.s32 v2, v4  }
0x522: {  	[tilespmem:s2], [sflag:$0x1] =	stream.indirect_vreg.gather [hbm4b:s5+s3], $0x80, v5, vm0, $0xb8;
	[tilespmem:$0x12300] =	vst v63  }
0x523: {  	_ = 	snop  }
0x524: {  	[tilespmem:s0], [sflag:$0x1] =	stream.indirect_vreg.gather [hbm4b:s7+s3], $0x80, v5, vm0, $0xb8;
	[tilespmem:$0x12300] =	vst v63  }
0x525: {  	_ = 	snop  }
0x526: {  	[tilespmem:s19], [sflag:$0x1] =	stream.indirect_vreg.gather [hbm4b:s1+s3], $0x80, v4, vm0, $0xb8;
	[tilespmem:$0x12300] =	vst v63  }
0x527: {  	_ = 	snop  }
0x528: {  	[tilespmem:s20], [sflag:$0x1] =	stream.indirect_vreg.gather [hbm4b:s5+s3], $0x80, v4, vm0, $0xb8;
	[tilespmem:$0x12300] =	vst v63  }
0x529: {  	_ = 	snop  }
0x52a: {  	[tilespmem:s21], [sflag:$0x1] =	stream.indirect_vreg.gather [hbm4b:s7+s3], $0x80, v4, vm0, $0xb8;
	[tilespmem:$0x12300] =	vst v63  }
0x52b: {  	v4 =	vld [tilespmem:$0xD0];
	_ =	sdelay $0x4  }
0x52c: {  	v5 =	vshrl.u32 v4, $0x3  }
0x52d: {  	v5 =	vmul.u32 $0x30, v5  }
0x52e: {  	v4 =	vand.u32 $0x7, v4  }
0x52f: {  	v4 =	vor.u32 v4, v5  }
0x530: {  	v5 =	vperm.xlane v4, v1;
	_ =	sdelay $0x1  }
0x531: {  	v5 =	vadd.s32 v2, v5;
	_ =	sdelay $0x3  }
0x532: {  	v4 =	vperm.xlane v4, v3  }
0x533: {  	[tilespmem:s22], [sflag:$0x1] =	stream.indirect_vreg.gather [hbm4b:s1+s3], $0x80, v5, vm0, $0xb8;
	[tilespmem:$0x12300] =	vst v63  }
0x534: {  	v4 =	vadd.s32 v2, v4  }
0x535: {  	[tilespmem:s23], [sflag:$0x1] =	stream.indirect_vreg.gather [hbm4b:s5+s3], $0x80, v5, vm0, $0xb8;
	[tilespmem:$0x12300] =	vst v63  }
0x536: {  	_ = 	snop  }
0x537: {  	[tilespmem:s24], [sflag:$0x1] =	stream.indirect_vreg.gather [hbm4b:s7+s3], $0x80, v5, vm0, $0xb8;
	[tilespmem:$0x12300] =	vst v63  }
0x538: {  	_ = 	snop  }
0x539: {  	[tilespmem:s26], [sflag:$0x1] =	stream.indirect_vreg.gather [hbm4b:s1+s3], $0x80, v4, vm0, $0xb8;
	[tilespmem:$0x12300] =	vst v63  }
0x53a: {  	_ = 	snop  }
0x53b: {  	[tilespmem:s28], [sflag:$0x1] =	stream.indirect_vreg.gather [hbm4b:s5+s3], $0x80, v4, vm0, $0xb8;
	[tilespmem:$0x12300] =	vst v63  }
0x53c: {  	_ = 	snop  }
0x53d: {  	[tilespmem:s6], [sflag:$0x1] =	stream.indirect_vreg.gather [hbm4b:s7+s3], $0x80, v4, vm0, $0xb8;
	[tilespmem:$0x12300] =	vst v63  }
0x53e: {  	v4 =	vld [tilespmem:$0xE0];
	_ =	sdelay $0x4  }
0x53f: {  	v5 =	vshrl.u32 v4, $0x3  }
0x540: {  	v5 =	vmul.u32 $0x30, v5  }
0x541: {  	v4 =	vand.u32 $0x7, v4  }
0x542: {  	v4 =	vor.u32 v4, v5  }
0x543: {  	v5 =	vperm.xlane v4, v1;
	_ =	sdelay $0x1  }
0x544: {  	v5 =	vadd.s32 v2, v5;
	_ =	sdelay $0x3  }
0x545: {  	v4 =	vperm.xlane v4, v3  }
0x546: {  	[tilespmem:s8], [sflag:$0x1] =	stream.indirect_vreg.gather [hbm4b:s1+s3], $0x80, v5, vm0, $0xb8;
	[tilespmem:$0x12300] =	vst v63  }
0x547: {  	v4 =	vadd.s32 v2, v4  }
0x548: {  	[tilespmem:s9], [sflag:$0x1] =	stream.indirect_vreg.gather [hbm4b:s5+s3], $0x80, v5, vm0, $0xb8;
	[tilespmem:$0x12300] =	vst v63  }
0x549: {  	_ = 	snop  }
0x54a: {  	[tilespmem:s10], [sflag:$0x1] =	stream.indirect_vreg.gather [hbm4b:s7+s3], $0x80, v5, vm0, $0xb8;
	[tilespmem:$0x12300] =	vst v63  }
0x54b: {  	_ = 	snop  }
0x54c: {  	[tilespmem:s11], [sflag:$0x1] =	stream.indirect_vreg.gather [hbm4b:s1+s3], $0x80, v4, vm0, $0xb8;
	[tilespmem:$0x12300] =	vst v63  }
0x54d: {  	_ = 	snop  }
0x54e: {  	[tilespmem:s12], [sflag:$0x1] =	stream.indirect_vreg.gather [hbm4b:s5+s3], $0x80, v4, vm0, $0xb8;
	[tilespmem:$0x12300] =	vst v63  }
0x54f: {  	_ = 	snop  }
0x550: {  	[tilespmem:s30], [sflag:$0x1] =	stream.indirect_vreg.gather [hbm4b:s7+s3], $0x80, v4, vm0, $0xb8;
	[tilespmem:$0x12300] =	vst v63  }
0x551: {  	v4 =	vld [tilespmem:$0xF0];
	_ =	sdelay $0x4  }
0x552: {  	v5 =	vshrl.u32 v4, $0x3  }
0x553: {  	v5 =	vmul.u32 $0x30, v5  }
0x554: {  	v4 =	vand.u32 $0x7, v4  }
0x555: {  	v4 =	vor.u32 v4, v5  }
0x556: {  	v5 =	vperm.xlane v4, v1;
	_ =	sdelay $0x1  }
0x557: {  	v5 =	vadd.s32 v2, v5;
	_ =	sdelay $0x3  }
0x558: {  	v4 =	vperm.xlane v4, v3  }
0x559: {  	[tilespmem:s14], [sflag:$0x1] =	stream.indirect_vreg.gather [hbm4b:s1+s3], $0x80, v5, vm0, $0xb8;
	[tilespmem:$0x12300] =	vst v63  }
0x55a: {  	v4 =	vadd.s32 v2, v4  }
0x55b: {  	[tilespmem:s15], [sflag:$0x1] =	stream.indirect_vreg.gather [hbm4b:s5+s3], $0x80, v5, vm0, $0xb8;
	[tilespmem:$0x12300] =	vst v63  }
0x55c: {  	_ = 	snop  }
0x55d: {  	[tilespmem:s16], [sflag:$0x1] =	stream.indirect_vreg.gather [hbm4b:s7+s3], $0x80, v5, vm0, $0xb8;
	[tilespmem:$0x12300] =	vst v63  }
0x55e: {  	_ = 	snop  }
0x55f: {  	[tilespmem:s17], [sflag:$0x1] =	stream.indirect_vreg.gather [hbm4b:s1+s3], $0x80, v4, vm0, $0xb8;
	[tilespmem:$0x12300] =	vst v63  }
0x560: {  	_ = 	snop  }
0x561: {  	[tilespmem:s18], [sflag:$0x1] =	stream.indirect_vreg.gather [hbm4b:s5+s3], $0x80, v4, vm0, $0xb8;
	[tilespmem:$0x12300] =	vst v63  }
0x562: {  	_ = 	snop  }
0x563: {  	[tilespmem:s31], [sflag:$0x1] =	stream.indirect_vreg.gather [hbm4b:s7+s3], $0x80, v4, vm0, $0xb8;
	[tilespmem:$0x12300] =	vst v63  }
0x564: {  	_ =	swait.ge [sflag:s25], $0xC000  }
0x565: {  	[sflag:s25] =	ssyncset.done $0x0  }
0x566: {  	s15 =	rddreg [dreg:$0x8];
	[sflag:s25] =	ssyncadd.s32 $0xFFFF4000  }
0x567: {  	[hbm4b:s15+s3] =	stream.linear.scatter [tilespmem:s13], [sflag:$0x2], $0xC000, $0x38;
	[tilespmem:$0x12300] =	vst v63  }
0x568: {  	_ =	swait.ge [sflag:s29], $0xC000  }
0x569: {  	[sflag:s29] =	ssyncset.done $0x0  }
0x56a: {  	[sflag:s29] =	ssyncadd.s32 $0xFFFF4000  }
0x56b: {  	v4 =	vld [tilespmem:$0x100];
	_ =	sdelay $0x4  }
0x56c: {  	v5 =	vshrl.u32 v4, $0x3  }
0x56d: {  	v5 =	vmul.u32 $0x30, v5  }
0x56e: {  	v4 =	vand.u32 $0x7, v4  }
0x56f: {  	v4 =	vor.u32 v4, v5  }
0x570: {  	v5 =	vperm.xlane v4, v1;
	_ =	sdelay $0x1  }
0x571: {  	v5 =	vadd.s32 v2, v5;
	_ =	sdelay $0x3  }
0x572: {  	v4 =	vperm.xlane v4, v3  }
0x573: {  	[tilespmem:s13], [sflag:$0x1] =	stream.indirect_vreg.gather [hbm4b:s1+s3], $0x80, v5, vm0, $0xb8;
	[tilespmem:$0x12300] =	vst v63  }
0x574: {  	v4 =	vadd.s32 v2, v4  }
0x575: {  	[tilespmem:s2], [sflag:$0x1] =	stream.indirect_vreg.gather [hbm4b:s5+s3], $0x80, v5, vm0, $0xb8;
	[tilespmem:$0x12300] =	vst v63  }
0x576: {  	_ = 	snop  }
0x577: {  	[tilespmem:s0], [sflag:$0x1] =	stream.indirect_vreg.gather [hbm4b:s7+s3], $0x80, v5, vm0, $0xb8;
	[tilespmem:$0x12300] =	vst v63  }
0x578: {  	_ = 	snop  }
0x579: {  	[tilespmem:s19], [sflag:$0x1] =	stream.indirect_vreg.gather [hbm4b:s1+s3], $0x80, v4, vm0, $0xb8;
	[tilespmem:$0x12300] =	vst v63  }
0x57a: {  	_ = 	snop  }
0x57b: {  	[tilespmem:s20], [sflag:$0x1] =	stream.indirect_vreg.gather [hbm4b:s5+s3], $0x80, v4, vm0, $0xb8;
	[tilespmem:$0x12300] =	vst v63  }
0x57c: {  	_ = 	snop  }
0x57d: {  	[tilespmem:s21], [sflag:$0x1] =	stream.indirect_vreg.gather [hbm4b:s7+s3], $0x80, v4, vm0, $0xb8;
	[tilespmem:$0x12300] =	vst v63  }
0x57e: {  	v4 =	vld [tilespmem:$0x110];
	_ =	sdelay $0x4  }
0x57f: {  	v5 =	vshrl.u32 v4, $0x3  }
0x580: {  	v5 =	vmul.u32 $0x30, v5  }
0x581: {  	v4 =	vand.u32 $0x7, v4  }
0x582: {  	v4 =	vor.u32 v4, v5  }
0x583: {  	v5 =	vperm.xlane v4, v1;
	_ =	sdelay $0x1  }
0x584: {  	v5 =	vadd.s32 v2, v5;
	_ =	sdelay $0x3  }
0x585: {  	v4 =	vperm.xlane v4, v3  }
0x586: {  	[tilespmem:s22], [sflag:$0x1] =	stream.indirect_vreg.gather [hbm4b:s1+s3], $0x80, v5, vm0, $0xb8;
	[tilespmem:$0x12300] =	vst v63  }
0x587: {  	v4 =	vadd.s32 v2, v4  }
0x588: {  	[tilespmem:s23], [sflag:$0x1] =	stream.indirect_vreg.gather [hbm4b:s5+s3], $0x80, v5, vm0, $0xb8;
	[tilespmem:$0x12300] =	vst v63  }
0x589: {  	_ = 	snop  }
0x58a: {  	[tilespmem:s24], [sflag:$0x1] =	stream.indirect_vreg.gather [hbm4b:s7+s3], $0x80, v5, vm0, $0xb8;
	[tilespmem:$0x12300] =	vst v63  }
0x58b: {  	_ = 	snop  }
0x58c: {  	[tilespmem:s26], [sflag:$0x1] =	stream.indirect_vreg.gather [hbm4b:s1+s3], $0x80, v4, vm0, $0xb8;
	[tilespmem:$0x12300] =	vst v63  }
0x58d: {  	_ = 	snop  }
0x58e: {  	[tilespmem:s28], [sflag:$0x1] =	stream.indirect_vreg.gather [hbm4b:s5+s3], $0x80, v4, vm0, $0xb8;
	[tilespmem:$0x12300] =	vst v63  }
0x58f: {  	_ = 	snop  }
0x590: {  	[tilespmem:s6], [sflag:$0x1] =	stream.indirect_vreg.gather [hbm4b:s7+s3], $0x80, v4, vm0, $0xb8;
	[tilespmem:$0x12300] =	vst v63  }
0x591: {  	_ =	swait.ge [sflag:s25], $0x6000  }
0x592: {  	[sflag:s25] =	ssyncset.done $0x0  }
0x593: {  	s16 =	rddreg [dreg:$0x9];
	[sflag:s25] =	ssyncadd.s32 $0xFFFFA000  }
0x594: {  	[hbm4b:s16+s3] =	stream.linear.scatter [tilespmem:s13], [sflag:$0x2], $0x6000, $0x38;
	[tilespmem:$0x12300] =	vst v63  }
0x595: {  	_ =	swait.ge [sflag:s29], $0x6000  }
0x596: {  	[sflag:s29] =	ssyncset.done $0x0  }
0x597: {  	s8 =	simm.s32 $0xC300;
	s17 =	rddreg [dreg:$0x11];
	[sflag:s29] =	ssyncadd.s32 $0xFFFFA000  }
0x598: {  	[hbm4b:s17+s3] =	stream.linear.scatter [tilespmem:s8], [sflag:$0x2], $0x6000, $0x38;
	[tilespmem:$0x12300] =	vst v63  }
0x599: {  	_ =	swait.ge [sflag:s29], $0x6000  }
0x59a: {  	[sflag:s29] =	ssyncset.done $0x0  }
0x59b: {  	[sflag:s29] =	ssyncadd.s32 $0xFFFFA000  }
0x59c: {  	v4 =	vld [tilespmem:$0x140];
	_ =	sdelay $0x4  }
0x59d: {  	v5 =	vshrl.u32 v4, $0x3  }
0x59e: {  	v5 =	vmul.u32 $0x30, v5  }
0x59f: {  	v4 =	vand.u32 $0x7, v4  }
0x5a0: {  	v4 =	vor.u32 v4, v5  }
0x5a1: {  	v5 =	vperm.xlane v4, v1;
	_ =	sdelay $0x1  }
0x5a2: {  	v5 =	vadd.s32 v2, v5;
	_ =	sdelay $0x3  }
0x5a3: {  	v4 =	vperm.xlane v4, v3  }
0x5a4: {  	[tilespmem:s13], [sflag:$0x1] =	stream.indirect_vreg.gather [hbm4b:s1+s3], $0x80, v5, vm0, $0xb8;
	[tilespmem:$0x12300] =	vst v63  }
0x5a5: {  	v4 =	vadd.s32 v2, v4  }
0x5a6: {  	[tilespmem:s2], [sflag:$0x1] =	stream.indirect_vreg.gather [hbm4b:s5+s3], $0x80, v5, vm0, $0xb8;
	[tilespmem:$0x12300] =	vst v63  }
0x5a7: {  	_ = 	snop  }
0x5a8: {  	[tilespmem:s0], [sflag:$0x1] =	stream.indirect_vreg.gather [hbm4b:s7+s3], $0x80, v5, vm0, $0xb8;
	[tilespmem:$0x12300] =	vst v63  }
0x5a9: {  	_ = 	snop  }
0x5aa: {  	[tilespmem:s19], [sflag:$0x1] =	stream.indirect_vreg.gather [hbm4b:s1+s3], $0x80, v4, vm0, $0xb8;
	[tilespmem:$0x12300] =	vst v63  }
0x5ab: {  	_ = 	snop  }
0x5ac: {  	[tilespmem:s20], [sflag:$0x1] =	stream.indirect_vreg.gather [hbm4b:s5+s3], $0x80, v4, vm0, $0xb8;
	[tilespmem:$0x12300] =	vst v63  }
0x5ad: {  	_ = 	snop  }
0x5ae: {  	[tilespmem:s21], [sflag:$0x1] =	stream.indirect_vreg.gather [hbm4b:s7+s3], $0x80, v4, vm0, $0xb8;
	[tilespmem:$0x12300] =	vst v63  }
0x5af: {  	v4 =	vld [tilespmem:$0x150];
	_ =	sdelay $0x4  }
0x5b0: {  	v5 =	vshrl.u32 v4, $0x3  }
0x5b1: {  	v5 =	vmul.u32 $0x30, v5  }
0x5b2: {  	v4 =	vand.u32 $0x7, v4  }
0x5b3: {  	v4 =	vor.u32 v4, v5  }
0x5b4: {  	v5 =	vperm.xlane v4, v1;
	_ =	sdelay $0x1  }
0x5b5: {  	v5 =	vadd.s32 v2, v5;
	_ =	sdelay $0x3  }
0x5b6: {  	v4 =	vperm.xlane v4, v3  }
0x5b7: {  	[tilespmem:s22], [sflag:$0x1] =	stream.indirect_vreg.gather [hbm4b:s1+s3], $0x80, v5, vm0, $0xb8;
	[tilespmem:$0x12300] =	vst v63  }
0x5b8: {  	v4 =	vadd.s32 v2, v4  }
0x5b9: {  	[tilespmem:s23], [sflag:$0x1] =	stream.indirect_vreg.gather [hbm4b:s5+s3], $0x80, v5, vm0, $0xb8;
	[tilespmem:$0x12300] =	vst v63  }
0x5ba: {  	_ = 	snop  }
0x5bb: {  	[tilespmem:s24], [sflag:$0x1] =	stream.indirect_vreg.gather [hbm4b:s7+s3], $0x80, v5, vm0, $0xb8;
	[tilespmem:$0x12300] =	vst v63  }
0x5bc: {  	_ = 	snop  }
0x5bd: {  	[tilespmem:s26], [sflag:$0x1] =	stream.indirect_vreg.gather [hbm4b:s1+s3], $0x80, v4, vm0, $0xb8;
	[tilespmem:$0x12300] =	vst v63  }
0x5be: {  	_ = 	snop  }
0x5bf: {  	[tilespmem:s28], [sflag:$0x1] =	stream.indirect_vreg.gather [hbm4b:s5+s3], $0x80, v4, vm0, $0xb8;
	[tilespmem:$0x12300] =	vst v63  }
0x5c0: {  	_ = 	snop  }
0x5c1: {  	[tilespmem:s6], [sflag:$0x1] =	stream.indirect_vreg.gather [hbm4b:s7+s3], $0x80, v4, vm0, $0xb8;
	[tilespmem:$0x12300] =	vst v63  }
0x5c2: {  	_ =	swait.ge [sflag:s25], $0x6000  }
0x5c3: {  	[sflag:s25] =	ssyncset.done $0x0  }
0x5c4: {  	s18 =	rddreg [dreg:$0xa];
	[sflag:s25] =	ssyncadd.s32 $0xFFFFA000  }
0x5c5: {  	[hbm4b:s18+s3] =	stream.linear.scatter [tilespmem:s13], [sflag:$0x2], $0x6000, $0x38;
	[tilespmem:$0x12300] =	vst v63  }
0x5c6: {  	_ =	swait.ge [sflag:s29], $0x6000  }
0x5c7: {  	[sflag:s29] =	ssyncset.done $0x0  }
0x5c8: {  	s30 =	rddreg [dreg:$0x12];
	[sflag:s29] =	ssyncadd.s32 $0xFFFFA000  }
0x5c9: {  	[hbm4b:s30+s3] =	stream.linear.scatter [tilespmem:s8], [sflag:$0x2], $0x6000, $0x38;
	[tilespmem:$0x12300] =	vst v63  }
0x5ca: {  	_ =	swait.ge [sflag:s29], $0x6000  }
0x5cb: {  	[sflag:s29] =	ssyncset.done $0x0  }
0x5cc: {  	[sflag:s29] =	ssyncadd.s32 $0xFFFFA000  }
0x5cd: {  	v4 =	vld [tilespmem:$0x180];
	_ =	sdelay $0x4  }
0x5ce: {  	v5 =	vshrl.u32 v4, $0x3  }
0x5cf: {  	v5 =	vmul.u32 $0x30, v5  }
0x5d0: {  	v4 =	vand.u32 $0x7, v4  }
0x5d1: {  	v4 =	vor.u32 v4, v5  }
0x5d2: {  	v5 =	vperm.xlane v4, v1;
	_ =	sdelay $0x1  }
0x5d3: {  	v5 =	vadd.s32 v2, v5;
	_ =	sdelay $0x3  }
0x5d4: {  	v4 =	vperm.xlane v4, v3  }
0x5d5: {  	[tilespmem:s13], [sflag:$0x1] =	stream.indirect_vreg.gather [hbm4b:s1+s3], $0x80, v5, vm0, $0xb8;
	[tilespmem:$0x12300] =	vst v63  }
0x5d6: {  	v4 =	vadd.s32 v2, v4  }
0x5d7: {  	[tilespmem:s2], [sflag:$0x1] =	stream.indirect_vreg.gather [hbm4b:s5+s3], $0x80, v5, vm0, $0xb8;
	[tilespmem:$0x12300] =	vst v63  }
0x5d8: {  	_ = 	snop  }
0x5d9: {  	[tilespmem:s0], [sflag:$0x1] =	stream.indirect_vreg.gather [hbm4b:s7+s3], $0x80, v5, vm0, $0xb8;
	[tilespmem:$0x12300] =	vst v63  }
0x5da: {  	_ = 	snop  }
0x5db: {  	[tilespmem:s19], [sflag:$0x1] =	stream.indirect_vreg.gather [hbm4b:s1+s3], $0x80, v4, vm0, $0xb8;
	[tilespmem:$0x12300] =	vst v63  }
0x5dc: {  	_ = 	snop  }
0x5dd: {  	[tilespmem:s20], [sflag:$0x1] =	stream.indirect_vreg.gather [hbm4b:s5+s3], $0x80, v4, vm0, $0xb8;
	[tilespmem:$0x12300] =	vst v63  }
0x5de: {  	_ = 	snop  }
0x5df: {  	[tilespmem:s21], [sflag:$0x1] =	stream.indirect_vreg.gather [hbm4b:s7+s3], $0x80, v4, vm0, $0xb8;
	[tilespmem:$0x12300] =	vst v63  }
0x5e0: {  	v4 =	vld [tilespmem:$0x190];
	_ =	sdelay $0x4  }
0x5e1: {  	v5 =	vshrl.u32 v4, $0x3  }
0x5e2: {  	v5 =	vmul.u32 $0x30, v5  }
0x5e3: {  	v4 =	vand.u32 $0x7, v4  }
0x5e4: {  	v4 =	vor.u32 v4, v5  }
0x5e5: {  	v5 =	vperm.xlane v4, v1;
	_ =	sdelay $0x1  }
0x5e6: {  	v5 =	vadd.s32 v2, v5;
	_ =	sdelay $0x3  }
0x5e7: {  	v4 =	vperm.xlane v4, v3  }
0x5e8: {  	[tilespmem:s22], [sflag:$0x1] =	stream.indirect_vreg.gather [hbm4b:s1+s3], $0x80, v5, vm0, $0xb8;
	[tilespmem:$0x12300] =	vst v63  }
0x5e9: {  	v4 =	vadd.s32 v2, v4  }
0x5ea: {  	[tilespmem:s23], [sflag:$0x1] =	stream.indirect_vreg.gather [hbm4b:s5+s3], $0x80, v5, vm0, $0xb8;
	[tilespmem:$0x12300] =	vst v63  }
0x5eb: {  	_ = 	snop  }
0x5ec: {  	[tilespmem:s24], [sflag:$0x1] =	stream.indirect_vreg.gather [hbm4b:s7+s3], $0x80, v5, vm0, $0xb8;
	[tilespmem:$0x12300] =	vst v63  }
0x5ed: {  	_ = 	snop  }
0x5ee: {  	[tilespmem:s26], [sflag:$0x1] =	stream.indirect_vreg.gather [hbm4b:s1+s3], $0x80, v4, vm0, $0xb8;
	[tilespmem:$0x12300] =	vst v63  }
0x5ef: {  	_ = 	snop  }
0x5f0: {  	[tilespmem:s28], [sflag:$0x1] =	stream.indirect_vreg.gather [hbm4b:s5+s3], $0x80, v4, vm0, $0xb8;
	[tilespmem:$0x12300] =	vst v63  }
0x5f1: {  	_ = 	snop  }
0x5f2: {  	[tilespmem:s6], [sflag:$0x1] =	stream.indirect_vreg.gather [hbm4b:s7+s3], $0x80, v4, vm0, $0xb8;
	[tilespmem:$0x12300] =	vst v63  }
0x5f3: {  	_ =	swait.ge [sflag:s25], $0x6000  }
0x5f4: {  	[sflag:s25] =	ssyncset.done $0x0  }
0x5f5: {  	s31 =	rddreg [dreg:$0xb];
	[sflag:s25] =	ssyncadd.s32 $0xFFFFA000  }
0x5f6: {  	[hbm4b:s31+s3] =	stream.linear.scatter [tilespmem:s13], [sflag:$0x2], $0x6000, $0x38;
	[tilespmem:$0x12300] =	vst v63  }
0x5f7: {  	_ =	swait.ge [sflag:s29], $0x6000  }
0x5f8: {  	[sflag:s29] =	ssyncset.done $0x0  }
0x5f9: {  	s9 =	rddreg [dreg:$0x13];
	[sflag:s29] =	ssyncadd.s32 $0xFFFFA000  }
0x5fa: {  	[hbm4b:s9+s3] =	stream.linear.scatter [tilespmem:s8], [sflag:$0x2], $0x6000, $0x38;
	[tilespmem:$0x12300] =	vst v63  }
0x5fb: {  	_ =	swait.ge [sflag:s29], $0x6000  }
0x5fc: {  	[sflag:s29] =	ssyncset.done $0x0  }
0x5fd: {  	[sflag:s29] =	ssyncadd.s32 $0xFFFFA000  }
0x5fe: {  	v4 =	vld [tilespmem:$0x1C0];
	_ =	sdelay $0x4  }
0x5ff: {  	v5 =	vshrl.u32 v4, $0x3  }
0x600: {  	v5 =	vmul.u32 $0x30, v5  }
0x601: {  	v4 =	vand.u32 $0x7, v4  }
0x602: {  	v4 =	vor.u32 v4, v5  }
0x603: {  	v5 =	vperm.xlane v4, v1;
	_ =	sdelay $0x1  }
0x604: {  	v5 =	vadd.s32 v2, v5;
	_ =	sdelay $0x3  }
0x605: {  	v4 =	vperm.xlane v4, v3  }
0x606: {  	[tilespmem:s13], [sflag:$0x1] =	stream.indirect_vreg.gather [hbm4b:s1+s3], $0x80, v5, vm0, $0xb8;
	[tilespmem:$0x12300] =	vst v63  }
0x607: {  	v4 =	vadd.s32 v2, v4  }
0x608: {  	[tilespmem:s2], [sflag:$0x1] =	stream.indirect_vreg.gather [hbm4b:s5+s3], $0x80, v5, vm0, $0xb8;
	[tilespmem:$0x12300] =	vst v63  }
0x609: {  	_ = 	snop  }
0x60a: {  	[tilespmem:s0], [sflag:$0x1] =	stream.indirect_vreg.gather [hbm4b:s7+s3], $0x80, v5, vm0, $0xb8;
	[tilespmem:$0x12300] =	vst v63  }
0x60b: {  	_ = 	snop  }
0x60c: {  	[tilespmem:s19], [sflag:$0x1] =	stream.indirect_vreg.gather [hbm4b:s1+s3], $0x80, v4, vm0, $0xb8;
	[tilespmem:$0x12300] =	vst v63  }
0x60d: {  	_ = 	snop  }
0x60e: {  	[tilespmem:s20], [sflag:$0x1] =	stream.indirect_vreg.gather [hbm4b:s5+s3], $0x80, v4, vm0, $0xb8;
	[tilespmem:$0x12300] =	vst v63  }
0x60f: {  	_ = 	snop  }
0x610: {  	[tilespmem:s21], [sflag:$0x1] =	stream.indirect_vreg.gather [hbm4b:s7+s3], $0x80, v4, vm0, $0xb8;
	[tilespmem:$0x12300] =	vst v63  }
0x611: {  	v4 =	vld [tilespmem:$0x1D0];
	_ =	sdelay $0x4  }
0x612: {  	v5 =	vshrl.u32 v4, $0x3  }
0x613: {  	v5 =	vmul.u32 $0x30, v5  }
0x614: {  	v4 =	vand.u32 $0x7, v4  }
0x615: {  	v4 =	vor.u32 v4, v5  }
0x616: {  	v5 =	vperm.xlane v4, v1;
	_ =	sdelay $0x1  }
0x617: {  	v5 =	vadd.s32 v2, v5;
	_ =	sdelay $0x3  }
0x618: {  	v4 =	vperm.xlane v4, v3  }
0x619: {  	[tilespmem:s22], [sflag:$0x1] =	stream.indirect_vreg.gather [hbm4b:s1+s3], $0x80, v5, vm0, $0xb8;
	[tilespmem:$0x12300] =	vst v63  }
0x61a: {  	v4 =	vadd.s32 v2, v4  }
0x61b: {  	[tilespmem:s23], [sflag:$0x1] =	stream.indirect_vreg.gather [hbm4b:s5+s3], $0x80, v5, vm0, $0xb8;
	[tilespmem:$0x12300] =	vst v63  }
0x61c: {  	_ = 	snop  }
0x61d: {  	[tilespmem:s24], [sflag:$0x1] =	stream.indirect_vreg.gather [hbm4b:s7+s3], $0x80, v5, vm0, $0xb8;
	[tilespmem:$0x12300] =	vst v63  }
0x61e: {  	_ = 	snop  }
0x61f: {  	[tilespmem:s26], [sflag:$0x1] =	stream.indirect_vreg.gather [hbm4b:s1+s3], $0x80, v4, vm0, $0xb8;
	[tilespmem:$0x12300] =	vst v63  }
0x620: {  	_ = 	snop  }
0x621: {  	[tilespmem:s28], [sflag:$0x1] =	stream.indirect_vreg.gather [hbm4b:s5+s3], $0x80, v4, vm0, $0xb8;
	[tilespmem:$0x12300] =	vst v63  }
0x622: {  	_ = 	snop  }
0x623: {  	[tilespmem:s6], [sflag:$0x1] =	stream.indirect_vreg.gather [hbm4b:s7+s3], $0x80, v4, vm0, $0xb8;
	[tilespmem:$0x12300] =	vst v63  }
0x624: {  	_ =	swait.ge [sflag:s25], $0x6000  }
0x625: {  	[sflag:s25] =	ssyncset.done $0x0  }
0x626: {  	s10 =	rddreg [dreg:$0xc];
	[sflag:s25] =	ssyncadd.s32 $0xFFFFA000  }
0x627: {  	[hbm4b:s10+s3] =	stream.linear.scatter [tilespmem:s13], [sflag:$0x2], $0x6000, $0x38;
	[tilespmem:$0x12300] =	vst v63  }
0x628: {  	_ =	swait.ge [sflag:s29], $0x6000  }
0x629: {  	[sflag:s29] =	ssyncset.done $0x0  }
0x62a: {  	s11 =	rddreg [dreg:$0x14];
	[sflag:s29] =	ssyncadd.s32 $0xFFFFA000  }
0x62b: {  	[hbm4b:s11+s3] =	stream.linear.scatter [tilespmem:s8], [sflag:$0x2], $0x6000, $0x38;
	[tilespmem:$0x12300] =	vst v63  }
0x62c: {  	_ =	swait.ge [sflag:s29], $0x6000  }
0x62d: {  	[sflag:s29] =	ssyncset.done $0x0  }
0x62e: {  	[sflag:s29] =	ssyncadd.s32 $0xFFFFA000  }
0x62f: {  	v4 =	vld [tilespmem:$0x200];
	_ =	sdelay $0x4  }
0x630: {  	v5 =	vshrl.u32 v4, $0x3  }
0x631: {  	v5 =	vmul.u32 $0x30, v5  }
0x632: {  	v4 =	vand.u32 $0x7, v4  }
0x633: {  	v4 =	vor.u32 v4, v5  }
0x634: {  	v5 =	vperm.xlane v4, v1;
	_ =	sdelay $0x1  }
0x635: {  	v5 =	vadd.s32 v2, v5;
	_ =	sdelay $0x3  }
0x636: {  	v4 =	vperm.xlane v4, v3  }
0x637: {  	[tilespmem:s13], [sflag:$0x1] =	stream.indirect_vreg.gather [hbm4b:s1+s3], $0x80, v5, vm0, $0xb8;
	[tilespmem:$0x12300] =	vst v63  }
0x638: {  	v4 =	vadd.s32 v2, v4  }
0x639: {  	[tilespmem:s2], [sflag:$0x1] =	stream.indirect_vreg.gather [hbm4b:s5+s3], $0x80, v5, vm0, $0xb8;
	[tilespmem:$0x12300] =	vst v63  }
0x63a: {  	_ = 	snop  }
0x63b: {  	[tilespmem:s0], [sflag:$0x1] =	stream.indirect_vreg.gather [hbm4b:s7+s3], $0x80, v5, vm0, $0xb8;
	[tilespmem:$0x12300] =	vst v63  }
0x63c: {  	_ = 	snop  }
0x63d: {  	[tilespmem:s19], [sflag:$0x1] =	stream.indirect_vreg.gather [hbm4b:s1+s3], $0x80, v4, vm0, $0xb8;
	[tilespmem:$0x12300] =	vst v63  }
0x63e: {  	_ = 	snop  }
0x63f: {  	[tilespmem:s20], [sflag:$0x1] =	stream.indirect_vreg.gather [hbm4b:s5+s3], $0x80, v4, vm0, $0xb8;
	[tilespmem:$0x12300] =	vst v63  }
0x640: {  	_ = 	snop  }
0x641: {  	[tilespmem:s21], [sflag:$0x1] =	stream.indirect_vreg.gather [hbm4b:s7+s3], $0x80, v4, vm0, $0xb8;
	[tilespmem:$0x12300] =	vst v63  }
0x642: {  	v4 =	vld [tilespmem:$0x210];
	_ =	sdelay $0x4  }
0x643: {  	v5 =	vshrl.u32 v4, $0x3  }
0x644: {  	v5 =	vmul.u32 $0x30, v5  }
0x645: {  	v4 =	vand.u32 $0x7, v4  }
0x646: {  	v4 =	vor.u32 v4, v5  }
0x647: {  	v5 =	vperm.xlane v4, v1;
	_ =	sdelay $0x1  }
0x648: {  	v5 =	vadd.s32 v2, v5;
	_ =	sdelay $0x3  }
0x649: {  	v4 =	vperm.xlane v4, v3  }
0x64a: {  	[tilespmem:s22], [sflag:$0x1] =	stream.indirect_vreg.gather [hbm4b:s1+s3], $0x80, v5, vm0, $0xb8;
	[tilespmem:$0x12300] =	vst v63  }
0x64b: {  	v4 =	vadd.s32 v2, v4  }
0x64c: {  	[tilespmem:s23], [sflag:$0x1] =	stream.indirect_vreg.gather [hbm4b:s5+s3], $0x80, v5, vm0, $0xb8;
	[tilespmem:$0x12300] =	vst v63  }
0x64d: {  	_ = 	snop  }
0x64e: {  	[tilespmem:s24], [sflag:$0x1] =	stream.indirect_vreg.gather [hbm4b:s7+s3], $0x80, v5, vm0, $0xb8;
	[tilespmem:$0x12300] =	vst v63  }
0x64f: {  	_ = 	snop  }
0x650: {  	[tilespmem:s26], [sflag:$0x1] =	stream.indirect_vreg.gather [hbm4b:s1+s3], $0x80, v4, vm0, $0xb8;
	[tilespmem:$0x12300] =	vst v63  }
0x651: {  	_ = 	snop  }
0x652: {  	[tilespmem:s28], [sflag:$0x1] =	stream.indirect_vreg.gather [hbm4b:s5+s3], $0x80, v4, vm0, $0xb8;
	[tilespmem:$0x12300] =	vst v63  }
0x653: {  	_ = 	snop  }
0x654: {  	[tilespmem:s6], [sflag:$0x1] =	stream.indirect_vreg.gather [hbm4b:s7+s3], $0x80, v4, vm0, $0xb8;
	[tilespmem:$0x12300] =	vst v63  }
0x655: {  	_ =	swait.ge [sflag:s25], $0x6000  }
0x656: {  	[sflag:s25] =	ssyncset.done $0x0  }
0x657: {  	s12 =	rddreg [dreg:$0xd];
	[sflag:s25] =	ssyncadd.s32 $0xFFFFA000  }
0x658: {  	[hbm4b:s12+s3] =	stream.linear.scatter [tilespmem:s13], [sflag:$0x2], $0x6000, $0x38;
	[tilespmem:$0x12300] =	vst v63  }
0x659: {  	_ =	swait.ge [sflag:s29], $0x6000  }
0x65a: {  	[sflag:s29] =	ssyncset.done $0x0  }
0x65b: {  	s14 =	rddreg [dreg:$0x15];
	[sflag:s29] =	ssyncadd.s32 $0xFFFFA000  }
0x65c: {  	[hbm4b:s14+s3] =	stream.linear.scatter [tilespmem:s8], [sflag:$0x2], $0x6000, $0x38;
	[tilespmem:$0x12300] =	vst v63  }
0x65d: {  	_ =	swait.ge [sflag:s29], $0x6000  }
0x65e: {  	[sflag:s29] =	ssyncset.done $0x0  }
0x65f: {  	[sflag:s29] =	ssyncadd.s32 $0xFFFFA000  }
0x660: {  	v4 =	vld [tilespmem:$0x240];
	_ =	sdelay $0x4  }
0x661: {  	v5 =	vshrl.u32 v4, $0x3  }
0x662: {  	v5 =	vmul.u32 $0x30, v5  }
0x663: {  	v4 =	vand.u32 $0x7, v4  }
0x664: {  	v4 =	vor.u32 v4, v5  }
0x665: {  	v5 =	vperm.xlane v4, v1;
	_ =	sdelay $0x1  }
0x666: {  	v5 =	vadd.s32 v2, v5;
	_ =	sdelay $0x3  }
0x667: {  	v4 =	vperm.xlane v4, v3  }
0x668: {  	[tilespmem:s13], [sflag:$0x1] =	stream.indirect_vreg.gather [hbm4b:s1+s3], $0x80, v5, vm0, $0xb8;
	[tilespmem:$0x12300] =	vst v63  }
0x669: {  	v4 =	vadd.s32 v2, v4  }
0x66a: {  	[tilespmem:s2], [sflag:$0x1] =	stream.indirect_vreg.gather [hbm4b:s5+s3], $0x80, v5, vm0, $0xb8;
	[tilespmem:$0x12300] =	vst v63  }
0x66b: {  	_ = 	snop  }
0x66c: {  	[tilespmem:s0], [sflag:$0x1] =	stream.indirect_vreg.gather [hbm4b:s7+s3], $0x80, v5, vm0, $0xb8;
	[tilespmem:$0x12300] =	vst v63  }
0x66d: {  	_ = 	snop  }
0x66e: {  	[tilespmem:s19], [sflag:$0x1] =	stream.indirect_vreg.gather [hbm4b:s1+s3], $0x80, v4, vm0, $0xb8;
	[tilespmem:$0x12300] =	vst v63  }
0x66f: {  	_ = 	snop  }
0x670: {  	[tilespmem:s20], [sflag:$0x1] =	stream.indirect_vreg.gather [hbm4b:s5+s3], $0x80, v4, vm0, $0xb8;
	[tilespmem:$0x12300] =	vst v63  }
0x671: {  	_ = 	snop  }
0x672: {  	[tilespmem:s21], [sflag:$0x1] =	stream.indirect_vreg.gather [hbm4b:s7+s3], $0x80, v4, vm0, $0xb8;
	[tilespmem:$0x12300] =	vst v63  }
0x673: {  	v4 =	vld [tilespmem:$0x250];
	_ =	sdelay $0x4  }
0x674: {  	v5 =	vshrl.u32 v4, $0x3  }
0x675: {  	v5 =	vmul.u32 $0x30, v5  }
0x676: {  	v4 =	vand.u32 $0x7, v4  }
0x677: {  	v4 =	vor.u32 v4, v5  }
0x678: {  	v5 =	vperm.xlane v4, v1;
	_ =	sdelay $0x1  }
0x679: {  	v5 =	vadd.s32 v2, v5;
	_ =	sdelay $0x3  }
0x67a: {  	v4 =	vperm.xlane v4, v3  }
0x67b: {  	[tilespmem:s22], [sflag:$0x1] =	stream.indirect_vreg.gather [hbm4b:s1+s3], $0x80, v5, vm0, $0xb8;
	[tilespmem:$0x12300] =	vst v63  }
0x67c: {  	v4 =	vadd.s32 v2, v4  }
0x67d: {  	[tilespmem:s23], [sflag:$0x1] =	stream.indirect_vreg.gather [hbm4b:s5+s3], $0x80, v5, vm0, $0xb8;
	[tilespmem:$0x12300] =	vst v63  }
0x67e: {  	_ = 	snop  }
0x67f: {  	[tilespmem:s24], [sflag:$0x1] =	stream.indirect_vreg.gather [hbm4b:s7+s3], $0x80, v5, vm0, $0xb8;
	[tilespmem:$0x12300] =	vst v63  }
0x680: {  	_ = 	snop  }
0x681: {  	[tilespmem:s26], [sflag:$0x1] =	stream.indirect_vreg.gather [hbm4b:s1+s3], $0x80, v4, vm0, $0xb8;
	[tilespmem:$0x12300] =	vst v63  }
0x682: {  	_ = 	snop  }
0x683: {  	[tilespmem:s28], [sflag:$0x1] =	stream.indirect_vreg.gather [hbm4b:s5+s3], $0x80, v4, vm0, $0xb8;
	[tilespmem:$0x12300] =	vst v63  }
0x684: {  	_ = 	snop  }
0x685: {  	[tilespmem:s6], [sflag:$0x1] =	stream.indirect_vreg.gather [hbm4b:s7+s3], $0x80, v4, vm0, $0xb8;
	[tilespmem:$0x12300] =	vst v63  }
0x686: {  	_ =	swait.ge [sflag:s25], $0x6000  }
0x687: {  	[sflag:s25] =	ssyncset.done $0x0  }
0x688: {  	s15 =	rddreg [dreg:$0xe];
	[sflag:s25] =	ssyncadd.s32 $0xFFFFA000  }
0x689: {  	[hbm4b:s15+s3] =	stream.linear.scatter [tilespmem:s13], [sflag:$0x2], $0x6000, $0x38;
	[tilespmem:$0x12300] =	vst v63  }
0x68a: {  	_ =	swait.ge [sflag:s29], $0x6000  }
0x68b: {  	[sflag:s29] =	ssyncset.done $0x0  }
0x68c: {  	s16 =	rddreg [dreg:$0x16];
	[sflag:s29] =	ssyncadd.s32 $0xFFFFA000  }
0x68d: {  	[hbm4b:s16+s3] =	stream.linear.scatter [tilespmem:s8], [sflag:$0x2], $0x6000, $0x38;
	[tilespmem:$0x12300] =	vst v63  }
0x68e: {  	_ =	swait.ge [sflag:s29], $0x6000  }
0x68f: {  	[sflag:s29] =	ssyncset.done $0x0  }
0x690: {  	[sflag:s29] =	ssyncadd.s32 $0xFFFFA000  }
0x691: {  	v4 =	vld [tilespmem:$0x280];
	_ =	sdelay $0x4  }
0x692: {  	v5 =	vshrl.u32 v4, $0x3  }
0x693: {  	v5 =	vmul.u32 $0x30, v5  }
0x694: {  	v4 =	vand.u32 $0x7, v4  }
0x695: {  	v4 =	vor.u32 v4, v5  }
0x696: {  	v5 =	vperm.xlane v4, v1;
	_ =	sdelay $0x1  }
0x697: {  	v5 =	vadd.s32 v2, v5;
	_ =	sdelay $0x3  }
0x698: {  	v4 =	vperm.xlane v4, v3  }
0x699: {  	[tilespmem:s13], [sflag:$0x1] =	stream.indirect_vreg.gather [hbm4b:s1+s3], $0x80, v5, vm0, $0xb8;
	[tilespmem:$0x12300] =	vst v63  }
0x69a: {  	v4 =	vadd.s32 v2, v4  }
0x69b: {  	[tilespmem:s2], [sflag:$0x1] =	stream.indirect_vreg.gather [hbm4b:s5+s3], $0x80, v5, vm0, $0xb8;
	[tilespmem:$0x12300] =	vst v63  }
0x69c: {  	_ = 	snop  }
0x69d: {  	[tilespmem:s0], [sflag:$0x1] =	stream.indirect_vreg.gather [hbm4b:s7+s3], $0x80, v5, vm0, $0xb8;
	[tilespmem:$0x12300] =	vst v63  }
0x69e: {  	_ = 	snop  }
0x69f: {  	[tilespmem:s19], [sflag:$0x1] =	stream.indirect_vreg.gather [hbm4b:s1+s3], $0x80, v4, vm0, $0xb8;
	[tilespmem:$0x12300] =	vst v63  }
0x6a0: {  	_ = 	snop  }
0x6a1: {  	[tilespmem:s20], [sflag:$0x1] =	stream.indirect_vreg.gather [hbm4b:s5+s3], $0x80, v4, vm0, $0xb8;
	[tilespmem:$0x12300] =	vst v63  }
0x6a2: {  	_ = 	snop  }
0x6a3: {  	[tilespmem:s21], [sflag:$0x1] =	stream.indirect_vreg.gather [hbm4b:s7+s3], $0x80, v4, vm0, $0xb8;
	[tilespmem:$0x12300] =	vst v63  }
0x6a4: {  	v4 =	vld [tilespmem:$0x290];
	_ =	sdelay $0x4  }
0x6a5: {  	v5 =	vshrl.u32 v4, $0x3  }
0x6a6: {  	v5 =	vmul.u32 $0x30, v5  }
0x6a7: {  	v4 =	vand.u32 $0x7, v4  }
0x6a8: {  	v4 =	vor.u32 v4, v5  }
0x6a9: {  	v5 =	vperm.xlane v4, v1;
	_ =	sdelay $0x1  }
0x6aa: {  	v5 =	vadd.s32 v2, v5;
	_ =	sdelay $0x3  }
0x6ab: {  	v4 =	vperm.xlane v4, v3  }
0x6ac: {  	[tilespmem:s22], [sflag:$0x1] =	stream.indirect_vreg.gather [hbm4b:s1+s3], $0x80, v5, vm0, $0xb8;
	[tilespmem:$0x12300] =	vst v63  }
0x6ad: {  	v4 =	vadd.s32 v2, v4  }
0x6ae: {  	[tilespmem:s23], [sflag:$0x1] =	stream.indirect_vreg.gather [hbm4b:s5+s3], $0x80, v5, vm0, $0xb8;
	[tilespmem:$0x12300] =	vst v63  }
0x6af: {  	_ = 	snop  }
0x6b0: {  	[tilespmem:s24], [sflag:$0x1] =	stream.indirect_vreg.gather [hbm4b:s7+s3], $0x80, v5, vm0, $0xb8;
	[tilespmem:$0x12300] =	vst v63  }
0x6b1: {  	_ = 	snop  }
0x6b2: {  	[tilespmem:s26], [sflag:$0x1] =	stream.indirect_vreg.gather [hbm4b:s1+s3], $0x80, v4, vm0, $0xb8;
	[tilespmem:$0x12300] =	vst v63  }
0x6b3: {  	_ = 	snop  }
0x6b4: {  	[tilespmem:s28], [sflag:$0x1] =	stream.indirect_vreg.gather [hbm4b:s5+s3], $0x80, v4, vm0, $0xb8;
	[tilespmem:$0x12300] =	vst v63  }
0x6b5: {  	_ = 	snop  }
0x6b6: {  	[tilespmem:s6], [sflag:$0x1] =	stream.indirect_vreg.gather [hbm4b:s7+s3], $0x80, v4, vm0, $0xb8;
	[tilespmem:$0x12300] =	vst v63  }
0x6b7: {  	_ =	swait.ge [sflag:s25], $0x6000  }
0x6b8: {  	[sflag:s25] =	ssyncset.done $0x0  }
0x6b9: {  	s17 =	rddreg [dreg:$0xf];
	[sflag:s25] =	ssyncadd.s32 $0xFFFFA000  }
0x6ba: {  	[hbm4b:s17+s3] =	stream.linear.scatter [tilespmem:s13], [sflag:$0x2], $0x6000, $0x38;
	[tilespmem:$0x12300] =	vst v63  }
0x6bb: {  	_ =	swait.ge [sflag:s29], $0x6000  }
0x6bc: {  	[sflag:s29] =	ssyncset.done $0x0  }
0x6bd: {  	s18 =	rddreg [dreg:$0x18];
	[sflag:s29] =	ssyncadd.s32 $0xFFFFA000  }
0x6be: {  	[hbm4b:s18+s3] =	stream.linear.scatter [tilespmem:s8], [sflag:$0x2], $0x6000, $0x38;
	[tilespmem:$0x12300] =	vst v63  }
0x6bf: {  	_ =	swait.ge [sflag:s29], $0x6000  }
0x6c0: {  	[sflag:s29] =	ssyncset.done $0x0  }
0x6c1: {  	[sflag:s29] =	ssyncadd.s32 $0xFFFFA000  }
0x6c2: {  	v4 =	vld [tilespmem:$0x2C0];
	_ =	sdelay $0x4  }
0x6c3: {  	v5 =	vshrl.u32 v4, $0x3  }
0x6c4: {  	v5 =	vmul.u32 $0x30, v5  }
0x6c5: {  	v4 =	vand.u32 $0x7, v4  }
0x6c6: {  	v4 =	vor.u32 v4, v5  }
0x6c7: {  	v5 =	vperm.xlane v4, v1;
	_ =	sdelay $0x1  }
0x6c8: {  	v5 =	vadd.s32 v2, v5;
	_ =	sdelay $0x3  }
0x6c9: {  	v4 =	vperm.xlane v4, v3  }
0x6ca: {  	[tilespmem:s13], [sflag:$0x1] =	stream.indirect_vreg.gather [hbm4b:s1+s3], $0x80, v5, vm0, $0xb8;
	[tilespmem:$0x12300] =	vst v63  }
0x6cb: {  	v4 =	vadd.s32 v2, v4  }
0x6cc: {  	[tilespmem:s2], [sflag:$0x1] =	stream.indirect_vreg.gather [hbm4b:s5+s3], $0x80, v5, vm0, $0xb8;
	[tilespmem:$0x12300] =	vst v63  }
0x6cd: {  	_ = 	snop  }
0x6ce: {  	[tilespmem:s0], [sflag:$0x1] =	stream.indirect_vreg.gather [hbm4b:s7+s3], $0x80, v5, vm0, $0xb8;
	[tilespmem:$0x12300] =	vst v63  }
0x6cf: {  	_ = 	snop  }
0x6d0: {  	[tilespmem:s19], [sflag:$0x1] =	stream.indirect_vreg.gather [hbm4b:s1+s3], $0x80, v4, vm0, $0xb8;
	[tilespmem:$0x12300] =	vst v63  }
0x6d1: {  	_ = 	snop  }
0x6d2: {  	[tilespmem:s20], [sflag:$0x1] =	stream.indirect_vreg.gather [hbm4b:s5+s3], $0x80, v4, vm0, $0xb8;
	[tilespmem:$0x12300] =	vst v63  }
0x6d3: {  	_ = 	snop  }
0x6d4: {  	[tilespmem:s21], [sflag:$0x1] =	stream.indirect_vreg.gather [hbm4b:s7+s3], $0x80, v4, vm0, $0xb8;
	[tilespmem:$0x12300] =	vst v63  }
0x6d5: {  	v4 =	vld [tilespmem:$0x2D0];
	_ =	sdelay $0x4  }
0x6d6: {  	v5 =	vshrl.u32 v4, $0x3  }
0x6d7: {  	v5 =	vmul.u32 $0x30, v5  }
0x6d8: {  	v4 =	vand.u32 $0x7, v4  }
0x6d9: {  	v4 =	vor.u32 v4, v5  }
0x6da: {  	v5 =	vperm.xlane v4, v1;
	_ =	sdelay $0x1  }
0x6db: {  	v5 =	vadd.s32 v2, v5;
	_ =	sdelay $0x3  }
0x6dc: {  	v4 =	vperm.xlane v4, v3  }
0x6dd: {  	[tilespmem:s22], [sflag:$0x1] =	stream.indirect_vreg.gather [hbm4b:s1+s3], $0x80, v5, vm0, $0xb8;
	[tilespmem:$0x12300] =	vst v63  }
0x6de: {  	v4 =	vadd.s32 v2, v4  }
0x6df: {  	[tilespmem:s23], [sflag:$0x1] =	stream.indirect_vreg.gather [hbm4b:s5+s3], $0x80, v5, vm0, $0xb8;
	[tilespmem:$0x12300] =	vst v63  }
0x6e0: {  	_ = 	snop  }
0x6e1: {  	[tilespmem:s24], [sflag:$0x1] =	stream.indirect_vreg.gather [hbm4b:s7+s3], $0x80, v5, vm0, $0xb8;
	[tilespmem:$0x12300] =	vst v63  }
0x6e2: {  	_ = 	snop  }
0x6e3: {  	[tilespmem:s26], [sflag:$0x1] =	stream.indirect_vreg.gather [hbm4b:s1+s3], $0x80, v4, vm0, $0xb8;
	[tilespmem:$0x12300] =	vst v63  }
0x6e4: {  	_ = 	snop  }
0x6e5: {  	[tilespmem:s28], [sflag:$0x1] =	stream.indirect_vreg.gather [hbm4b:s5+s3], $0x80, v4, vm0, $0xb8;
	[tilespmem:$0x12300] =	vst v63  }
0x6e6: {  	_ = 	snop  }
0x6e7: {  	[tilespmem:s6], [sflag:$0x1] =	stream.indirect_vreg.gather [hbm4b:s7+s3], $0x80, v4, vm0, $0xb8;
	[tilespmem:$0x12300] =	vst v63  }
0x6e8: {  	s6 =	rddreg [dreg:$0x1a];
	_ =	swait.ge [sflag:s25], $0x6000  }
0x6e9: {  	[sflag:s25] =	ssyncset.done $0x0  }
0x6ea: {  	s30 =	rddreg [dreg:$0x10];
	[sflag:s25] =	ssyncadd.s32 $0xFFFFA000  }
0x6eb: {  	[hbm4b:s30+s3] =	stream.linear.scatter [tilespmem:s13], [sflag:$0x2], $0x6000, $0x38;
	[tilespmem:$0x12300] =	vst v63  }
0x6ec: {  	_ =	swait.ge [sflag:s29], $0x6000  }
0x6ed: {  	[sflag:s29] =	ssyncset.done $0x0  }
.Ltmp5:
0x6ee: {  	s31 =	rddreg [dreg:$0x19];
	[sflag:s29] =	ssyncadd.s32 $0xFFFFA000;
	(pc) =	sbr.rel .LBB2_7-.Ltmp5, $4  }
0x6ef: {  	[hbm4b:s31+s3] =	stream.linear.scatter [tilespmem:s8], [sflag:$0x2], $0x6000, $0x38;
	[tilespmem:$0x12300] =	vst v63  }
0x6f0: {  	_ =	swait.ge [sflag:s29], $0x6000  }
0x6f1: {  	[sflag:s29] =	ssyncset.done $0x0  }
0x6f2: {  	[sflag:s29] =	ssyncadd.s32 $0xFFFFA000  }
.LBB2_8:
0x6f3: {  	_ =	sfence.sel $0x180000  }
0x6f4: {  	[bflag:$0x0] =	sbarrier.arrive $0xFFFF  }
0x6f5: {  	_ =	strace $0x90000047  }
0x6f6: {  	s0 =	stileid.u32;
	[bflag:$0x2] =	sbarrier.arrive $0xFFFF  }
0x6f7: {  	p0 =	sne.s32 s0, $0x0;
	s0 =	rddreg [dreg:$0x3]  }
0x6f8: {  	s0 =	sadd.s32 @!p0 $0x100000, s0  }
0x6f9: {  	[sflag:s0] =	ssyncadd.tile.s32 @!p0 $0x1;
	_ =	shalt  }
.Lfunc_end2:
_tile_overlayer_lowered:
.L_overlay_start_2:
0x6fa: {  	(tag) =	ssettag $0x2  }
0x6fb: {  	s0 =	rddreg [dreg:$0x0];
	s2 =	stileid.u32  }
0x6fc: {  	s1 =	rddreg [dreg:$0x1];
	p0 =	sne.s32 s2, $0x0  }
0x6fd: {  	s3 =	rddreg [dreg:$0x2];
	[bflag:$0x3] =	sbarrier.arrive $0xFFFF;
	s2 =	simm.s32 @!p0 $0x1C02  }
0x6fe: {  	[timem:s3], [sflag:s2] =	dma.local @!p0 [hbm:s0], s1  }
0x6ff: {  	s0 =	simm.s32 @!p0 $0x2  }
0x700: {  	_ =	swait.ge @!p0 [sflag:s0], s1  }
0x701: {  	s1 =	ssub.s32 @!p0 $0x0, s1;
	[sflag:s0] =	ssyncset.done @!p0 $0x0  }
0x702: {  	[sflag:s0] =	ssyncadd.s32 @!p0 s1  }
0x703: {  	[bflag:$0x3] =	sbarrier.arrive $0xFFFF  }
0x704: {  	_ =	shalt  }

</sc_bundles>
